<compile_context>
chip_gen: v7x
topology: tpu7x:2x2x1
jax: 0.10.2.dev20260603
libtpu: 0.0.44.dev20260713+nightly
codegen_flags: <defaults>
</compile_context>

<pallas_src>
from functools import partial

import jax
import jax.numpy as jnp
from jax.experimental import pallas as pl

F = 256
K_NEIG = 16



def _mm_nt_kernel(a_ref, w_ref, bias_ref, o_ref, *, act):
    acc = jax.lax.dot_general(
        a_ref[...], w_ref[...], (((1,), (1,)), ((), ())),
        preferred_element_type=jnp.float32)
    acc = acc + bias_ref[...]
    if act == "relu":
        acc = jnp.maximum(acc, 0.0)
    elif act == "sigmoid":
        acc = jax.nn.sigmoid(acc)
    o_ref[...] = acc


def _matmul_nt(a, w, bias=None, act=None, bm=256):
    m, k = a.shape
    n, _ = w.shape
    bm = min(bm, m)
    if bias is None:
        bias = jnp.zeros((n,), jnp.float32)
    bias2 = bias.reshape(1, n)
    return pl.pallas_call(
        partial(_mm_nt_kernel, act=act),
        grid=(m // bm,),
        in_specs=[
            pl.BlockSpec((bm, k), lambda i: (i, 0)),
            pl.BlockSpec((n, k), lambda i: (0, 0)),
            pl.BlockSpec((1, n), lambda i: (0, 0)),
        ],
        out_specs=pl.BlockSpec((bm, n), lambda i: (i, 0)),
        out_shape=jax.ShapeDtypeStruct((m, n), jnp.float32),
    )(a, w, bias2)


def _mm_tt_kernel(a_ref, w_ref, bias_ref, o_ref):
    acc = jax.lax.dot_general(
        a_ref[...], w_ref[...], (((0,), (1,)), ((), ())),
        preferred_element_type=jnp.float32)
    o_ref[...] = acc + bias_ref[...]


def _matmul_tt(a, w, bias, bm=256):
    k, m = a.shape
    n, _ = w.shape
    bm = min(bm, m)
    bias2 = bias.reshape(1, n)
    return pl.pallas_call(
        _mm_tt_kernel,
        grid=(m // bm,),
        in_specs=[
            pl.BlockSpec((k, bm), lambda i: (0, i)),
            pl.BlockSpec((n, k), lambda i: (0, 0)),
            pl.BlockSpec((1, n), lambda i: (0, 0)),
        ],
        out_specs=pl.BlockSpec((bm, n), lambda i: (i, 0)),
        out_shape=jax.ShapeDtypeStruct((m, n), jnp.float32),
    )(a, w, bias2)


def _mm_nn_kernel(a_ref, b_ref, bias_ref, o_ref, *, act):
    acc = jax.lax.dot_general(
        a_ref[...], b_ref[...], (((1,), (0,)), ((), ())),
        preferred_element_type=jnp.float32)
    acc = acc + bias_ref[...]
    if act == "sigmoid":
        acc = jax.nn.sigmoid(acc)
    o_ref[...] = acc


def _matmul(a, b, bias=None, act=None, bm=256):
    m, k = a.shape
    _, n = b.shape
    bm = min(bm, m)
    if bias is None:
        bias = jnp.zeros((n,), jnp.float32)
    bias2 = bias.reshape(1, n)
    return pl.pallas_call(
        partial(_mm_nn_kernel, act=act),
        grid=(m // bm,),
        in_specs=[
            pl.BlockSpec((bm, k), lambda i: (i, 0)),
            pl.BlockSpec((k, n), lambda i: (0, 0)),
            pl.BlockSpec((1, n), lambda i: (0, 0)),
        ],
        out_specs=pl.BlockSpec((bm, n), lambda i: (i, 0)),
        out_shape=jax.ShapeDtypeStruct((m, n), jnp.float32),
    )(a, b, bias2)



def _knn_full_kernel(xb_ref, x_ref, ht_ref, *, k, n):
    xb = xb_ref[...]
    x = x_ref[...]
    sqb = jnp.sum(xb * xb, axis=1, keepdims=True)
    sq = jnp.sum(x * x, axis=1)[None, :]
    g = jax.lax.dot_general(
        xb, x, (((1,), (1,)), ((), ())),
        preferred_element_type=jnp.float32)
    d2 = jnp.maximum(sqb + sq - 2.0 * g, 0.0)
    avg = jnp.mean(d2, axis=1, keepdims=True) + 1e-8
    w = jnp.exp(-d2 / avg)
    iota = jax.lax.broadcasted_iota(jnp.int32, d2.shape, 1)
    work = d2
    mask = jnp.zeros(d2.shape, jnp.bool_)
    for _ in range(k):
        m = jnp.min(work, axis=1, keepdims=True)
        cand = work == m
        sel = jnp.min(jnp.where(cand, iota, n), axis=1, keepdims=True)
        chosen = iota == sel
        mask = jnp.logical_or(mask, chosen)
        work = jnp.where(chosen, jnp.float32(jnp.inf), work)
    ht_ref[...] = jnp.where(mask, w, 0.0)


def _knn_full(x, br=256):
    n, d = x.shape
    br = min(br, n)
    return pl.pallas_call(
        partial(_knn_full_kernel, k=K_NEIG, n=n),
        grid=(n // br,),
        in_specs=[
            pl.BlockSpec((br, d), lambda i: (i, 0)),
            pl.BlockSpec((n, d), lambda i: (0, 0)),
        ],
        out_specs=pl.BlockSpec((br, n), lambda i: (i, 0)),
        out_shape=jax.ShapeDtypeStruct((n, n), jnp.float32),
    )(x, x)



def _gcn_kernel(a_ref, dinv_ref, dinvb_ref, xw_ref, b_ref, o_ref):
    z = dinv_ref[...] * xw_ref[...]
    acc = jax.lax.dot_general(
        a_ref[...], z, (((1,), (0,)), ((), ())),
        preferred_element_type=jnp.float32)
    o_ref[...] = jnp.maximum(dinvb_ref[...] * acc + b_ref[...], 0.0)


def _gcn(A, dinv, xw, b, br=256):
    n = A.shape[0]
    br = min(br, n)
    b2 = b.reshape(1, F)
    return pl.pallas_call(
        _gcn_kernel,
        grid=(n // br,),
        in_specs=[
            pl.BlockSpec((br, n), lambda i: (i, 0)),
            pl.BlockSpec((n, 1), lambda i: (0, 0)),
            pl.BlockSpec((br, 1), lambda i: (i, 0)),
            pl.BlockSpec((n, F), lambda i: (0, 0)),
            pl.BlockSpec((1, F), lambda i: (0, 0)),
        ],
        out_specs=pl.BlockSpec((br, F), lambda i: (i, 0)),
        out_shape=jax.ShapeDtypeStruct((n, F), jnp.float32),
    )(A, dinv, dinv, xw, b2)



def _msp_kernel(x_ref, w1_ref, b1_ref, w3_ref, b3_ref, g_ref, be_ref, o_ref):
    x = x_ref[0]
    w1 = w1_ref[0, 0]
    b1 = b1_ref[0, 0]
    gamma = g_ref[0, 0]
    beta = be_ref[0, 0]
    b3 = b3_ref[0, 0]

    xh = jnp.mean(x, axis=1, keepdims=True)
    xw = jnp.mean(x, axis=0, keepdims=True)
    gate_h = jax.nn.sigmoid(w1 * xh + b1)
    gate_w = jax.nn.sigmoid(w1 * xw + b1)
    pre = x * gate_h * gate_w

    mu = jnp.mean(pre)
    var = jnp.mean((pre - mu) ** 2)
    x1 = (pre - mu) / jnp.sqrt(var + 1e-5) * gamma + beta

    n, m = x.shape
    zrow = jnp.zeros((1, m), jnp.float32)
    zcol = jnp.zeros((n, 1), jnp.float32)

    def sh(a, di, dj):
        if di == 1:
            a = jnp.concatenate([a[1:, :], zrow], axis=0)
        elif di == -1:
            a = jnp.concatenate([zrow, a[:-1, :]], axis=0)
        if dj == 1:
            a = jnp.concatenate([a[:, 1:], zcol], axis=1)
        elif dj == -1:
            a = jnp.concatenate([zcol, a[:, :-1]], axis=1)
        return a

    x2 = jnp.zeros_like(x) + b3
    for ki in range(3):
        for kj in range(3):
            x2 = x2 + w3_ref[0, ki * 3 + kj] * sh(x, ki - 1, kj - 1)

    o_ref[0] = x * jax.nn.sigmoid(x1 + x2)


def _msp(feats, w1, b1, w3, b3, gamma, beta):
    g, n, f = feats.shape
    scal = lambda a: a.reshape(1, 1).astype(jnp.float32)
    return pl.pallas_call(
        _msp_kernel,
        grid=(g,),
        in_specs=[
            pl.BlockSpec((1, n, f), lambda i: (i, 0, 0)),
            pl.BlockSpec((1, 1), lambda i: (0, 0)),
            pl.BlockSpec((1, 1), lambda i: (0, 0)),
            pl.BlockSpec((1, 9), lambda i: (0, 0)),
            pl.BlockSpec((1, 1), lambda i: (0, 0)),
            pl.BlockSpec((1, 1), lambda i: (0, 0)),
            pl.BlockSpec((1, 1), lambda i: (0, 0)),
        ],
        out_specs=pl.BlockSpec((1, n, f), lambda i: (i, 0, 0)),
        out_shape=jax.ShapeDtypeStruct((g, n, f), jnp.float32),
    )(feats, scal(w1), scal(b1), w3.reshape(1, 9), scal(b3),
      scal(gamma), scal(beta))



def _layer_exact(feat_src, x_in, W, b):
    n = feat_src.shape[0]
    sq = jnp.sum(feat_src * feat_src, axis=1)
    d2 = jnp.maximum(sq[:, None] + sq[None, :] - 2.0 * (feat_src @ feat_src.T), 0.0)
    avg = jnp.mean(d2, axis=1, keepdims=True) + 1e-8
    w = jnp.exp(-d2 / avg)
    _, idx = jax.lax.top_k(-d2, K_NEIG)
    centers = jnp.repeat(jnp.arange(n), K_NEIG)
    neighbors = idx.reshape(-1)
    vals = w[centers, neighbors]
    H = jnp.zeros((n, n), feat_src.dtype).at[neighbors, centers].set(vals)
    A = H + jnp.eye(n, dtype=H.dtype)
    deg = jnp.sum(A, axis=1)
    dinv = jnp.where(deg > 0, 1.0 / jnp.sqrt(deg), 0.0)
    prop = A @ (dinv[:, None] * (x_in @ W.T))
    return jax.nn.relu(dinv[:, None] * prop + b)


def _layer_pallas(feat_src, x_in, W, b):
    n = feat_src.shape[0]
    ht = _knn_full(feat_src)
    H = jnp.transpose(ht)
    A = H + jnp.eye(n, dtype=H.dtype)
    deg = jnp.sum(A, axis=1)
    dinv = jnp.where(deg > 0, 1.0 / jnp.sqrt(deg), 0.0).reshape(n, 1)
    return _gcn(A, dinv, _matmul_nt(x_in, W), b)


def _branch_fwd(x0, feat0, W1, b1, W2, b2):
    feats = [x0]
    x = _layer_exact(feat0, x0, W1, b1)
    feats.append(x)
    for _ in range(3):
        x = _layer_exact(x, x, W2, b2)
        feats.append(x)
    return jnp.stack(feats, axis=0)


def _msp_ref(x, w1, b1, w3, b3, gamma, beta):
    b_, c, h, w_ = x.shape
    groups = 5
    gx = x.reshape(b_ * groups, c // groups, h, w_)
    x_h = jnp.mean(gx, axis=3, keepdims=True)
    x_w = jnp.transpose(jnp.mean(gx, axis=2, keepdims=True), (0, 1, 3, 2))
    hw = w1.reshape(()) * jnp.concatenate([x_h, x_w], axis=2) + b1.reshape(())
    xh = hw[:, :, :h, :]
    xw = hw[:, :, h:, :]
    pre = gx * jax.nn.sigmoid(xh) * jax.nn.sigmoid(jnp.transpose(xw, (0, 1, 3, 2)))
    mu = jnp.mean(pre, axis=(1, 2, 3), keepdims=True)
    var = jnp.var(pre, axis=(1, 2, 3), keepdims=True)
    x1 = (pre - mu) / jnp.sqrt(var + 1e-5) * gamma.reshape(()) + beta.reshape(())
    x2 = jax.lax.conv_general_dilated(gx, w3, (1, 1), 'SAME', dimension_numbers=('NCHW', 'OIHW', 'NCHW')) + b3.reshape(())
    x11 = jax.nn.softmax(jnp.transpose(jnp.mean(x1, axis=(2, 3)).reshape(b_ * groups, -1, 1), (0, 2, 1)), axis=-1)
    x12 = x2.reshape(b_ * groups, c // groups, h * w_)
    x21 = jax.nn.softmax(jnp.transpose(jnp.mean(x2, axis=(2, 3)).reshape(b_ * groups, -1, 1), (0, 2, 1)), axis=-1)
    x22 = x1.reshape(b_ * groups, c // groups, h * w_)
    weights = (jnp.matmul(x11, x12) + jnp.matmul(x21, x22)).reshape(b_ * groups, 1, h, w_)
    return (gx * jax.nn.sigmoid(weights)).reshape(b_, c, h, w_)


def kernel(cd_p, css_matrix, dss_matrix, Wrdx, brdx, Wrdy, brdy,
           Wx1, bx1, Wx2, bx2, Wy1, by1, Wy2, by2,
           msp_w1, msp_b1, msp_w3, msp_b3, msp_gamma, msp_beta,
           Wcx, bcx, Wcy, bcy):
    nc, nd = cd_p.shape

    x_c = cd_p @ Wrdx.T + brdx
    x_d = cd_p.T @ Wrdy.T + brdy

    c_f = _branch_fwd(x_c, css_matrix, Wx1, bx1, Wx2, bx2)
    d_f = _branch_fwd(x_d, dss_matrix, Wy1, by1, Wy2, by2)

    out_c = _msp(c_f, msp_w1, msp_b1, msp_w3, msp_b3, msp_gamma, msp_beta)
    out_d = _msp(d_f, msp_w1, msp_b1, msp_w3, msp_b3, msp_gamma, msp_beta)

    xr = jnp.transpose(out_c, (1, 0, 2)).reshape(nc, 5 * F)
    yr = jnp.transpose(out_d, (1, 0, 2)).reshape(nd, 5 * F)
    x_feat = _matmul_nt(xr, Wcx.reshape(-1, 5 * F), bcx)
    y_feat = _matmul_nt(yr, Wcy.reshape(-1, 5 * F), bcy)

    return _matmul(x_feat, y_feat.T, act="sigmoid")

# --- scband reference (transcript-rebuilt; emitter-appended) ---
"""Pipeline reference for scband-dtmscdsa-13941463843638 (READ-ONLY COPY).

The authoritative reference and input builder live on the scoring server;
editing this copy changes nothing except your own understanding.
"""

import jax, jax.numpy as jnp
import numpy as np

NC, ND, F, OUT = 2048, 1024, 256, 256
K_NEIG = 16


def construct_H_with_KNN(X, k_neig=K_NEIG):
    X = X.reshape(-1, X.shape[-1])
    n = X.shape[0]
    sq = jnp.sum(X * X, axis=1)
    d2 = jnp.maximum(sq[:, None] + sq[None, :] - 2.0 * (X @ X.T), 0.0)
    avg = jnp.mean(d2, axis=1, keepdims=True) + 1e-8
    w = jnp.exp(-d2 / avg)
    _, idx = jax.lax.top_k(-d2, k_neig)
    centers = jnp.repeat(jnp.arange(n), k_neig)
    neighbors = idx.reshape(-1)
    vals = w[centers, neighbors]
    H = jnp.zeros((n, n), dtype=X.dtype).at[neighbors, centers].set(vals)
    return H


def gcn_conv(x, H, W, b):
    n = H.shape[0]
    A = H + jnp.eye(n, dtype=H.dtype)
    deg = jnp.sum(A, axis=1)
    dinv = jnp.where(deg > 0, 1.0 / jnp.sqrt(deg), 0.0)
    xw = x @ W.T
    return dinv[:, None] * (A @ (dinv[:, None] * xw)) + b


def msp(x, w1, b1, w3, b3, gamma, beta):
    b_, c, h, w_ = x.shape
    groups = 5
    gx = x.reshape(b_ * groups, c // groups, h, w_)
    x_h = jnp.mean(gx, axis=3, keepdims=True)
    x_w = jnp.transpose(jnp.mean(gx, axis=2, keepdims=True), (0, 1, 3, 2))
    hw = w1.reshape(()) * jnp.concatenate([x_h, x_w], axis=2) + b1.reshape(())
    xh = hw[:, :, :h, :]
    xw = hw[:, :, h:, :]
    pre = gx * jax.nn.sigmoid(xh) * jax.nn.sigmoid(jnp.transpose(xw, (0, 1, 3, 2)))
    mu = jnp.mean(pre, axis=(1, 2, 3), keepdims=True)
    var = jnp.var(pre, axis=(1, 2, 3), keepdims=True)
    x1 = (pre - mu) / jnp.sqrt(var + 1e-5) * gamma.reshape(()) + beta.reshape(())
    x2 = jax.lax.conv_general_dilated(gx, w3, (1, 1), 'SAME', dimension_numbers=('NCHW', 'OIHW', 'NCHW')) + b3.reshape(())
    x11 = jax.nn.softmax(jnp.transpose(jnp.mean(x1, axis=(2, 3)).reshape(b_ * groups, -1, 1), (0, 2, 1)), axis=-1)
    x12 = x2.reshape(b_ * groups, c // groups, h * w_)
    x21 = jax.nn.softmax(jnp.transpose(jnp.mean(x2, axis=(2, 3)).reshape(b_ * groups, -1, 1), (0, 2, 1)), axis=-1)
    x22 = x1.reshape(b_ * groups, c // groups, h * w_)
    weights = (jnp.matmul(x11, x12) + jnp.matmul(x21, x22)).reshape(b_ * groups, 1, h, w_)
    return (gx * jax.nn.sigmoid(weights)).reshape(b_, c, h, w_)


def _branch(x0, feat0, W1, b1, W2, b2):
    feats = [x0]
    H = construct_H_with_KNN(feat0)
    x1 = jax.nn.relu(gcn_conv(x0, H, W1, b1))
    feats.append(x1)
    x_prev = x1
    for _ in range(3):
        Hk = construct_H_with_KNN(x_prev)
        x_prev = jax.nn.relu(gcn_conv(x_prev, Hk, W2, b2))
        feats.append(x_prev)
    return jnp.stack(feats, axis=0)[None]


def _forward(cd_p, css_matrix, dss_matrix, Wrdx, brdx, Wrdy, brdy, Wx1, bx1, Wx2, bx2, Wy1, by1, Wy2, by2, msp_w1, msp_b1, msp_w3, msp_b3, msp_gamma, msp_beta, Wcx, bcx, Wcy, bcy):
    x_c = cd_p @ Wrdx.T + brdx
    x_d = cd_p.T @ Wrdy.T + brdy
    c_f = _branch(x_c, css_matrix, Wx1, bx1, Wx2, bx2)
    d_f = _branch(x_d, dss_matrix, Wy1, by1, Wy2, by2)
    out_c = msp(c_f, msp_w1, msp_b1, msp_w3, msp_b3, msp_gamma, msp_beta)
    out_d = msp(d_f, msp_w1, msp_b1, msp_w3, msp_b3, msp_gamma, msp_beta)
    XM = jnp.transpose(out_c, (0, 1, 3, 2))
    YM = jnp.transpose(out_d, (0, 1, 3, 2))
    x = jnp.einsum('ocf,cfn->on', Wcx, XM[0]) + bcx[:, None]
    y = jnp.einsum('ocf,cfn->on', Wcy, YM[0]) + bcy[:, None]
    x_feat = x.T
    y_feat = y.T
    return jax.nn.sigmoid(x_feat @ y_feat.T)


def setup_inputs(seed: int = 0):
    key = jax.random.key(seed)
    ks = jax.random.split(key, 16)
    s = 0.05
    inp = {}
    inp['cd_p'] = jax.random.uniform(ks[0], (NC, ND), dtype=jnp.float32)
    inp['css_matrix'] = jax.random.uniform(ks[1], (NC, NC), dtype=jnp.float32)
    inp['dss_matrix'] = jax.random.uniform(ks[2], (ND, ND), dtype=jnp.float32)
    inp['Wrdx'] = jax.random.normal(ks[3], (OUT, ND)) * s
    inp['brdx'] = jnp.zeros((OUT,), dtype=jnp.float32)
    inp['Wrdy'] = jax.random.normal(ks[4], (OUT, NC)) * s
    inp['brdy'] = jnp.zeros((OUT,), dtype=jnp.float32)
    inp['Wx1'] = jax.random.normal(ks[5], (F, F)) * s
    inp['bx1'] = jnp.zeros((F,), dtype=jnp.float32)
    inp['Wx2'] = jax.random.normal(ks[6], (F, F)) * s
    inp['bx2'] = jnp.zeros((F,), dtype=jnp.float32)
    inp['Wy1'] = jax.random.normal(ks[7], (F, F)) * s
    inp['by1'] = jnp.zeros((F,), dtype=jnp.float32)
    inp['Wy2'] = jax.random.normal(ks[8], (F, F)) * s
    inp['by2'] = jnp.zeros((F,), dtype=jnp.float32)
    inp['msp_w1'] = jax.random.normal(ks[9], (1,)) * s
    inp['msp_b1'] = jnp.zeros((1,), dtype=jnp.float32)
    inp['msp_w3'] = jax.random.normal(ks[10], (1, 1, 3, 3)) * s
    inp['msp_b3'] = jnp.zeros((1,), dtype=jnp.float32)
    inp['msp_gamma'] = jnp.ones((1,), dtype=jnp.float32)
    inp['msp_beta'] = jnp.zeros((1,), dtype=jnp.float32)
    inp['Wcx'] = jax.random.normal(ks[11], (OUT, 5, F)) * s
    inp['bcx'] = jnp.zeros((OUT,), dtype=jnp.float32)
    inp['Wcy'] = jax.random.normal(ks[12], (OUT, 5, F)) * s
    inp['bcy'] = jnp.zeros((OUT,), dtype=jnp.float32)
    return inp


def reference(cd_p, css_matrix, dss_matrix, Wrdx, brdx, Wrdy, brdy, Wx1, bx1, Wx2, bx2, Wy1, by1, Wy2, by2, msp_w1, msp_b1, msp_w3, msp_b3, msp_gamma, msp_beta, Wcx, bcx, Wcy, bcy):
    return _forward(cd_p, css_matrix, dss_matrix, Wrdx, brdx, Wrdy, brdy, Wx1, bx1, Wx2, bx2, Wy1, by1, Wy2, by2, msp_w1, msp_b1, msp_w3, msp_b3, msp_gamma, msp_beta, Wcx, bcx, Wcy, bcy)

if __name__ == "__main__":
    import jax
    _d = setup_inputs()
    print(jax.jit(kernel)(*tuple(_d.values())))

</pallas_src>

<mosaic_0001>
module attributes {stable_mosaic.version = 14 : i64} {
  func.func @_msp_kernel(%arg0: i32, %arg1: memref<1x2048x256xf32, #tpu.memory_space<vmem>>, %arg2: memref<1x1xf32, #tpu.memory_space<vmem>>, %arg3: memref<1x1xf32, #tpu.memory_space<vmem>>, %arg4: memref<1x9xf32, #tpu.memory_space<vmem>>, %arg5: memref<1x1xf32, #tpu.memory_space<vmem>>, %arg6: memref<1x1xf32, #tpu.memory_space<vmem>>, %arg7: memref<1x1xf32, #tpu.memory_space<vmem>>, %arg8: memref<1x2048x256xf32, #tpu.memory_space<vmem>>) attributes {dimension_semantics = [#tpu.dimension_semantics<arbitrary>], iteration_bounds = array<i64: 5>, scalar_prefetch = 0 : i64, scratch_operands = 0 : i64, tpu.core_type = #tpu.core_type<tc>, window_params = [{transform_indices = @transform_0, window_bounds = array<i64: 1, 2048, 256>}, {pipeline_mode = #tpu.pipeline_mode<synchronous>, transform_indices = @transform_1, window_bounds = array<i64: 1, 1>}, {pipeline_mode = #tpu.pipeline_mode<synchronous>, transform_indices = @transform_2, window_bounds = array<i64: 1, 1>}, {pipeline_mode = #tpu.pipeline_mode<synchronous>, transform_indices = @transform_3, window_bounds = array<i64: 1, 9>}, {pipeline_mode = #tpu.pipeline_mode<synchronous>, transform_indices = @transform_4, window_bounds = array<i64: 1, 1>}, {pipeline_mode = #tpu.pipeline_mode<synchronous>, transform_indices = @transform_5, window_bounds = array<i64: 1, 1>}, {pipeline_mode = #tpu.pipeline_mode<synchronous>, transform_indices = @transform_6, window_bounds = array<i64: 1, 1>}, {transform_indices = @transform_7, window_bounds = array<i64: 1, 2048, 256>}]} {
    %get3A = arith.constant 0 : index
    %get3A_0 = arith.constant 0 : index
    %get3A_1 = arith.constant 0 : index
    %get3A_2 = vector.load %arg1[%get3A, %get3A_0, %get3A_1] : memref<1x2048x256xf32, #tpu.memory_space<vmem>>, vector<1x2048x256xf32>
    %get3A_3 = vector.shape_cast %get3A_2 : vector<1x2048x256xf32> to vector<2048x256xf32>
    %get3A_4 = arith.constant 0 : index
    %get3A_5 = arith.constant 0 : index
    %get3A_6 = vector.load %arg2[%get3A_4, %get3A_5] : memref<1x1xf32, #tpu.memory_space<vmem>>, vector<1x1xf32>
    %get3A_7 = vector.extract %get3A_6[0, 0] : f32 from vector<1x1xf32>
    %get3A_8 = arith.constant 0 : index
    %get3A_9 = arith.constant 0 : index
    %get3A_10 = vector.load %arg3[%get3A_8, %get3A_9] : memref<1x1xf32, #tpu.memory_space<vmem>>, vector<1x1xf32>
    %get3A_11 = vector.extract %get3A_10[0, 0] : f32 from vector<1x1xf32>
    %get3A_12 = arith.constant 0 : index
    %get3A_13 = arith.constant 0 : index
    %get3A_14 = vector.load %arg6[%get3A_12, %get3A_13] : memref<1x1xf32, #tpu.memory_space<vmem>>, vector<1x1xf32>
    %get3A_15 = vector.extract %get3A_14[0, 0] : f32 from vector<1x1xf32>
    %get3A_16 = arith.constant 0 : index
    %get3A_17 = arith.constant 0 : index
    %get3A_18 = vector.load %arg7[%get3A_16, %get3A_17] : memref<1x1xf32, #tpu.memory_space<vmem>>, vector<1x1xf32>
    %get3A_19 = vector.extract %get3A_18[0, 0] : f32 from vector<1x1xf32>
    %get3A_20 = arith.constant 0 : index
    %get3A_21 = arith.constant 0 : index
    %get3A_22 = vector.load %arg5[%get3A_20, %get3A_21] : memref<1x1xf32, #tpu.memory_space<vmem>>, vector<1x1xf32>
    %get3A_23 = vector.extract %get3A_22[0, 0] : f32 from vector<1x1xf32>
    %reduce_sum3A = arith.constant dense<0.000000e+00> : vector<2048xf32>
    %reduce_sum3A_24 = vector.multi_reduction <add>, %get3A_3, %reduce_sum3A [1] : vector<2048x256xf32> to vector<2048xf32>
    %broadcast_in_dim3A = vector.shape_cast %reduce_sum3A_24 : vector<2048xf32> to vector<2048x1xf32>
    %div3A = arith.constant 2.560000e+02 : f32
    %div3A_25 = vector.broadcast %div3A : f32 to vector<2048x1xf32>
    %div3A_26 = arith.divf %broadcast_in_dim3A, %div3A_25 : vector<2048x1xf32>
    %reduce_sum3A_27 = arith.constant dense<0.000000e+00> : vector<256xf32>
    %reduce_sum3A_28 = vector.multi_reduction <add>, %get3A_3, %reduce_sum3A_27 [0] : vector<2048x256xf32> to vector<256xf32>
    %broadcast_in_dim3A_29 = vector.shape_cast %reduce_sum3A_28 : vector<256xf32> to vector<1x256xf32>
    %div3A_30 = arith.constant 2.048000e+03 : f32
    %div3A_31 = vector.broadcast %div3A_30 : f32 to vector<1x256xf32>
    %div3A_32 = arith.divf %broadcast_in_dim3A_29, %div3A_31 : vector<1x256xf32>
    %mul3A = vector.broadcast %get3A_7 : f32 to vector<2048x1xf32>
    %mul3A_33 = arith.mulf %mul3A, %div3A_26 : vector<2048x1xf32>
    %add3A = vector.broadcast %get3A_11 : f32 to vector<2048x1xf32>
    %add3A_34 = arith.addf %mul3A_33, %add3A : vector<2048x1xf32>
    %logistic3A = arith.negf %add3A_34 : vector<2048x1xf32>
    %logistic3A_35 = math.exp %logistic3A : vector<2048x1xf32>
    %logistic3A_36 = arith.constant 1.000000e+00 : f32
    %logistic3A_37 = vector.broadcast %logistic3A_36 : f32 to vector<2048x1xf32>
    %logistic3A_38 = arith.addf %logistic3A_37, %logistic3A_35 : vector<2048x1xf32>
    %logistic3A_39 = arith.divf %logistic3A_37, %logistic3A_38 : vector<2048x1xf32>
    %mul3A_40 = vector.broadcast %get3A_7 : f32 to vector<1x256xf32>
    %mul3A_41 = arith.mulf %mul3A_40, %div3A_32 : vector<1x256xf32>
    %add3A_42 = vector.broadcast %get3A_11 : f32 to vector<1x256xf32>
    %add3A_43 = arith.addf %mul3A_41, %add3A_42 : vector<1x256xf32>
    %logistic3A_44 = arith.negf %add3A_43 : vector<1x256xf32>
    %logistic3A_45 = math.exp %logistic3A_44 : vector<1x256xf32>
    %logistic3A_46 = arith.constant 1.000000e+00 : f32
    %logistic3A_47 = vector.broadcast %logistic3A_46 : f32 to vector<1x256xf32>
    %logistic3A_48 = arith.addf %logistic3A_47, %logistic3A_45 : vector<1x256xf32>
    %logistic3A_49 = arith.divf %logistic3A_47, %logistic3A_48 : vector<1x256xf32>
    %mul3A_50 = vector.broadcast %logistic3A_39 : vector<2048x1xf32> to vector<2048x256xf32>
    %mul3A_51 = arith.mulf %get3A_3, %mul3A_50 : vector<2048x256xf32>
    %mul3A_52 = vector.broadcast %logistic3A_49 : vector<1x256xf32> to vector<2048x256xf32>
    %mul3A_53 = arith.mulf %mul3A_51, %mul3A_52 : vector<2048x256xf32>
    %reduce_sum3A_54 = vector.shape_cast %mul3A_53 : vector<2048x256xf32> to vector<1x2048x256xf32>
    %reduce_sum3A_55 = arith.constant dense<0.000000e+00> : vector<1xf32>
    %reduce_sum3A_56 = vector.multi_reduction <add>, %reduce_sum3A_54, %reduce_sum3A_55 [1, 2] : vector<1x2048x256xf32> to vector<1xf32>
    %reduce_sum3A_57 = vector.shape_cast %reduce_sum3A_56 : vector<1xf32> to vector<1x1x1xf32>
    %reduce_sum3A_58 = vector.extract %reduce_sum3A_57[0, 0, 0] : f32 from vector<1x1x1xf32>
    %div3A_59 = arith.constant 5.242880e+05 : f32
    %div3A_60 = arith.divf %reduce_sum3A_58, %div3A_59 : f32
    %sub3A = vector.broadcast %div3A_60 : f32 to vector<2048x256xf32>
    %sub3A_61 = arith.subf %mul3A_53, %sub3A : vector<2048x256xf32>
    %integer_pow3A = arith.mulf %sub3A_61, %sub3A_61 : vector<2048x256xf32>
    %reduce_sum3A_62 = vector.shape_cast %integer_pow3A : vector<2048x256xf32> to vector<1x2048x256xf32>
    %reduce_sum3A_63 = arith.constant dense<0.000000e+00> : vector<1xf32>
    %reduce_sum3A_64 = vector.multi_reduction <add>, %reduce_sum3A_62, %reduce_sum3A_63 [1, 2] : vector<1x2048x256xf32> to vector<1xf32>
    %reduce_sum3A_65 = vector.shape_cast %reduce_sum3A_64 : vector<1xf32> to vector<1x1x1xf32>
    %reduce_sum3A_66 = vector.extract %reduce_sum3A_65[0, 0, 0] : f32 from vector<1x1x1xf32>
    %div3A_67 = arith.constant 5.242880e+05 : f32
    %div3A_68 = arith.divf %reduce_sum3A_66, %div3A_67 : f32
    %sub3A_69 = vector.broadcast %div3A_60 : f32 to vector<2048x256xf32>
    %sub3A_70 = arith.subf %mul3A_53, %sub3A_69 : vector<2048x256xf32>
    %add3A_71 = arith.constant 9.99999974E-6 : f32
    %add3A_72 = arith.addf %div3A_68, %add3A_71 : f32
    %sqrt3A = math.sqrt %add3A_72 : f32
    %div3A_73 = vector.broadcast %sqrt3A : f32 to vector<2048x256xf32>
    %div3A_74 = arith.divf %sub3A_70, %div3A_73 : vector<2048x256xf32>
    %mul3A_75 = vector.broadcast %get3A_15 : f32 to vector<2048x256xf32>
    %mul3A_76 = arith.mulf %div3A_74, %mul3A_75 : vector<2048x256xf32>
    %add3A_77 = vector.broadcast %get3A_19 : f32 to vector<2048x256xf32>
    %add3A_78 = arith.addf %mul3A_76, %add3A_77 : vector<2048x256xf32>
    %broadcast_in_dim3A_79 = arith.constant 0.000000e+00 : f32
    %broadcast_in_dim3A_80 = vector.broadcast %broadcast_in_dim3A_79 : f32 to vector<1x256xf32>
    %broadcast_in_dim3A_81 = arith.constant 0.000000e+00 : f32
    %broadcast_in_dim3A_82 = vector.broadcast %broadcast_in_dim3A_81 : f32 to vector<2048x1xf32>
    %broadcast_in_dim3A_83 = arith.constant 0.000000e+00 : f32
    %broadcast_in_dim3A_84 = vector.broadcast %broadcast_in_dim3A_83 : f32 to vector<2048x256xf32>
    %add3A_85 = vector.broadcast %get3A_23 : f32 to vector<2048x256xf32>
    %add3A_86 = arith.addf %broadcast_in_dim3A_84, %add3A_85 : vector<2048x256xf32>
    %get3A_87 = arith.constant 0 : index
    %get3A_88 = arith.constant 0 : index
    %get3A_89 = vector.load %arg4[%get3A_87, %get3A_88] : memref<1x9xf32, #tpu.memory_space<vmem>>, vector<1x1xf32>
    %get3A_90 = vector.extract %get3A_89[0, 0] : f32 from vector<1x1xf32>
    %slice3A = vector.extract_strided_slice %get3A_3 {offsets = [0, 0], sizes = [2047, 256], strides = [1, 1]} : vector<2048x256xf32> to vector<2047x256xf32>
    %concatenate3A = tpu.concatenate %broadcast_in_dim3A_80, %slice3A in 0 : vector<1x256xf32>, vector<2047x256xf32> -> vector<2048x256xf32>
    %slice3A_91 = vector.extract_strided_slice %concatenate3A {offsets = [0, 0], sizes = [2048, 255], strides = [1, 1]} : vector<2048x256xf32> to vector<2048x255xf32>
    %concatenate3A_92 = tpu.concatenate %broadcast_in_dim3A_82, %slice3A_91 in 1 : vector<2048x1xf32>, vector<2048x255xf32> -> vector<2048x256xf32>
    %mul3A_93 = vector.broadcast %get3A_90 : f32 to vector<2048x256xf32>
    %mul3A_94 = arith.mulf %mul3A_93, %concatenate3A_92 : vector<2048x256xf32>
    %add3A_95 = arith.addf %add3A_86, %mul3A_94 : vector<2048x256xf32>
    %get3A_96 = arith.constant 0 : index
    %get3A_97 = arith.constant 1 : index
    %get3A_98 = vector.load %arg4[%get3A_96, %get3A_97] : memref<1x9xf32, #tpu.memory_space<vmem>>, vector<1x1xf32>
    %get3A_99 = vector.extract %get3A_98[0, 0] : f32 from vector<1x1xf32>
    %slice3A_100 = vector.extract_strided_slice %get3A_3 {offsets = [0, 0], sizes = [2047, 256], strides = [1, 1]} : vector<2048x256xf32> to vector<2047x256xf32>
    %concatenate3A_101 = tpu.concatenate %broadcast_in_dim3A_80, %slice3A_100 in 0 : vector<1x256xf32>, vector<2047x256xf32> -> vector<2048x256xf32>
    %mul3A_102 = vector.broadcast %get3A_99 : f32 to vector<2048x256xf32>
    %mul3A_103 = arith.mulf %mul3A_102, %concatenate3A_101 : vector<2048x256xf32>
    %add3A_104 = arith.addf %add3A_95, %mul3A_103 : vector<2048x256xf32>
    %get3A_105 = arith.constant 0 : index
    %get3A_106 = arith.constant 2 : index
    %get3A_107 = vector.load %arg4[%get3A_105, %get3A_106] : memref<1x9xf32, #tpu.memory_space<vmem>>, vector<1x1xf32>
    %get3A_108 = vector.extract %get3A_107[0, 0] : f32 from vector<1x1xf32>
    %slice3A_109 = vector.extract_strided_slice %get3A_3 {offsets = [0, 0], sizes = [2047, 256], strides = [1, 1]} : vector<2048x256xf32> to vector<2047x256xf32>
    %concatenate3A_110 = tpu.concatenate %broadcast_in_dim3A_80, %slice3A_109 in 0 : vector<1x256xf32>, vector<2047x256xf32> -> vector<2048x256xf32>
    %slice3A_111 = vector.extract_strided_slice %concatenate3A_110 {offsets = [0, 1], sizes = [2048, 255], strides = [1, 1]} : vector<2048x256xf32> to vector<2048x255xf32>
    %concatenate3A_112 = tpu.concatenate %slice3A_111, %broadcast_in_dim3A_82 in 1 : vector<2048x255xf32>, vector<2048x1xf32> -> vector<2048x256xf32>
    %mul3A_113 = vector.broadcast %get3A_108 : f32 to vector<2048x256xf32>
    %mul3A_114 = arith.mulf %mul3A_113, %concatenate3A_112 : vector<2048x256xf32>
    %add3A_115 = arith.addf %add3A_104, %mul3A_114 : vector<2048x256xf32>
    %get3A_116 = arith.constant 0 : index
    %get3A_117 = arith.constant 3 : index
    %get3A_118 = vector.load %arg4[%get3A_116, %get3A_117] : memref<1x9xf32, #tpu.memory_space<vmem>>, vector<1x1xf32>
    %get3A_119 = vector.extract %get3A_118[0, 0] : f32 from vector<1x1xf32>
    %slice3A_120 = vector.extract_strided_slice %get3A_3 {offsets = [0, 0], sizes = [2048, 255], strides = [1, 1]} : vector<2048x256xf32> to vector<2048x255xf32>
    %concatenate3A_121 = tpu.concatenate %broadcast_in_dim3A_82, %slice3A_120 in 1 : vector<2048x1xf32>, vector<2048x255xf32> -> vector<2048x256xf32>
    %mul3A_122 = vector.broadcast %get3A_119 : f32 to vector<2048x256xf32>
    %mul3A_123 = arith.mulf %mul3A_122, %concatenate3A_121 : vector<2048x256xf32>
    %add3A_124 = arith.addf %add3A_115, %mul3A_123 : vector<2048x256xf32>
    %get3A_125 = arith.constant 0 : index
    %get3A_126 = arith.constant 4 : index
    %get3A_127 = vector.load %arg4[%get3A_125, %get3A_126] : memref<1x9xf32, #tpu.memory_space<vmem>>, vector<1x1xf32>
    %get3A_128 = vector.extract %get3A_127[0, 0] : f32 from vector<1x1xf32>
    %mul3A_129 = vector.broadcast %get3A_128 : f32 to vector<2048x256xf32>
    %mul3A_130 = arith.mulf %mul3A_129, %get3A_3 : vector<2048x256xf32>
    %add3A_131 = arith.addf %add3A_124, %mul3A_130 : vector<2048x256xf32>
    %get3A_132 = arith.constant 0 : index
    %get3A_133 = arith.constant 5 : index
    %get3A_134 = vector.load %arg4[%get3A_132, %get3A_133] : memref<1x9xf32, #tpu.memory_space<vmem>>, vector<1x1xf32>
    %get3A_135 = vector.extract %get3A_134[0, 0] : f32 from vector<1x1xf32>
    %slice3A_136 = vector.extract_strided_slice %get3A_3 {offsets = [0, 1], sizes = [2048, 255], strides = [1, 1]} : vector<2048x256xf32> to vector<2048x255xf32>
    %concatenate3A_137 = tpu.concatenate %slice3A_136, %broadcast_in_dim3A_82 in 1 : vector<2048x255xf32>, vector<2048x1xf32> -> vector<2048x256xf32>
    %mul3A_138 = vector.broadcast %get3A_135 : f32 to vector<2048x256xf32>
    %mul3A_139 = arith.mulf %mul3A_138, %concatenate3A_137 : vector<2048x256xf32>
    %add3A_140 = arith.addf %add3A_131, %mul3A_139 : vector<2048x256xf32>
    %get3A_141 = arith.constant 0 : index
    %get3A_142 = arith.constant 6 : index
    %get3A_143 = vector.load %arg4[%get3A_141, %get3A_142] : memref<1x9xf32, #tpu.memory_space<vmem>>, vector<1x1xf32>
    %get3A_144 = vector.extract %get3A_143[0, 0] : f32 from vector<1x1xf32>
    %slice3A_145 = vector.extract_strided_slice %get3A_3 {offsets = [1, 0], sizes = [2047, 256], strides = [1, 1]} : vector<2048x256xf32> to vector<2047x256xf32>
    %concatenate3A_146 = tpu.concatenate %slice3A_145, %broadcast_in_dim3A_80 in 0 : vector<2047x256xf32>, vector<1x256xf32> -> vector<2048x256xf32>
    %slice3A_147 = vector.extract_strided_slice %concatenate3A_146 {offsets = [0, 0], sizes = [2048, 255], strides = [1, 1]} : vector<2048x256xf32> to vector<2048x255xf32>
    %concatenate3A_148 = tpu.concatenate %broadcast_in_dim3A_82, %slice3A_147 in 1 : vector<2048x1xf32>, vector<2048x255xf32> -> vector<2048x256xf32>
    %mul3A_149 = vector.broadcast %get3A_144 : f32 to vector<2048x256xf32>
    %mul3A_150 = arith.mulf %mul3A_149, %concatenate3A_148 : vector<2048x256xf32>
    %add3A_151 = arith.addf %add3A_140, %mul3A_150 : vector<2048x256xf32>
    %get3A_152 = arith.constant 0 : index
    %get3A_153 = arith.constant 7 : index
    %get3A_154 = vector.load %arg4[%get3A_152, %get3A_153] : memref<1x9xf32, #tpu.memory_space<vmem>>, vector<1x1xf32>
    %get3A_155 = vector.extract %get3A_154[0, 0] : f32 from vector<1x1xf32>
    %slice3A_156 = vector.extract_strided_slice %get3A_3 {offsets = [1, 0], sizes = [2047, 256], strides = [1, 1]} : vector<2048x256xf32> to vector<2047x256xf32>
    %concatenate3A_157 = tpu.concatenate %slice3A_156, %broadcast_in_dim3A_80 in 0 : vector<2047x256xf32>, vector<1x256xf32> -> vector<2048x256xf32>
    %mul3A_158 = vector.broadcast %get3A_155 : f32 to vector<2048x256xf32>
    %mul3A_159 = arith.mulf %mul3A_158, %concatenate3A_157 : vector<2048x256xf32>
    %add3A_160 = arith.addf %add3A_151, %mul3A_159 : vector<2048x256xf32>
    %get3A_161 = arith.constant 0 : index
    %get3A_162 = arith.constant 8 : index
    %get3A_163 = vector.load %arg4[%get3A_161, %get3A_162] : memref<1x9xf32, #tpu.memory_space<vmem>>, vector<1x1xf32>
    %get3A_164 = vector.extract %get3A_163[0, 0] : f32 from vector<1x1xf32>
    %slice3A_165 = vector.extract_strided_slice %get3A_3 {offsets = [1, 0], sizes = [2047, 256], strides = [1, 1]} : vector<2048x256xf32> to vector<2047x256xf32>
    %concatenate3A_166 = tpu.concatenate %slice3A_165, %broadcast_in_dim3A_80 in 0 : vector<2047x256xf32>, vector<1x256xf32> -> vector<2048x256xf32>
    %slice3A_167 = vector.extract_strided_slice %concatenate3A_166 {offsets = [0, 1], sizes = [2048, 255], strides = [1, 1]} : vector<2048x256xf32> to vector<2048x255xf32>
    %concatenate3A_168 = tpu.concatenate %slice3A_167, %broadcast_in_dim3A_82 in 1 : vector<2048x255xf32>, vector<2048x1xf32> -> vector<2048x256xf32>
    %mul3A_169 = vector.broadcast %get3A_164 : f32 to vector<2048x256xf32>
    %mul3A_170 = arith.mulf %mul3A_169, %concatenate3A_168 : vector<2048x256xf32>
    %add3A_171 = arith.addf %add3A_160, %mul3A_170 : vector<2048x256xf32>
    %add3A_172 = arith.addf %add3A_78, %add3A_171 : vector<2048x256xf32>
    %logistic3A_173 = arith.negf %add3A_172 : vector<2048x256xf32>
    %logistic3A_174 = math.exp %logistic3A_173 : vector<2048x256xf32>
    %logistic3A_175 = arith.constant 1.000000e+00 : f32
    %logistic3A_176 = vector.broadcast %logistic3A_175 : f32 to vector<2048x256xf32>
    %logistic3A_177 = arith.addf %logistic3A_176, %logistic3A_174 : vector<2048x256xf32>
    %logistic3A_178 = arith.divf %logistic3A_176, %logistic3A_177 : vector<2048x256xf32>
    %mul3A_179 = arith.mulf %get3A_3, %logistic3A_178 : vector<2048x256xf32>
    %swap3A = arith.constant 0 : index
    %swap3A_180 = arith.constant 0 : index
    %swap3A_181 = arith.constant 0 : index
    %swap3A_182 = vector.load %arg8[%swap3A, %swap3A_180, %swap3A_181] : memref<1x2048x256xf32, #tpu.memory_space<vmem>>, vector<1x2048x256xf32>
    %swap3A_183 = vector.shape_cast %swap3A_182 : vector<1x2048x256xf32> to vector<2048x256xf32>
    %swap3A_184 = vector.shape_cast %mul3A_179 : vector<2048x256xf32> to vector<1x2048x256xf32>
    tpu.vector_store %arg8[%swap3A, %swap3A_180, %swap3A_181], %swap3A_184 {strides = array<i32>} : memref<1x2048x256xf32, #tpu.memory_space<vmem>>, vector<1x2048x256xf32>,
    return
  }
  func.func @transform_0(%arg0: i32) -> (i32, i32, i32) {
    %c0_i32 = arith.constant 0 : i32
    %c0_i32_0 = arith.constant 0 : i32
    %c0_i32_1 = arith.constant 0 : i32
    return %arg0, %c0_i32, %c0_i32_0 : i32, i32, i32
  }
  func.func @transform_1(%arg0: i32) -> (i32, i32) {
    %c0_i32 = arith.constant 0 : i32
    %c0_i32_0 = arith.constant 0 : i32
    %c0_i32_1 = arith.constant 0 : i32
    return %c0_i32, %c0_i32_0 : i32, i32
  }
  func.func @transform_2(%arg0: i32) -> (i32, i32) {
    %c0_i32 = arith.constant 0 : i32
    %c0_i32_0 = arith.constant 0 : i32
    %c0_i32_1 = arith.constant 0 : i32
    return %c0_i32, %c0_i32_0 : i32, i32
  }
  func.func @transform_3(%arg0: i32) -> (i32, i32) {
    %c0_i32 = arith.constant 0 : i32
    %c0_i32_0 = arith.constant 0 : i32
    %c0_i32_1 = arith.constant 0 : i32
    return %c0_i32, %c0_i32_0 : i32, i32
  }
  func.func @transform_4(%arg0: i32) -> (i32, i32) {
    %c0_i32 = arith.constant 0 : i32
    %c0_i32_0 = arith.constant 0 : i32
    %c0_i32_1 = arith.constant 0 : i32
    return %c0_i32, %c0_i32_0 : i32, i32
  }
  func.func @transform_5(%arg0: i32) -> (i32, i32) {
    %c0_i32 = arith.constant 0 : i32
    %c0_i32_0 = arith.constant 0 : i32
    %c0_i32_1 = arith.constant 0 : i32
    return %c0_i32, %c0_i32_0 : i32, i32
  }
  func.func @transform_6(%arg0: i32) -> (i32, i32) {
    %c0_i32 = arith.constant 0 : i32
    %c0_i32_0 = arith.constant 0 : i32
    %c0_i32_1 = arith.constant 0 : i32
    return %c0_i32, %c0_i32_0 : i32, i32
  }
  func.func @transform_7(%arg0: i32) -> (i32, i32, i32) {
    %c0_i32 = arith.constant 0 : i32
    %c0_i32_0 = arith.constant 0 : i32
    %c0_i32_1 = arith.constant 0 : i32
    return %arg0, %c0_i32, %c0_i32_0 : i32, i32, i32
  }
}

module attributes {stable_mosaic.version = 14 : i64} {
  func.func @_msp_kernel(%arg0: i32, %arg1: memref<1x1024x256xf32, #tpu.memory_space<vmem>>, %arg2: memref<1x1xf32, #tpu.memory_space<vmem>>, %arg3: memref<1x1xf32, #tpu.memory_space<vmem>>, %arg4: memref<1x9xf32, #tpu.memory_space<vmem>>, %arg5: memref<1x1xf32, #tpu.memory_space<vmem>>, %arg6: memref<1x1xf32, #tpu.memory_space<vmem>>, %arg7: memref<1x1xf32, #tpu.memory_space<vmem>>, %arg8: memref<1x1024x256xf32, #tpu.memory_space<vmem>>) attributes {dimension_semantics = [#tpu.dimension_semantics<arbitrary>], iteration_bounds = array<i64: 5>, scalar_prefetch = 0 : i64, scratch_operands = 0 : i64, tpu.core_type = #tpu.core_type<tc>, window_params = [{transform_indices = @transform_0, window_bounds = array<i64: 1, 1024, 256>}, {pipeline_mode = #tpu.pipeline_mode<synchronous>, transform_indices = @transform_1, window_bounds = array<i64: 1, 1>}, {pipeline_mode = #tpu.pipeline_mode<synchronous>, transform_indices = @transform_2, window_bounds = array<i64: 1, 1>}, {pipeline_mode = #tpu.pipeline_mode<synchronous>, transform_indices = @transform_3, window_bounds = array<i64: 1, 9>}, {pipeline_mode = #tpu.pipeline_mode<synchronous>, transform_indices = @transform_4, window_bounds = array<i64: 1, 1>}, {pipeline_mode = #tpu.pipeline_mode<synchronous>, transform_indices = @transform_5, window_bounds = array<i64: 1, 1>}, {pipeline_mode = #tpu.pipeline_mode<synchronous>, transform_indices = @transform_6, window_bounds = array<i64: 1, 1>}, {transform_indices = @transform_7, window_bounds = array<i64: 1, 1024, 256>}]} {
    %get3A = arith.constant 0 : index
    %get3A_0 = arith.constant 0 : index
    %get3A_1 = arith.constant 0 : index
    %get3A_2 = vector.load %arg1[%get3A, %get3A_0, %get3A_1] : memref<1x1024x256xf32, #tpu.memory_space<vmem>>, vector<1x1024x256xf32>
    %get3A_3 = vector.shape_cast %get3A_2 : vector<1x1024x256xf32> to vector<1024x256xf32>
    %get3A_4 = arith.constant 0 : index
    %get3A_5 = arith.constant 0 : index
    %get3A_6 = vector.load %arg2[%get3A_4, %get3A_5] : memref<1x1xf32, #tpu.memory_space<vmem>>, vector<1x1xf32>
    %get3A_7 = vector.extract %get3A_6[0, 0] : f32 from vector<1x1xf32>
    %get3A_8 = arith.constant 0 : index
    %get3A_9 = arith.constant 0 : index
    %get3A_10 = vector.load %arg3[%get3A_8, %get3A_9] : memref<1x1xf32, #tpu.memory_space<vmem>>, vector<1x1xf32>
    %get3A_11 = vector.extract %get3A_10[0, 0] : f32 from vector<1x1xf32>
    %get3A_12 = arith.constant 0 : index
    %get3A_13 = arith.constant 0 : index
    %get3A_14 = vector.load %arg6[%get3A_12, %get3A_13] : memref<1x1xf32, #tpu.memory_space<vmem>>, vector<1x1xf32>
    %get3A_15 = vector.extract %get3A_14[0, 0] : f32 from vector<1x1xf32>
    %get3A_16 = arith.constant 0 : index
    %get3A_17 = arith.constant 0 : index
    %get3A_18 = vector.load %arg7[%get3A_16, %get3A_17] : memref<1x1xf32, #tpu.memory_space<vmem>>, vector<1x1xf32>
    %get3A_19 = vector.extract %get3A_18[0, 0] : f32 from vector<1x1xf32>
    %get3A_20 = arith.constant 0 : index
    %get3A_21 = arith.constant 0 : index
    %get3A_22 = vector.load %arg5[%get3A_20, %get3A_21] : memref<1x1xf32, #tpu.memory_space<vmem>>, vector<1x1xf32>
    %get3A_23 = vector.extract %get3A_22[0, 0] : f32 from vector<1x1xf32>
    %reduce_sum3A = arith.constant dense<0.000000e+00> : vector<1024xf32>
    %reduce_sum3A_24 = vector.multi_reduction <add>, %get3A_3, %reduce_sum3A [1] : vector<1024x256xf32> to vector<1024xf32>
    %broadcast_in_dim3A = vector.shape_cast %reduce_sum3A_24 : vector<1024xf32> to vector<1024x1xf32>
    %div3A = arith.constant 2.560000e+02 : f32
    %div3A_25 = vector.broadcast %div3A : f32 to vector<1024x1xf32>
    %div3A_26 = arith.divf %broadcast_in_dim3A, %div3A_25 : vector<1024x1xf32>
    %reduce_sum3A_27 = arith.constant dense<0.000000e+00> : vector<256xf32>
    %reduce_sum3A_28 = vector.multi_reduction <add>, %get3A_3, %reduce_sum3A_27 [0] : vector<1024x256xf32> to vector<256xf32>
    %broadcast_in_dim3A_29 = vector.shape_cast %reduce_sum3A_28 : vector<256xf32> to vector<1x256xf32>
    %div3A_30 = arith.constant 1.024000e+03 : f32
    %div3A_31 = vector.broadcast %div3A_30 : f32 to vector<1x256xf32>
    %div3A_32 = arith.divf %broadcast_in_dim3A_29, %div3A_31 : vector<1x256xf32>
    %mul3A = vector.broadcast %get3A_7 : f32 to vector<1024x1xf32>
    %mul3A_33 = arith.mulf %mul3A, %div3A_26 : vector<1024x1xf32>
    %add3A = vector.broadcast %get3A_11 : f32 to vector<1024x1xf32>
    %add3A_34 = arith.addf %mul3A_33, %add3A : vector<1024x1xf32>
    %logistic3A = arith.negf %add3A_34 : vector<1024x1xf32>
    %logistic3A_35 = math.exp %logistic3A : vector<1024x1xf32>
    %logistic3A_36 = arith.constant 1.000000e+00 : f32
    %logistic3A_37 = vector.broadcast %logistic3A_36 : f32 to vector<1024x1xf32>
    %logistic3A_38 = arith.addf %logistic3A_37, %logistic3A_35 : vector<1024x1xf32>
    %logistic3A_39 = arith.divf %logistic3A_37, %logistic3A_38 : vector<1024x1xf32>
    %mul3A_40 = vector.broadcast %get3A_7 : f32 to vector<1x256xf32>
    %mul3A_41 = arith.mulf %mul3A_40, %div3A_32 : vector<1x256xf32>
    %add3A_42 = vector.broadcast %get3A_11 : f32 to vector<1x256xf32>
    %add3A_43 = arith.addf %mul3A_41, %add3A_42 : vector<1x256xf32>
    %logistic3A_44 = arith.negf %add3A_43 : vector<1x256xf32>
    %logistic3A_45 = math.exp %logistic3A_44 : vector<1x256xf32>
    %logistic3A_46 = arith.constant 1.000000e+00 : f32
    %logistic3A_47 = vector.broadcast %logistic3A_46 : f32 to vector<1x256xf32>
    %logistic3A_48 = arith.addf %logistic3A_47, %logistic3A_45 : vector<1x256xf32>
    %logistic3A_49 = arith.divf %logistic3A_47, %logistic3A_48 : vector<1x256xf32>
    %mul3A_50 = vector.broadcast %logistic3A_39 : vector<1024x1xf32> to vector<1024x256xf32>
    %mul3A_51 = arith.mulf %get3A_3, %mul3A_50 : vector<1024x256xf32>
    %mul3A_52 = vector.broadcast %logistic3A_49 : vector<1x256xf32> to vector<1024x256xf32>
    %mul3A_53 = arith.mulf %mul3A_51, %mul3A_52 : vector<1024x256xf32>
    %reduce_sum3A_54 = vector.shape_cast %mul3A_53 : vector<1024x256xf32> to vector<1x1024x256xf32>
    %reduce_sum3A_55 = arith.constant dense<0.000000e+00> : vector<1xf32>
    %reduce_sum3A_56 = vector.multi_reduction <add>, %reduce_sum3A_54, %reduce_sum3A_55 [1, 2] : vector<1x1024x256xf32> to vector<1xf32>
    %reduce_sum3A_57 = vector.shape_cast %reduce_sum3A_56 : vector<1xf32> to vector<1x1x1xf32>
    %reduce_sum3A_58 = vector.extract %reduce_sum3A_57[0, 0, 0] : f32 from vector<1x1x1xf32>
    %div3A_59 = arith.constant 2.621440e+05 : f32
    %div3A_60 = arith.divf %reduce_sum3A_58, %div3A_59 : f32
    %sub3A = vector.broadcast %div3A_60 : f32 to vector<1024x256xf32>
    %sub3A_61 = arith.subf %mul3A_53, %sub3A : vector<1024x256xf32>
    %integer_pow3A = arith.mulf %sub3A_61, %sub3A_61 : vector<1024x256xf32>
    %reduce_sum3A_62 = vector.shape_cast %integer_pow3A : vector<1024x256xf32> to vector<1x1024x256xf32>
    %reduce_sum3A_63 = arith.constant dense<0.000000e+00> : vector<1xf32>
    %reduce_sum3A_64 = vector.multi_reduction <add>, %reduce_sum3A_62, %reduce_sum3A_63 [1, 2] : vector<1x1024x256xf32> to vector<1xf32>
    %reduce_sum3A_65 = vector.shape_cast %reduce_sum3A_64 : vector<1xf32> to vector<1x1x1xf32>
    %reduce_sum3A_66 = vector.extract %reduce_sum3A_65[0, 0, 0] : f32 from vector<1x1x1xf32>
    %div3A_67 = arith.constant 2.621440e+05 : f32
    %div3A_68 = arith.divf %reduce_sum3A_66, %div3A_67 : f32
    %sub3A_69 = vector.broadcast %div3A_60 : f32 to vector<1024x256xf32>
    %sub3A_70 = arith.subf %mul3A_53, %sub3A_69 : vector<1024x256xf32>
    %add3A_71 = arith.constant 9.99999974E-6 : f32
    %add3A_72 = arith.addf %div3A_68, %add3A_71 : f32
    %sqrt3A = math.sqrt %add3A_72 : f32
    %div3A_73 = vector.broadcast %sqrt3A : f32 to vector<1024x256xf32>
    %div3A_74 = arith.divf %sub3A_70, %div3A_73 : vector<1024x256xf32>
    %mul3A_75 = vector.broadcast %get3A_15 : f32 to vector<1024x256xf32>
    %mul3A_76 = arith.mulf %div3A_74, %mul3A_75 : vector<1024x256xf32>
    %add3A_77 = vector.broadcast %get3A_19 : f32 to vector<1024x256xf32>
    %add3A_78 = arith.addf %mul3A_76, %add3A_77 : vector<1024x256xf32>
    %broadcast_in_dim3A_79 = arith.constant 0.000000e+00 : f32
    %broadcast_in_dim3A_80 = vector.broadcast %broadcast_in_dim3A_79 : f32 to vector<1x256xf32>
    %broadcast_in_dim3A_81 = arith.constant 0.000000e+00 : f32
    %broadcast_in_dim3A_82 = vector.broadcast %broadcast_in_dim3A_81 : f32 to vector<1024x1xf32>
    %broadcast_in_dim3A_83 = arith.constant 0.000000e+00 : f32
    %broadcast_in_dim3A_84 = vector.broadcast %broadcast_in_dim3A_83 : f32 to vector<1024x256xf32>
    %add3A_85 = vector.broadcast %get3A_23 : f32 to vector<1024x256xf32>
    %add3A_86 = arith.addf %broadcast_in_dim3A_84, %add3A_85 : vector<1024x256xf32>
    %get3A_87 = arith.constant 0 : index
    %get3A_88 = arith.constant 0 : index
    %get3A_89 = vector.load %arg4[%get3A_87, %get3A_88] : memref<1x9xf32, #tpu.memory_space<vmem>>, vector<1x1xf32>
    %get3A_90 = vector.extract %get3A_89[0, 0] : f32 from vector<1x1xf32>
    %slice3A = vector.extract_strided_slice %get3A_3 {offsets = [0, 0], sizes = [1023, 256], strides = [1, 1]} : vector<1024x256xf32> to vector<1023x256xf32>
    %concatenate3A = tpu.concatenate %broadcast_in_dim3A_80, %slice3A in 0 : vector<1x256xf32>, vector<1023x256xf32> -> vector<1024x256xf32>
    %slice3A_91 = vector.extract_strided_slice %concatenate3A {offsets = [0, 0], sizes = [1024, 255], strides = [1, 1]} : vector<1024x256xf32> to vector<1024x255xf32>
    %concatenate3A_92 = tpu.concatenate %broadcast_in_dim3A_82, %slice3A_91 in 1 : vector<1024x1xf32>, vector<1024x255xf32> -> vector<1024x256xf32>
    %mul3A_93 = vector.broadcast %get3A_90 : f32 to vector<1024x256xf32>
    %mul3A_94 = arith.mulf %mul3A_93, %concatenate3A_92 : vector<1024x256xf32>
    %add3A_95 = arith.addf %add3A_86, %mul3A_94 : vector<1024x256xf32>
    %get3A_96 = arith.constant 0 : index
    %get3A_97 = arith.constant 1 : index
    %get3A_98 = vector.load %arg4[%get3A_96, %get3A_97] : memref<1x9xf32, #tpu.memory_space<vmem>>, vector<1x1xf32>
    %get3A_99 = vector.extract %get3A_98[0, 0] : f32 from vector<1x1xf32>
    %slice3A_100 = vector.extract_strided_slice %get3A_3 {offsets = [0, 0], sizes = [1023, 256], strides = [1, 1]} : vector<1024x256xf32> to vector<1023x256xf32>
    %concatenate3A_101 = tpu.concatenate %broadcast_in_dim3A_80, %slice3A_100 in 0 : vector<1x256xf32>, vector<1023x256xf32> -> vector<1024x256xf32>
    %mul3A_102 = vector.broadcast %get3A_99 : f32 to vector<1024x256xf32>
    %mul3A_103 = arith.mulf %mul3A_102, %concatenate3A_101 : vector<1024x256xf32>
    %add3A_104 = arith.addf %add3A_95, %mul3A_103 : vector<1024x256xf32>
    %get3A_105 = arith.constant 0 : index
    %get3A_106 = arith.constant 2 : index
    %get3A_107 = vector.load %arg4[%get3A_105, %get3A_106] : memref<1x9xf32, #tpu.memory_space<vmem>>, vector<1x1xf32>
    %get3A_108 = vector.extract %get3A_107[0, 0] : f32 from vector<1x1xf32>
    %slice3A_109 = vector.extract_strided_slice %get3A_3 {offsets = [0, 0], sizes = [1023, 256], strides = [1, 1]} : vector<1024x256xf32> to vector<1023x256xf32>
    %concatenate3A_110 = tpu.concatenate %broadcast_in_dim3A_80, %slice3A_109 in 0 : vector<1x256xf32>, vector<1023x256xf32> -> vector<1024x256xf32>
    %slice3A_111 = vector.extract_strided_slice %concatenate3A_110 {offsets = [0, 1], sizes = [1024, 255], strides = [1, 1]} : vector<1024x256xf32> to vector<1024x255xf32>
    %concatenate3A_112 = tpu.concatenate %slice3A_111, %broadcast_in_dim3A_82 in 1 : vector<1024x255xf32>, vector<1024x1xf32> -> vector<1024x256xf32>
    %mul3A_113 = vector.broadcast %get3A_108 : f32 to vector<1024x256xf32>
    %mul3A_114 = arith.mulf %mul3A_113, %concatenate3A_112 : vector<1024x256xf32>
    %add3A_115 = arith.addf %add3A_104, %mul3A_114 : vector<1024x256xf32>
    %get3A_116 = arith.constant 0 : index
    %get3A_117 = arith.constant 3 : index
    %get3A_118 = vector.load %arg4[%get3A_116, %get3A_117] : memref<1x9xf32, #tpu.memory_space<vmem>>, vector<1x1xf32>
    %get3A_119 = vector.extract %get3A_118[0, 0] : f32 from vector<1x1xf32>
    %slice3A_120 = vector.extract_strided_slice %get3A_3 {offsets = [0, 0], sizes = [1024, 255], strides = [1, 1]} : vector<1024x256xf32> to vector<1024x255xf32>
    %concatenate3A_121 = tpu.concatenate %broadcast_in_dim3A_82, %slice3A_120 in 1 : vector<1024x1xf32>, vector<1024x255xf32> -> vector<1024x256xf32>
    %mul3A_122 = vector.broadcast %get3A_119 : f32 to vector<1024x256xf32>
    %mul3A_123 = arith.mulf %mul3A_122, %concatenate3A_121 : vector<1024x256xf32>
    %add3A_124 = arith.addf %add3A_115, %mul3A_123 : vector<1024x256xf32>
    %get3A_125 = arith.constant 0 : index
    %get3A_126 = arith.constant 4 : index
    %get3A_127 = vector.load %arg4[%get3A_125, %get3A_126] : memref<1x9xf32, #tpu.memory_space<vmem>>, vector<1x1xf32>
    %get3A_128 = vector.extract %get3A_127[0, 0] : f32 from vector<1x1xf32>
    %mul3A_129 = vector.broadcast %get3A_128 : f32 to vector<1024x256xf32>
    %mul3A_130 = arith.mulf %mul3A_129, %get3A_3 : vector<1024x256xf32>
    %add3A_131 = arith.addf %add3A_124, %mul3A_130 : vector<1024x256xf32>
    %get3A_132 = arith.constant 0 : index
    %get3A_133 = arith.constant 5 : index
    %get3A_134 = vector.load %arg4[%get3A_132, %get3A_133] : memref<1x9xf32, #tpu.memory_space<vmem>>, vector<1x1xf32>
    %get3A_135 = vector.extract %get3A_134[0, 0] : f32 from vector<1x1xf32>
    %slice3A_136 = vector.extract_strided_slice %get3A_3 {offsets = [0, 1], sizes = [1024, 255], strides = [1, 1]} : vector<1024x256xf32> to vector<1024x255xf32>
    %concatenate3A_137 = tpu.concatenate %slice3A_136, %broadcast_in_dim3A_82 in 1 : vector<1024x255xf32>, vector<1024x1xf32> -> vector<1024x256xf32>
    %mul3A_138 = vector.broadcast %get3A_135 : f32 to vector<1024x256xf32>
    %mul3A_139 = arith.mulf %mul3A_138, %concatenate3A_137 : vector<1024x256xf32>
    %add3A_140 = arith.addf %add3A_131, %mul3A_139 : vector<1024x256xf32>
    %get3A_141 = arith.constant 0 : index
    %get3A_142 = arith.constant 6 : index
    %get3A_143 = vector.load %arg4[%get3A_141, %get3A_142] : memref<1x9xf32, #tpu.memory_space<vmem>>, vector<1x1xf32>
    %get3A_144 = vector.extract %get3A_143[0, 0] : f32 from vector<1x1xf32>
    %slice3A_145 = vector.extract_strided_slice %get3A_3 {offsets = [1, 0], sizes = [1023, 256], strides = [1, 1]} : vector<1024x256xf32> to vector<1023x256xf32>
    %concatenate3A_146 = tpu.concatenate %slice3A_145, %broadcast_in_dim3A_80 in 0 : vector<1023x256xf32>, vector<1x256xf32> -> vector<1024x256xf32>
    %slice3A_147 = vector.extract_strided_slice %concatenate3A_146 {offsets = [0, 0], sizes = [1024, 255], strides = [1, 1]} : vector<1024x256xf32> to vector<1024x255xf32>
    %concatenate3A_148 = tpu.concatenate %broadcast_in_dim3A_82, %slice3A_147 in 1 : vector<1024x1xf32>, vector<1024x255xf32> -> vector<1024x256xf32>
    %mul3A_149 = vector.broadcast %get3A_144 : f32 to vector<1024x256xf32>
    %mul3A_150 = arith.mulf %mul3A_149, %concatenate3A_148 : vector<1024x256xf32>
    %add3A_151 = arith.addf %add3A_140, %mul3A_150 : vector<1024x256xf32>
    %get3A_152 = arith.constant 0 : index
    %get3A_153 = arith.constant 7 : index
    %get3A_154 = vector.load %arg4[%get3A_152, %get3A_153] : memref<1x9xf32, #tpu.memory_space<vmem>>, vector<1x1xf32>
    %get3A_155 = vector.extract %get3A_154[0, 0] : f32 from vector<1x1xf32>
    %slice3A_156 = vector.extract_strided_slice %get3A_3 {offsets = [1, 0], sizes = [1023, 256], strides = [1, 1]} : vector<1024x256xf32> to vector<1023x256xf32>
    %concatenate3A_157 = tpu.concatenate %slice3A_156, %broadcast_in_dim3A_80 in 0 : vector<1023x256xf32>, vector<1x256xf32> -> vector<1024x256xf32>
    %mul3A_158 = vector.broadcast %get3A_155 : f32 to vector<1024x256xf32>
    %mul3A_159 = arith.mulf %mul3A_158, %concatenate3A_157 : vector<1024x256xf32>
    %add3A_160 = arith.addf %add3A_151, %mul3A_159 : vector<1024x256xf32>
    %get3A_161 = arith.constant 0 : index
    %get3A_162 = arith.constant 8 : index
    %get3A_163 = vector.load %arg4[%get3A_161, %get3A_162] : memref<1x9xf32, #tpu.memory_space<vmem>>, vector<1x1xf32>
    %get3A_164 = vector.extract %get3A_163[0, 0] : f32 from vector<1x1xf32>
    %slice3A_165 = vector.extract_strided_slice %get3A_3 {offsets = [1, 0], sizes = [1023, 256], strides = [1, 1]} : vector<1024x256xf32> to vector<1023x256xf32>
    %concatenate3A_166 = tpu.concatenate %slice3A_165, %broadcast_in_dim3A_80 in 0 : vector<1023x256xf32>, vector<1x256xf32> -> vector<1024x256xf32>
    %slice3A_167 = vector.extract_strided_slice %concatenate3A_166 {offsets = [0, 1], sizes = [1024, 255], strides = [1, 1]} : vector<1024x256xf32> to vector<1024x255xf32>
    %concatenate3A_168 = tpu.concatenate %slice3A_167, %broadcast_in_dim3A_82 in 1 : vector<1024x255xf32>, vector<1024x1xf32> -> vector<1024x256xf32>
    %mul3A_169 = vector.broadcast %get3A_164 : f32 to vector<1024x256xf32>
    %mul3A_170 = arith.mulf %mul3A_169, %concatenate3A_168 : vector<1024x256xf32>
    %add3A_171 = arith.addf %add3A_160, %mul3A_170 : vector<1024x256xf32>
    %add3A_172 = arith.addf %add3A_78, %add3A_171 : vector<1024x256xf32>
    %logistic3A_173 = arith.negf %add3A_172 : vector<1024x256xf32>
    %logistic3A_174 = math.exp %logistic3A_173 : vector<1024x256xf32>
    %logistic3A_175 = arith.constant 1.000000e+00 : f32
    %logistic3A_176 = vector.broadcast %logistic3A_175 : f32 to vector<1024x256xf32>
    %logistic3A_177 = arith.addf %logistic3A_176, %logistic3A_174 : vector<1024x256xf32>
    %logistic3A_178 = arith.divf %logistic3A_176, %logistic3A_177 : vector<1024x256xf32>
    %mul3A_179 = arith.mulf %get3A_3, %logistic3A_178 : vector<1024x256xf32>
    %swap3A = arith.constant 0 : index
    %swap3A_180 = arith.constant 0 : index
    %swap3A_181 = arith.constant 0 : index
    %swap3A_182 = vector.load %arg8[%swap3A, %swap3A_180, %swap3A_181] : memref<1x1024x256xf32, #tpu.memory_space<vmem>>, vector<1x1024x256xf32>
    %swap3A_183 = vector.shape_cast %swap3A_182 : vector<1x1024x256xf32> to vector<1024x256xf32>
    %swap3A_184 = vector.shape_cast %mul3A_179 : vector<1024x256xf32> to vector<1x1024x256xf32>
    tpu.vector_store %arg8[%swap3A, %swap3A_180, %swap3A_181], %swap3A_184 {strides = array<i32>} : memref<1x1024x256xf32, #tpu.memory_space<vmem>>, vector<1x1024x256xf32>,
    return
  }
  func.func @transform_0(%arg0: i32) -> (i32, i32, i32) {
    %c0_i32 = arith.constant 0 : i32
    %c0_i32_0 = arith.constant 0 : i32
    %c0_i32_1 = arith.constant 0 : i32
    return %arg0, %c0_i32, %c0_i32_0 : i32, i32, i32
  }
  func.func @transform_1(%arg0: i32) -> (i32, i32) {
    %c0_i32 = arith.constant 0 : i32
    %c0_i32_0 = arith.constant 0 : i32
    %c0_i32_1 = arith.constant 0 : i32
    return %c0_i32, %c0_i32_0 : i32, i32
  }
  func.func @transform_2(%arg0: i32) -> (i32, i32) {
    %c0_i32 = arith.constant 0 : i32
    %c0_i32_0 = arith.constant 0 : i32
    %c0_i32_1 = arith.constant 0 : i32
    return %c0_i32, %c0_i32_0 : i32, i32
  }
  func.func @transform_3(%arg0: i32) -> (i32, i32) {
    %c0_i32 = arith.constant 0 : i32
    %c0_i32_0 = arith.constant 0 : i32
    %c0_i32_1 = arith.constant 0 : i32
    return %c0_i32, %c0_i32_0 : i32, i32
  }
  func.func @transform_4(%arg0: i32) -> (i32, i32) {
    %c0_i32 = arith.constant 0 : i32
    %c0_i32_0 = arith.constant 0 : i32
    %c0_i32_1 = arith.constant 0 : i32
    return %c0_i32, %c0_i32_0 : i32, i32
  }
  func.func @transform_5(%arg0: i32) -> (i32, i32) {
    %c0_i32 = arith.constant 0 : i32
    %c0_i32_0 = arith.constant 0 : i32
    %c0_i32_1 = arith.constant 0 : i32
    return %c0_i32, %c0_i32_0 : i32, i32
  }
  func.func @transform_6(%arg0: i32) -> (i32, i32) {
    %c0_i32 = arith.constant 0 : i32
    %c0_i32_0 = arith.constant 0 : i32
    %c0_i32_1 = arith.constant 0 : i32
    return %c0_i32, %c0_i32_0 : i32, i32
  }
  func.func @transform_7(%arg0: i32) -> (i32, i32, i32) {
    %c0_i32 = arith.constant 0 : i32
    %c0_i32_0 = arith.constant 0 : i32
    %c0_i32_1 = arith.constant 0 : i32
    return %arg0, %c0_i32, %c0_i32_0 : i32, i32, i32
  }
}

module attributes {stable_mosaic.version = 14 : i64} {
  func.func @_mm_nt_kernel(%arg0: i32, %arg1: memref<256x1280xf32, #tpu.memory_space<vmem>>, %arg2: memref<256x1280xf32, #tpu.memory_space<vmem>>, %arg3: memref<1x256xf32, #tpu.memory_space<vmem>>, %arg4: memref<256x256xf32, #tpu.memory_space<vmem>>) attributes {dimension_semantics = [#tpu.dimension_semantics<arbitrary>], iteration_bounds = array<i64: 4>, scalar_prefetch = 0 : i64, scratch_operands = 0 : i64, tpu.core_type = #tpu.core_type<tc>, window_params = [{transform_indices = @transform_0, window_bounds = array<i64: 256, 1280>}, {pipeline_mode = #tpu.pipeline_mode<synchronous>, transform_indices = @transform_1, window_bounds = array<i64: 256, 1280>}, {pipeline_mode = #tpu.pipeline_mode<synchronous>, transform_indices = @transform_2, window_bounds = array<i64: 1, 256>}, {transform_indices = @transform_3, window_bounds = array<i64: 256, 256>}]} {
    %get3A = arith.constant 0 : index
    %get3A_0 = arith.constant 0 : index
    %get3A_1 = vector.load %arg1[%get3A, %get3A_0] : memref<256x1280xf32, #tpu.memory_space<vmem>>, vector<256x1280xf32>
    %get3A_2 = arith.constant 0 : index
    %get3A_3 = arith.constant 0 : index
    %get3A_4 = vector.load %arg2[%get3A_2, %get3A_3] : memref<256x1280xf32, #tpu.memory_space<vmem>>, vector<256x1280xf32>
    %dot_general3A = arith.constant dense<0.000000e+00> : vector<256x256xf32>
    %dot_general3A_5 = tpu.matmul %get3A_1, %get3A_4, %dot_general3A {dimension_numbers = #tpu.dot_dimension_numbers<[1], [1], [0], [0], [0, 0, 1, 0], [], []>, transpose_lhs_hint = false} : vector<256x1280xf32>, vector<256x1280xf32>, vector<256x256xf32> -> vector<256x256xf32>
    %get3A_6 = arith.constant 0 : index
    %get3A_7 = arith.constant 0 : index
    %get3A_8 = vector.load %arg3[%get3A_6, %get3A_7] : memref<1x256xf32, #tpu.memory_space<vmem>>, vector<1x256xf32>
    %add3A = vector.broadcast %get3A_8 : vector<1x256xf32> to vector<256x256xf32>
    %add3A_9 = arith.addf %dot_general3A_5, %add3A : vector<256x256xf32>
    %swap3A = arith.constant 0 : index
    %swap3A_10 = arith.constant 0 : index
    %swap3A_11 = vector.load %arg4[%swap3A, %swap3A_10] : memref<256x256xf32, #tpu.memory_space<vmem>>, vector<256x256xf32>
    tpu.vector_store %arg4[%swap3A, %swap3A_10], %add3A_9 {strides = array<i32>} : memref<256x256xf32, #tpu.memory_space<vmem>>, vector<256x256xf32>,
    return
  }
  func.func @transform_0(%arg0: i32) -> (i32, i32) {
    %c0_i32 = arith.constant 0 : i32
    %c0_i32_0 = arith.constant 0 : i32
    return %arg0, %c0_i32 : i32, i32
  }
  func.func @transform_1(%arg0: i32) -> (i32, i32) {
    %c0_i32 = arith.constant 0 : i32
    %c0_i32_0 = arith.constant 0 : i32
    %c0_i32_1 = arith.constant 0 : i32
    return %c0_i32, %c0_i32_0 : i32, i32
  }
  func.func @transform_2(%arg0: i32) -> (i32, i32) {
    %c0_i32 = arith.constant 0 : i32
    %c0_i32_0 = arith.constant 0 : i32
    %c0_i32_1 = arith.constant 0 : i32
    return %c0_i32, %c0_i32_0 : i32, i32
  }
  func.func @transform_3(%arg0: i32) -> (i32, i32) {
    %c0_i32 = arith.constant 0 : i32
    %c0_i32_0 = arith.constant 0 : i32
    return %arg0, %c0_i32 : i32, i32
  }
}

module attributes {stable_mosaic.version = 14 : i64} {
  func.func @_mm_nt_kernel(%arg0: i32, %arg1: memref<256x1280xf32, #tpu.memory_space<vmem>>, %arg2: memref<256x1280xf32, #tpu.memory_space<vmem>>, %arg3: memref<1x256xf32, #tpu.memory_space<vmem>>, %arg4: memref<256x256xf32, #tpu.memory_space<vmem>>) attributes {dimension_semantics = [#tpu.dimension_semantics<arbitrary>], iteration_bounds = array<i64: 8>, scalar_prefetch = 0 : i64, scratch_operands = 0 : i64, tpu.core_type = #tpu.core_type<tc>, window_params = [{transform_indices = @transform_0, window_bounds = array<i64: 256, 1280>}, {pipeline_mode = #tpu.pipeline_mode<synchronous>, transform_indices = @transform_1, window_bounds = array<i64: 256, 1280>}, {pipeline_mode = #tpu.pipeline_mode<synchronous>, transform_indices = @transform_2, window_bounds = array<i64: 1, 256>}, {transform_indices = @transform_3, window_bounds = array<i64: 256, 256>}]} {
    %get3A = arith.constant 0 : index
    %get3A_0 = arith.constant 0 : index
    %get3A_1 = vector.load %arg1[%get3A, %get3A_0] : memref<256x1280xf32, #tpu.memory_space<vmem>>, vector<256x1280xf32>
    %get3A_2 = arith.constant 0 : index
    %get3A_3 = arith.constant 0 : index
    %get3A_4 = vector.load %arg2[%get3A_2, %get3A_3] : memref<256x1280xf32, #tpu.memory_space<vmem>>, vector<256x1280xf32>
    %dot_general3A = arith.constant dense<0.000000e+00> : vector<256x256xf32>
    %dot_general3A_5 = tpu.matmul %get3A_1, %get3A_4, %dot_general3A {dimension_numbers = #tpu.dot_dimension_numbers<[1], [1], [0], [0], [0, 0, 1, 0], [], []>, transpose_lhs_hint = false} : vector<256x1280xf32>, vector<256x1280xf32>, vector<256x256xf32> -> vector<256x256xf32>
    %get3A_6 = arith.constant 0 : index
    %get3A_7 = arith.constant 0 : index
    %get3A_8 = vector.load %arg3[%get3A_6, %get3A_7] : memref<1x256xf32, #tpu.memory_space<vmem>>, vector<1x256xf32>
    %add3A = vector.broadcast %get3A_8 : vector<1x256xf32> to vector<256x256xf32>
    %add3A_9 = arith.addf %dot_general3A_5, %add3A : vector<256x256xf32>
    %swap3A = arith.constant 0 : index
    %swap3A_10 = arith.constant 0 : index
    %swap3A_11 = vector.load %arg4[%swap3A, %swap3A_10] : memref<256x256xf32, #tpu.memory_space<vmem>>, vector<256x256xf32>
    tpu.vector_store %arg4[%swap3A, %swap3A_10], %add3A_9 {strides = array<i32>} : memref<256x256xf32, #tpu.memory_space<vmem>>, vector<256x256xf32>,
    return
  }
  func.func @transform_0(%arg0: i32) -> (i32, i32) {
    %c0_i32 = arith.constant 0 : i32
    %c0_i32_0 = arith.constant 0 : i32
    return %arg0, %c0_i32 : i32, i32
  }
  func.func @transform_1(%arg0: i32) -> (i32, i32) {
    %c0_i32 = arith.constant 0 : i32
    %c0_i32_0 = arith.constant 0 : i32
    %c0_i32_1 = arith.constant 0 : i32
    return %c0_i32, %c0_i32_0 : i32, i32
  }
  func.func @transform_2(%arg0: i32) -> (i32, i32) {
    %c0_i32 = arith.constant 0 : i32
    %c0_i32_0 = arith.constant 0 : i32
    %c0_i32_1 = arith.constant 0 : i32
    return %c0_i32, %c0_i32_0 : i32, i32
  }
  func.func @transform_3(%arg0: i32) -> (i32, i32) {
    %c0_i32 = arith.constant 0 : i32
    %c0_i32_0 = arith.constant 0 : i32
    return %arg0, %c0_i32 : i32, i32
  }
}

module attributes {stable_mosaic.version = 14 : i64} {
  func.func @_mm_nn_kernel(%arg0: i32, %arg1: memref<256x256xf32, #tpu.memory_space<vmem>>, %arg2: memref<256x1024xf32, #tpu.memory_space<vmem>>, %arg3: memref<1x1024xf32, #tpu.memory_space<vmem>>, %arg4: memref<256x1024xf32, #tpu.memory_space<vmem>>) attributes {dimension_semantics = [#tpu.dimension_semantics<arbitrary>], iteration_bounds = array<i64: 8>, scalar_prefetch = 0 : i64, scratch_operands = 0 : i64, tpu.core_type = #tpu.core_type<tc>, window_params = [{transform_indices = @transform_0, window_bounds = array<i64: 256, 256>}, {pipeline_mode = #tpu.pipeline_mode<synchronous>, transform_indices = @transform_1, window_bounds = array<i64: 256, 1024>}, {pipeline_mode = #tpu.pipeline_mode<synchronous>, transform_indices = @transform_2, window_bounds = array<i64: 1, 1024>}, {transform_indices = @transform_3, window_bounds = array<i64: 256, 1024>}]} {
    %get3A = arith.constant 0 : index
    %get3A_0 = arith.constant 0 : index
    %get3A_1 = vector.load %arg1[%get3A, %get3A_0] : memref<256x256xf32, #tpu.memory_space<vmem>>, vector<256x256xf32>
    %get3A_2 = arith.constant 0 : index
    %get3A_3 = arith.constant 0 : index
    %get3A_4 = vector.load %arg2[%get3A_2, %get3A_3] : memref<256x1024xf32, #tpu.memory_space<vmem>>, vector<256x1024xf32>
    %dot_general3A = arith.constant dense<0.000000e+00> : vector<256x1024xf32>
    %dot_general3A_5 = tpu.matmul %get3A_1, %get3A_4, %dot_general3A {dimension_numbers = #tpu.dot_dimension_numbers<[1], [0], [0], [1], [0, 0, 1, 1], [], []>, transpose_lhs_hint = false} : vector<256x256xf32>, vector<256x1024xf32>, vector<256x1024xf32> -> vector<256x1024xf32>
    %get3A_6 = arith.constant 0 : index
    %get3A_7 = arith.constant 0 : index
    %get3A_8 = vector.load %arg3[%get3A_6, %get3A_7] : memref<1x1024xf32, #tpu.memory_space<vmem>>, vector<1x1024xf32>
    %add3A = vector.broadcast %get3A_8 : vector<1x1024xf32> to vector<256x1024xf32>
    %add3A_9 = arith.addf %dot_general3A_5, %add3A : vector<256x1024xf32>
    %logistic3A = arith.negf %add3A_9 : vector<256x1024xf32>
    %logistic3A_10 = math.exp %logistic3A : vector<256x1024xf32>
    %logistic3A_11 = arith.constant 1.000000e+00 : f32
    %logistic3A_12 = vector.broadcast %logistic3A_11 : f32 to vector<256x1024xf32>
    %logistic3A_13 = arith.addf %logistic3A_12, %logistic3A_10 : vector<256x1024xf32>
    %logistic3A_14 = arith.divf %logistic3A_12, %logistic3A_13 : vector<256x1024xf32>
    %swap3A = arith.constant 0 : index
    %swap3A_15 = arith.constant 0 : index
    %swap3A_16 = vector.load %arg4[%swap3A, %swap3A_15] : memref<256x1024xf32, #tpu.memory_space<vmem>>, vector<256x1024xf32>
    tpu.vector_store %arg4[%swap3A, %swap3A_15], %logistic3A_14 {strides = array<i32>} : memref<256x1024xf32, #tpu.memory_space<vmem>>, vector<256x1024xf32>,
    return
  }
  func.func @transform_0(%arg0: i32) -> (i32, i32) {
    %c0_i32 = arith.constant 0 : i32
    %c0_i32_0 = arith.constant 0 : i32
    return %arg0, %c0_i32 : i32, i32
  }
  func.func @transform_1(%arg0: i32) -> (i32, i32) {
    %c0_i32 = arith.constant 0 : i32
    %c0_i32_0 = arith.constant 0 : i32
    %c0_i32_1 = arith.constant 0 : i32
    return %c0_i32, %c0_i32_0 : i32, i32
  }
  func.func @transform_2(%arg0: i32) -> (i32, i32) {
    %c0_i32 = arith.constant 0 : i32
    %c0_i32_0 = arith.constant 0 : i32
    %c0_i32_1 = arith.constant 0 : i32
    return %c0_i32, %c0_i32_0 : i32, i32
  }
  func.func @transform_3(%arg0: i32) -> (i32, i32) {
    %c0_i32 = arith.constant 0 : i32
    %c0_i32_0 = arith.constant 0 : i32
    return %arg0, %c0_i32 : i32, i32
  }
}

</mosaic_0001>

<sc_bundles>
// kernel: gather_offload_async_start.1
scs
__scs_entry_jumppad:
0x0: {  	(pc) =	sbr.rel $0x88, $3  }
0x1: {  	(tag) =	ssettag $0x0;
	lr =	simm.s32 $0x1  }
0x2: {  	[smem:$0x3F88] =	sst lr;
	_ =	strace $0xD0000000  }
0x3: {  	_ = 	snop  }
0x4: {  	_ = 	snop  }
0x5: {  	_ = 	snop  }
0x6: {  	_ = 	snop  }
0x7: {  	_ = 	snop  }
__scs_overlays_trampoline_lowered:
0x8: {  	[smem:$0x3F97] =	sst s0  }
0x9: {  	[smem:$0x3F98] =	sst s1  }
0xa: {  	[smem:$0x3F99] =	sst s2  }
0xb: {  	[smem:$0x3F9A] =	sst s3  }
0xc: {  	[smem:$0x3F9B] =	sst s4  }
0xd: {  	[smem:$0x3F9C] =	sst s5  }
0xe: {  	[smem:$0x3F9D] =	sst s6  }
0xf: {  	[smem:$0x3F9E] =	sst s7  }
0x10: {  	[smem:$0x3F9F] =	sst s8  }
0x11: {  	[smem:$0x3FA0] =	sst s9;
	s0 =	simm.s32 @!p0 $0x0  }
0x12: {  	s1 =	sld [smem:$0x3F86];
	s0 =	simm.s32 @p0 $0x1  }
0x13: {  	[smem:$0x3FA1] =	sst s0;
	s0 =	simm.s32 @!p1 $0x0  }
0x14: {  	s2 =	sld [smem:$0x3F85];
	s0 =	simm.s32 @p1 $0x1  }
0x15: {  	[smem:$0x3FA2] =	sst s0;
	s0 =	simm.s32 @!p2 $0x0  }
0x16: {  	s3 =	sld [smem:$0x3FDB];
	s0 =	simm.s32 @p2 $0x1  }
0x17: {  	s4 =	simm.s32 $0x1BF5;
	[smem:$0x3FA4] =	sst s0  }
0x18: {  	s0 =	sld [smem:$0x3F87];
	_ =	swait.ge [sflag:s4], $0x0  }
0x19: {  	s7 =	sld [smem:$0x3F88]  }
0x1a: {  	s8 =	sadd.s32 $0xFFFFE003, lr  }
0x1b: {  	s9 =	sadd.s32 $0xFFFFFEF7, lr;
	s5 =	simm.s32 $0xFFFFFFFF;
	p2 =	slt.u32 s8, $0xFFFFF086  }
0x1c: {  	p1 =	slt.u32 s9, $0xF7A;
	s5 =	simm.s32 @!p2 $0x0  }
0x1d: {  	s5 =	simm.s32 @p1 $0x1;
	p0 =	seq.s32 s7, s2  }
0x1e: {  	s7 =	smul.u32 @!p0 $0xF7A, s2;
	p2 =	seq.s32 @!p0 s5, $0x0  }
0x1f: {  	s9 =	smul.u32 $0xF7A, s1;
	s8 =	simm.s32 @!p0 $0x1BF5;
	p2 =	por !p2, p0  }
0x20: {  	[sflag:s8] =	ssyncset.s32 @!p0 $0xFFFFF086;
	s6 =	sadd.s32 @!p0 s3, s7;
	s7 =	simm.s32 @!p0 $0x108  }
0x21: {  	s3 =	sadd.s32 s3, s9;
	s6 =	sadd.s32 @!p0 $0x88, s6;
	s7 =	simm.s32 @p2 $0x1082  }
0x22: {  	[simem:s7], [sflag:s8] =	dma.local @!p0 [hbm:s6], $0xF7A  }
0x23: {  	s9 =	sor.u32 $0xD0000000, s2;
	s6 =	simm.s32 $0x108;
	_ =	swait.ge @!p0 [sflag:s8], $0x0  }
0x24: {  	s3 =	sadd.s32 $0x88, s3;
	s6 =	simm.s32 @!p1 $0x1082;
	[sflag:s4] =	ssyncset.s32 $0xFFFFF086  }
0x25: {  	[simem:s6], [sflag:s4] =	dma.local [hbm:s3], $0xF7A  }
0x26: {  	[smem:$0x3F88] =	sst s1;
	(tag) =	ssettag s2;
	_ =	strace s9  }
0x27: {  	s1 =	sld [smem:$0x3F98]  }
0x28: {  	s2 =	sld [smem:$0x3F99]  }
0x29: {  	s4 =	sld [smem:$0x3F9B]  }
0x2a: {  	p0 =	seq.s32 s5, $0x0;
	s5 =	sld [smem:$0x3F9C]  }
0x2b: {  	s6 =	sld [smem:$0x3F9D]  }
0x2c: {  	s7 =	sld [smem:$0x3F9E]  }
0x2d: {  	s3 =	simm.s32 $0x108;
	s8 =	sld [smem:$0x3F9F]  }
0x2e: {  	s3 =	simm.s32 @!p0 $0x1082;
	s9 =	sld [smem:$0x3FA0]  }
0x2f: {  	lr =	sadd.s32 s0, s3;
	s0 =	sld [smem:$0x3F97]  }
0x30: {  	s3 =	sld [smem:$0x3F9A]  }
0x31: {  	[smem:$0x3FA3] =	sst s10  }
0x32: {  	s10 =	sld [smem:$0x3FA1];
	_ =	sdelay $0x3  }
0x33: {  	p0 =	seq.s32 s10, $0x1;
	s10 =	sld [smem:$0x3FA3];
	_ =	sdelay $0x3  }
0x34: {  	[smem:$0x3FA3] =	sst s10  }
0x35: {  	s10 =	sld [smem:$0x3FA2];
	_ =	sdelay $0x3  }
0x36: {  	p1 =	seq.s32 s10, $0x1;
	s10 =	sld [smem:$0x3FA3];
	_ =	sdelay $0x3  }
0x37: {  	[smem:$0x3FA3] =	sst s10  }
0x38: {  	s10 =	sld [smem:$0x3FA4]  }
0x39: {  	_ = 	snop;
	(pc) =	sbr.ind lr, $3  }
0x3a: {  	_ = 	snop  }
0x3b: {  	_ = 	snop  }
0x3c: {  	p2 =	seq.s32 s10, $0x1;
	s10 =	sld [smem:$0x3FA3]  }
0x3d: {  	_ =	shalt  }
0x3e: {  	_ =	shalt  }
0x3f: {  	_ =	shalt  }
0x40: {  	_ =	shalt  }
0x41: {  	_ =	shalt  }
0x42: {  	_ =	shalt  }
0x43: {  	_ =	shalt  }
0x44: {  	_ =	shalt  }
0x45: {  	_ =	shalt  }
0x46: {  	_ =	shalt  }
0x47: {  	_ =	shalt  }
0x48: {  	_ =	shalt  }
0x49: {  	_ =	shalt  }
0x4a: {  	_ =	shalt  }
0x4b: {  	_ =	shalt  }
0x4c: {  	_ =	shalt  }
0x4d: {  	_ =	shalt  }
0x4e: {  	_ =	shalt  }
0x4f: {  	_ =	shalt  }
0x50: {  	_ =	shalt  }
0x51: {  	_ =	shalt  }
0x52: {  	_ =	shalt  }
0x53: {  	_ =	shalt  }
0x54: {  	_ =	shalt  }
0x55: {  	_ =	shalt  }
0x56: {  	_ =	shalt  }
0x57: {  	_ =	shalt  }
0x58: {  	_ =	shalt  }
0x59: {  	_ =	shalt  }
0x5a: {  	_ =	shalt  }
0x5b: {  	_ =	shalt  }
0x5c: {  	_ =	shalt  }
0x5d: {  	_ =	shalt  }
0x5e: {  	_ =	shalt  }
0x5f: {  	_ =	shalt  }
0x60: {  	_ =	shalt  }
0x61: {  	_ =	shalt  }
0x62: {  	_ =	shalt  }
0x63: {  	_ =	shalt  }
0x64: {  	_ =	shalt  }
0x65: {  	_ =	shalt  }
0x66: {  	_ =	shalt  }
0x67: {  	_ =	shalt  }
0x68: {  	_ =	shalt  }
0x69: {  	_ =	shalt  }
0x6a: {  	_ =	shalt  }
0x6b: {  	_ =	shalt  }
0x6c: {  	_ =	shalt  }
0x6d: {  	_ =	shalt  }
0x6e: {  	_ =	shalt  }
0x6f: {  	_ =	shalt  }
0x70: {  	_ =	shalt  }
0x71: {  	_ =	shalt  }
0x72: {  	_ =	shalt  }
0x73: {  	_ =	shalt  }
0x74: {  	_ =	shalt  }
0x75: {  	_ =	shalt  }
0x76: {  	_ =	shalt  }
0x77: {  	_ =	shalt  }
0x78: {  	_ =	shalt  }
0x79: {  	_ =	shalt  }
0x7a: {  	_ =	shalt  }
0x7b: {  	_ =	shalt  }
0x7c: {  	_ =	shalt  }
0x7d: {  	_ =	shalt  }
0x7e: {  	_ =	shalt  }
0x7f: {  	_ =	shalt  }
0x80: {  	_ =	shalt  }
0x81: {  	_ =	shalt  }
0x82: {  	_ =	shalt  }
0x83: {  	_ =	shalt  }
0x84: {  	_ =	shalt  }
0x85: {  	_ =	shalt  }
0x86: {  	_ =	shalt  }
0x87: {  	_ =	shalt  }
.Lfunc_end0:
.L_simem_size_0:
called_computation.1_lowered:
.L_overlay_start_0:
0x88: {  	s2 =	sld [smem:$0x3FD9]  }
0x89: {  	s3 =	sld [smem:$0x3FFE];
	_ =	sdelay $0x1  }
0x8a: {  	s1 =	srdreg.scid  }
0x8b: {  	s0 =	sand.u32 $0x1, s1  }
0x8c: {  	s16 =	sshll.u32 s0, $0xA;
	s2 =	sadd.s32 s3, s2  }
0x8d: {  	s2 =	sadd.s32 s2, s16  }
0x8e: {  	[smem:$0x3FAF] =	sst s2  }
0x8f: {  	_ = 	snop  }
0x90: {  	(tm) =	ssettm $0x1  }
0x91: {  	s17 =	sld [smem:$0x3FFB];
	_ =	sdelay $0x3  }
0x92: {  	_ =	strace s17  }
0x93: {  	s2 =	sld [smem:$0x3FFC];
	_ =	sdelay $0x3  }
0x94: {  	_ =	strace s2  }
0x95: {  	s2 =	sld [smem:$0x3FFD];
	_ =	sdelay $0x3  }
0x96: {  	_ =	strace s2  }
0x97: {  	_ =	strace $0x8FFFFFFF  }
0x98: {  	s18 =	sld [smem:$0x3FDB];
	_ =	sdelay $0x1  }
0x99: {  	s19 =	simm.s32 $_scs_section_size  }
0x9a: {  	s4 =	simm.s32 $_size__tile_overlayer_lowered;
	s5 =	simm.s32 $_tile_overlayer_lowered  }
0x9b: {  	s22 =	simm.s32 $0x1BFF;
	s21 =	sshll.u32 s5, $0x1;
	s2 =	sadd.s32 s19, s18  }
0x9c: {  	s6 =	simm.s32 $0x0;
	s20 =	sshll.u32 s4, $0x1;
	s4 =	sadd.s32 s21, s2  }
0x9d: {  	[timem:s6], [sflag:s22] =	dma.local [hbm:s4], s20  }
0x9e: {  	_ =	swait.ge [sflag:s22], s20  }
0x9f: {  	s3 =	ssub.s32 $0x0, s20;
	[sflag:s22] =	ssyncset.done $0x0  }
0xa0: {  	[sflag:s22] =	ssyncadd.s32 s3;
	_ =	sdelay $0x1  }
0xa1: {  	s23 =	simm.s32 $0x1B8B  }
0xa2: {  	_ =	swait.ge [sflag:s23], $0x1  }
0xa3: {  	[sflag:s23] =	ssyncset.done $0x0  }
0xa4: {  	s25 =	simm.s32 $0x1B8E;
	s24 =	sld [smem:$0x3FFE];
	[sflag:s23] =	ssyncadd.s32 $0xFFFFFFFF  }
0xa5: {  	s26 =	simm.s32 $execute0_lowered;
	[smem:$0x3FD2] =	sst s25  }
0xa6: {  	s4 =	sshll.u32 s26, $0x1;
	_ =	strace $0x8000004C;
	[dreg:$0x1] =	wrdreg $0xFFFFFFFF  }
0xa7: {  	s28 =	simm.s32 $_size_execute0_lowered;
	s2 =	sadd.s32 s2, s4;
	[dreg:$0x0] =	wrdreg $0x0  }
0xa8: {  	s4 =	sshll.u32 s28, $0x1;
	[dreg:$0x2] =	wrdreg s2  }
0xa9: {  	[dreg:$0x3] =	wrdreg s4  }
0xaa: {  	[dreg:$0x4] =	wrdreg $0xC0  }
0xab: {  	_ =	task [dreg:s6], $0x5FFFF  }
0xac: {  	[dreg:$0x1] =	wrdreg $0xFFFFFFFF  }
0xad: {  	[dreg:$0x0] =	wrdreg $0x60  }
0xae: {  	[dreg:$0x2] =	wrdreg s24  }
0xaf: {  	[dreg:$0x3] =	wrdreg $0x9  }
0xb0: {  	_ =	task.clear_ibuf [dreg:s6], $0x4FFFF;
	_ =	strace $0x9000004C  }
0xb1: {  	s29 =	simm.s32 $0x9;
	_ =	strace $0x8000004E  }
0xb2: {  	_ =	swait.ge [sflag:s29], $0x1  }
0xb3: {  	[sflag:s29] =	ssyncadd.s32 $0xFFFFFFFF  }
0xb4: {  	_ =	strace $0x9000004E  }
0xb5: {  	_ =	sfence  }
0xb6: {  	s30 =	sld [smem:$0x0];
	_ =	sdelay $0x2  }
0xb7: {  	s31 =	sshll.u32 s1, $0xD;
	s1 =	sshrl.u32 s1, $0x2  }
0xb8: {  	s3 =	sand.u32 $0x4000, s31;
	s1 =	sadd.s32 s1, s30  }
0xb9: {  	s0 =	sor.u32 s3, s0;
	s1 =	sshll.u32 s1, $0x11  }
0xba: {  	s0 =	sor.u32 s1, s0  }
0xbb: {  	s0 =	sadd.s32 $0x8F2B, s0  }
0xbc: {  	[sflag:s0] =	ssyncadd.remote.s32 $0x1  }
0xbd: {  	_ =	sfence.sel $0xFFFF  }
0xbe: {  	[dreg:$0x0] =	wrdreg $0xFFFFFFFF;
	(pc) =	sbr.abs _section_cstart, $3  }
0xbf: {  	[dreg:$0x1] =	wrdreg $0xFFFFFFFF  }
0xc0: {  	_ =	task.clear_ibuf [dreg:s6], $0x2FFFF;
	_ =	strace $0x9FFFFFFF  }
0xc1: {  	(tm) =	ssettm $0x7FFFFFFF  }
tec
execute0_lowered:
.L_overlay_start_1:
0x0: {  	(tag) =	ssettag $0x1  }
0x1: {  	s0 =	srdreg.scid;
	s5 =	rddreg [dreg:$0x0]  }
0x2: {  	s1 =	stileid.u32;
	s6 =	simm.s32 $0x1;
	s9 =	simm.s32 $0x1  }
0x3: {  	s10 =	simm.s32 $0x3;
	s13 =	simm.s32 $0x0;
	s2 =	sshll.u32 s0, $0x9  }
0x4: {  	s12 =	simm.s32 $0x0;
	s3 =	sshll.u32 s1, $0xA;
	s2 =	sand.u32 $0x200, s2  }
0x5: {  	s0 =	rddreg [dreg:$0x1];
	_ =	strace $0x8000004D;
	s2 =	sor.u32 s3, s2  }
0x6: {  	s4 =	sadd.s32 $0x1000, s5;
	[sflag:s6] =	ssyncpa.u1 $0x0;
	s8 =	ssub.s32 $0x8000, s2  }
.Ltmp0:
0x7: {  	s3 =	sadd.s32 $0xD9400, s5;
	s7 =	sand.u32 $0x3E00, s8;
	(pc) =	sbr.rel .LBB2_1-.Ltmp0, $4  }
0x8: {  	s5 =	sadd.s32 $0x6B000, s5;
	s11 =	smov.u32 s2;
	p0 =	sne.s32 s7, $0x0  }
0x9: {  	s8 =	sshrl.u32 s8, $0xE;
	s7 =	simm.s32 $0x2;
	s9 =	simm.s32 @!p0 $0x0  }
0xa: {  	[sflag:s7] =	ssyncpa.u1 $0x0;
	p0 =	por $0x0, $0x0;
	s8 =	sadd.s32 s9, s8  }
0xb: {  	vm0 =	vmmov $0xffff;
	[sflag:s10] =	ssyncpa.u1 $0x0;
	s10 =	simm.s32 $0x0;
	s9 =	sadd.s32 $0x1, s8  }
.LBB2_4:
0xc: {  	vm1 =	veq.s32 v0, $0x80000000;
	v63 =	vand.u32 $0x7FF, v0;
	v2 =	vand.u32 $0x7FF, v2  }
0xd: {  	v0 =	vsel vm1, $0xFFFFFFFF, v63;
	v2 =	vsel vm1, $0xFFFFFFFF, v2  }
0xe: {  	v3 =	vshll.u32 v2, $0xB;
	v4 =	vshll.u32 v0, $0x3  }
0xf: {  	v2 =	vshll.u32 v2, $0x7;
	v3 =	vand.u32 $0xFFFFC000, v3;
	v4 =	vand.u32 $0xFFFFFC00, v4  }
0x10: {  	v2 =	vand.u32 $0x380, v2;
	v3 =	vadd.s32 v4, v3  }
0x11: {  	v0 =	vand.u32 $0x7F, v0;
	v2 =	vor.u32 v2, v3  }
0x12: {  	v0 =	vor.u32 v0, v2;
	_ =	sdelay $0x1  }
0x13: {  	(ifvalue) =	ssetifvalue $0x7FFFFFFF;
	s14 =	sadd.s32 $0x10, s14  }
0x14: {  	[tilespmem:s14], [sflag:$0x1] =	stream.indirect_vreg.gather [hbm4b:s3+s10], $0x1, v1, vm0, $0x4038;
	[tilespmem:$0x800] =	vst v63  }
0x15: {  	(ifvalue) =	ssetifvalue $0x7FFFFFFF;
	s14 =	sadd.s32 $0x10, s14  }
0x16: {  	[tilespmem:s14], [sflag:$0x1] =	stream.indirect_vreg.gather [hbm4b:s3+s10], $0x1, v0, vm0, $0x4038;
	[tilespmem:$0x800] =	vst v63  }
0x17: {  	_ =	swait.ge [sflag:s6], $0x200  }
0x18: {  	s30 =	sshrl.u32 s13, $0x3;
	[sflag:s6] =	ssyncset.done $0x0  }
0x19: {  	s31 =	sand.u32 $0x7, s13;
	s14 =	sadd.s32 s5, s30;
	[sflag:s6] =	ssyncadd.s32 $0xFFFFFE00  }
0x1a: {  	[hbm4b:s14+s31] =	stream.linear.scatter [tilespmem:s15], [sflag:$0x3], $0x200, $0x38;
	[tilespmem:$0x800] =	vst v63  }
.LBB2_5:
0x1b: {  	s15 =	sadd.s32 $0x4000, s11  }
0x1c: {  	p2 =	sgt.s32 s15, $0x7FFF  }
0x1d: {  	s15 =	smov.u32 @p2 s2;
	p2 =	sne.s32 s12, s9  }
.Ltmp1:
0x1e: {  	p1 =	slt.u32 s12, $0x2;
	(pc) =	sbr.rel @!p2 .LBB2_6-.Ltmp1, $4  }
0x1f: {  	s14 =	simm.s32 @!p1 $0x3  }
0x20: {  	s16 =	sadd.s32 $0x1, s12;
	_ =	swait.ge @!p1 [sflag:s14], $0x200  }
0x21: {  	s13 =	smov.u32 s11;
	p0 =	por !p0, !p0;
	[sflag:s14] =	ssyncset.done @!p1 $0x0  }
0x22: {  	s12 =	smov.u32 s16;
	s11 =	smov.u32 s15;
	[sflag:s14] =	ssyncadd.s32 @!p1 $0xFFFFFE00  }
.LBB2_1:
0x23: {  	p1 =	sge.u32 s12, s8  }
0x24: {  	s14 =	sxor.u32 @!p1 $0xFFFFFFFF, s12  }
0x25: {  	s31 =	sadd.s32 $0xFFFFFFFF, s12;
	s15 =	sshrl.u32 @!p1 s11, $0x3;
	s14 =	sshll.u32 @!p1 s14, $0x9  }
0x26: {  	s16 =	sand.u32 @!p1 $0x7, s11;
	s15 =	sadd.s32 @!p1 s4, s15;
	s14 =	sand.u32 @!p1 $0x200, s14  }
0x27: {  	[tilespmem:s14], [sflag:$0x2] =	stream.linear.gather @!p1 [hbm4b:s15+s16], $0x200, $0x38;
	[tilespmem:$0x800] =	vst v63  }
0x28: {  	p1 =	sge.u32 s31, s8  }
.Ltmp2:
0x29: {  	_ = 	snop;
	(pc) =	sbr.rel @p1 .LBB2_5-.Ltmp2, $1  }
0x2a: {  	_ =	sdelay $0x3  }
0x2b: {  	s14 =	simm.s32 $0x1  }
0x2c: {  	_ =	swait.ge [sflag:s7], $0x200;
	s14 =	simm.s32 @!p0 $0x0  }
0x2d: {  	[sflag:s7] =	ssyncset.done $0x0;
	s14 =	sshll.u32 s14, $0x9  }
0x2e: {  	[sflag:s7] =	ssyncadd.s32 $0xFFFFFE00;
	(ifvalue) =	ssetifvalue $0x7FFFFFFF;
	v0 =	vld.msk [tilespmem:s14+$0x0 ss:$0x1], $0xffff;
	_ =	sdelay $0x4  }
0x2f: {  	s15 =	sadd.s32 $0x10, s14;
	v1 =	vshrl.u32 v0, $0xB  }
0x30: {  	v2 =	vld.msk [tilespmem:s15+$0x0 ss:$0x1], $0xffff;
	vm1 =	veq.s32 v0, $0x80000000;
	v0 =	vand.u32 $0x7FF, v0;
	v1 =	vand.u32 $0x7FF, v1  }
0x31: {  	v0 =	vsel vm1, $0xFFFFFFFF, v0;
	v1 =	vsel vm1, $0xFFFFFFFF, v1  }
0x32: {  	v4 =	vshll.u32 v0, $0x3;
	v3 =	vshll.u32 v1, $0xB  }
0x33: {  	v4 =	vand.u32 $0xFFFFFC00, v4;
	v1 =	vshll.u32 v1, $0x7;
	v3 =	vand.u32 $0xFFFFC000, v3  }
0x34: {  	v0 =	vand.u32 $0x7F, v0;
	v1 =	vand.u32 $0x380, v1;
	v3 =	vadd.s32 v4, v3  }
0x35: {  	vm1 =	veq.s32 v2, $0x80000000;
	v1 =	vor.u32 v1, v3;
	v3 =	vshrl.u32 v2, $0xB  }
0x36: {  	s17 =	sadd.s32 $0x10, s15;
	v2 =	vand.u32 $0x7FF, v2;
	v1 =	vor.u32 v0, v1;
	v3 =	vand.u32 $0x7FF, v3  }
0x37: {  	v0 =	vld.msk [tilespmem:s17+$0x0 ss:$0x1], $0xffff;
	v2 =	vsel vm1, $0xFFFFFFFF, v2;
	v3 =	vsel vm1, $0xFFFFFFFF, v3  }
0x38: {  	v5 =	vshll.u32 v2, $0x3;
	v63 =	vshll.u32 v3, $0xB  }
0x39: {  	s31 =	sshll.u32 s12, $0x9;
	v5 =	vand.u32 $0xFFFFFC00, v5;
	v3 =	vshll.u32 v3, $0x7;
	v4 =	vand.u32 $0xFFFFC000, v63  }
0x3a: {  	s14 =	sor.u32 $0x400, s14;
	s15 =	sand.u32 $0x200, s31;
	(ifvalue) =	ssetifvalue $0x7FFFFFFF;
	v3 =	vand.u32 $0x380, v3;
	v4 =	vadd.s32 v5, v4  }
0x3b: {  	[tilespmem:s14], [sflag:$0x1] =	stream.indirect_vreg.gather [hbm4b:s3+s10], $0x1, v1, vm0, $0x4038;
	v1 =	vand.u32 $0x7F, v2;
	v3 =	vor.u32 v3, v4;
	[tilespmem:$0x800] =	vst v63  }
0x3c: {  	s16 =	simm.s32 $0x20;
	s15 =	sor.u32 $0x400, s15;
	s17 =	sadd.s32 $0x10, s17;
	v2 =	vshrl.u32 v0, $0xB;
	v1 =	vor.u32 v1, v3  }
.LBB2_3:
0x3d: {  	s16 =	sadd.s32 $0x10, s16;
	vm1 =	veq.s32 v0, $0x80000000;
	v3 =	vand.u32 $0x7FF, v0;
	v0 =	vld.msk [tilespmem:s17+$0x0 ss:$0x1], $0xffff;
	v2 =	vand.u32 $0x7FF, v2  }
0x3e: {  	p1 =	slt.u32 s16, $0x1F0;
	v3 =	vsel vm1, $0xFFFFFFFF, v3;
	v2 =	vsel vm1, $0xFFFFFFFF, v2  }
.Ltmp3:
0x3f: {  	v4 =	vshll.u32 v2, $0xB;
	v5 =	vshll.u32 v3, $0x3;
	(pc) =	sbr.rel @p1 .LBB2_3-.Ltmp3, $4  }
0x40: {  	s14 =	sadd.s32 $0x10, s14;
	v2 =	vshll.u32 v2, $0x7;
	v4 =	vand.u32 $0xFFFFC000, v4;
	v5 =	vand.u32 $0xFFFFFC00, v5;
	(ifvalue) =	ssetifvalue $0x7FFFFFFF  }
0x41: {  	v2 =	vand.u32 $0x380, v2;
	v4 =	vadd.s32 v5, v4;
	[tilespmem:s14], [sflag:$0x1] =	stream.indirect_vreg.gather [hbm4b:s3+s10], $0x1, v1, vm0, $0x4038;
	[tilespmem:$0x800] =	vst v63  }
0x42: {  	v1 =	vand.u32 $0x7F, v3;
	v3 =	vor.u32 v2, v4  }
0x43: {  	s17 =	sadd.s32 $0x10, s17;
	v2 =	vshrl.u32 v0, $0xB;
	v1 =	vor.u32 v1, v3  }
.Ltmp4:
0x44: {  	_ = 	snop;
	(pc) =	sbr.rel .LBB2_4-.Ltmp4, $1  }
0x45: {  	_ =	sdelay $0x3  }
.LBB2_6:
0x46: {  	_ =	sfence.sel $0x180000  }
0x47: {  	s2 =	simm.s32 $0x2;
	[bflag:$0x0] =	sbarrier.arrive $0xFFFF  }
0x48: {  	s30 =	simm.s32 $0x3;
	[sflag:s2] =	ssyncpa.u1 $0x1  }
0x49: {  	s31 =	simm.s32 $0x1;
	[sflag:s30] =	ssyncpa.u1 $0x1  }
0x4a: {  	[sflag:s31] =	ssyncpa.u1 $0x1  }
0x4b: {  	p0 =	sne.s32 s1, $0x0;
	_ =	strace $0x9000004D  }
0x4c: {  	s0 =	sadd.s32 @!p0 $0x100000, s0;
	[bflag:$0x2] =	sbarrier.arrive $0xFFFF  }
0x4d: {  	[sflag:s0] =	ssyncadd.tile.s32 @!p0 $0x1;
	_ =	shalt  }
.Lfunc_end2:
_tile_overlayer_lowered:
.L_overlay_start_2:
0x4e: {  	(tag) =	ssettag $0x2  }
0x4f: {  	s0 =	rddreg [dreg:$0x0];
	s2 =	stileid.u32  }
0x50: {  	s1 =	rddreg [dreg:$0x1];
	p0 =	sne.s32 s2, $0x0  }
0x51: {  	s3 =	rddreg [dreg:$0x2];
	[bflag:$0x3] =	sbarrier.arrive $0xFFFF;
	s2 =	simm.s32 @!p0 $0x1C01  }
0x52: {  	[timem:s3], [sflag:s2] =	dma.local @!p0 [hbm:s0], s1  }
0x53: {  	s0 =	simm.s32 @!p0 $0x1  }
0x54: {  	_ =	swait.ge @!p0 [sflag:s0], s1  }
0x55: {  	s1 =	ssub.s32 @!p0 $0x0, s1;
	[sflag:s0] =	ssyncset.done @!p0 $0x0  }
0x56: {  	[sflag:s0] =	ssyncadd.s32 @!p0 s1  }
0x57: {  	[bflag:$0x3] =	sbarrier.arrive $0xFFFF  }
0x58: {  	_ =	shalt  }

// kernel: gather_offload_async_start.2
scs
__scs_entry_jumppad:
0x0: {  	(pc) =	sbr.rel $0x88, $3  }
0x1: {  	(tag) =	ssettag $0x0;
	lr =	simm.s32 $0x1  }
0x2: {  	[smem:$0x3F88] =	sst lr;
	_ =	strace $0xD0000000  }
0x3: {  	_ = 	snop  }
0x4: {  	_ = 	snop  }
0x5: {  	_ = 	snop  }
0x6: {  	_ = 	snop  }
0x7: {  	_ = 	snop  }
__scs_overlays_trampoline_lowered:
0x8: {  	[smem:$0x3F97] =	sst s0  }
0x9: {  	[smem:$0x3F98] =	sst s1  }
0xa: {  	[smem:$0x3F99] =	sst s2  }
0xb: {  	[smem:$0x3F9A] =	sst s3  }
0xc: {  	[smem:$0x3F9B] =	sst s4  }
0xd: {  	[smem:$0x3F9C] =	sst s5  }
0xe: {  	[smem:$0x3F9D] =	sst s6  }
0xf: {  	[smem:$0x3F9E] =	sst s7  }
0x10: {  	[smem:$0x3F9F] =	sst s8  }
0x11: {  	[smem:$0x3FA0] =	sst s9;
	s0 =	simm.s32 @!p0 $0x0  }
0x12: {  	s1 =	sld [smem:$0x3F86];
	s0 =	simm.s32 @p0 $0x1  }
0x13: {  	[smem:$0x3FA1] =	sst s0;
	s0 =	simm.s32 @!p1 $0x0  }
0x14: {  	s2 =	sld [smem:$0x3F85];
	s0 =	simm.s32 @p1 $0x1  }
0x15: {  	[smem:$0x3FA2] =	sst s0;
	s0 =	simm.s32 @!p2 $0x0  }
0x16: {  	s3 =	sld [smem:$0x3FDB];
	s0 =	simm.s32 @p2 $0x1  }
0x17: {  	s4 =	simm.s32 $0x1BF5;
	[smem:$0x3FA4] =	sst s0  }
0x18: {  	s0 =	sld [smem:$0x3F87];
	_ =	swait.ge [sflag:s4], $0x0  }
0x19: {  	s7 =	sld [smem:$0x3F88]  }
0x1a: {  	s8 =	sadd.s32 $0xFFFFE003, lr  }
0x1b: {  	s9 =	sadd.s32 $0xFFFFFEF7, lr;
	s5 =	simm.s32 $0xFFFFFFFF;
	p2 =	slt.u32 s8, $0xFFFFF086  }
0x1c: {  	p1 =	slt.u32 s9, $0xF7A;
	s5 =	simm.s32 @!p2 $0x0  }
0x1d: {  	s5 =	simm.s32 @p1 $0x1;
	p0 =	seq.s32 s7, s2  }
0x1e: {  	s7 =	smul.u32 @!p0 $0xF7A, s2;
	p2 =	seq.s32 @!p0 s5, $0x0  }
0x1f: {  	s9 =	smul.u32 $0xF7A, s1;
	s8 =	simm.s32 @!p0 $0x1BF5;
	p2 =	por !p2, p0  }
0x20: {  	[sflag:s8] =	ssyncset.s32 @!p0 $0xFFFFF086;
	s6 =	sadd.s32 @!p0 s3, s7;
	s7 =	simm.s32 @!p0 $0x108  }
0x21: {  	s3 =	sadd.s32 s3, s9;
	s6 =	sadd.s32 @!p0 $0x88, s6;
	s7 =	simm.s32 @p2 $0x1082  }
0x22: {  	[simem:s7], [sflag:s8] =	dma.local @!p0 [hbm:s6], $0xF7A  }
0x23: {  	s9 =	sor.u32 $0xD0000000, s2;
	s6 =	simm.s32 $0x108;
	_ =	swait.ge @!p0 [sflag:s8], $0x0  }
0x24: {  	s3 =	sadd.s32 $0x88, s3;
	s6 =	simm.s32 @!p1 $0x1082;
	[sflag:s4] =	ssyncset.s32 $0xFFFFF086  }
0x25: {  	[simem:s6], [sflag:s4] =	dma.local [hbm:s3], $0xF7A  }
0x26: {  	[smem:$0x3F88] =	sst s1;
	(tag) =	ssettag s2;
	_ =	strace s9  }
0x27: {  	s1 =	sld [smem:$0x3F98]  }
0x28: {  	s2 =	sld [smem:$0x3F99]  }
0x29: {  	s4 =	sld [smem:$0x3F9B]  }
0x2a: {  	p0 =	seq.s32 s5, $0x0;
	s5 =	sld [smem:$0x3F9C]  }
0x2b: {  	s6 =	sld [smem:$0x3F9D]  }
0x2c: {  	s7 =	sld [smem:$0x3F9E]  }
0x2d: {  	s3 =	simm.s32 $0x108;
	s8 =	sld [smem:$0x3F9F]  }
0x2e: {  	s3 =	simm.s32 @!p0 $0x1082;
	s9 =	sld [smem:$0x3FA0]  }
0x2f: {  	lr =	sadd.s32 s0, s3;
	s0 =	sld [smem:$0x3F97]  }
0x30: {  	s3 =	sld [smem:$0x3F9A]  }
0x31: {  	[smem:$0x3FA3] =	sst s10  }
0x32: {  	s10 =	sld [smem:$0x3FA1];
	_ =	sdelay $0x3  }
0x33: {  	p0 =	seq.s32 s10, $0x1;
	s10 =	sld [smem:$0x3FA3];
	_ =	sdelay $0x3  }
0x34: {  	[smem:$0x3FA3] =	sst s10  }
0x35: {  	s10 =	sld [smem:$0x3FA2];
	_ =	sdelay $0x3  }
0x36: {  	p1 =	seq.s32 s10, $0x1;
	s10 =	sld [smem:$0x3FA3];
	_ =	sdelay $0x3  }
0x37: {  	[smem:$0x3FA3] =	sst s10  }
0x38: {  	s10 =	sld [smem:$0x3FA4]  }
0x39: {  	_ = 	snop;
	(pc) =	sbr.ind lr, $3  }
0x3a: {  	_ = 	snop  }
0x3b: {  	_ = 	snop  }
0x3c: {  	p2 =	seq.s32 s10, $0x1;
	s10 =	sld [smem:$0x3FA3]  }
0x3d: {  	_ =	shalt  }
0x3e: {  	_ =	shalt  }
0x3f: {  	_ =	shalt  }
0x40: {  	_ =	shalt  }
0x41: {  	_ =	shalt  }
0x42: {  	_ =	shalt  }
0x43: {  	_ =	shalt  }
0x44: {  	_ =	shalt  }
0x45: {  	_ =	shalt  }
0x46: {  	_ =	shalt  }
0x47: {  	_ =	shalt  }
0x48: {  	_ =	shalt  }
0x49: {  	_ =	shalt  }
0x4a: {  	_ =	shalt  }
0x4b: {  	_ =	shalt  }
0x4c: {  	_ =	shalt  }
0x4d: {  	_ =	shalt  }
0x4e: {  	_ =	shalt  }
0x4f: {  	_ =	shalt  }
0x50: {  	_ =	shalt  }
0x51: {  	_ =	shalt  }
0x52: {  	_ =	shalt  }
0x53: {  	_ =	shalt  }
0x54: {  	_ =	shalt  }
0x55: {  	_ =	shalt  }
0x56: {  	_ =	shalt  }
0x57: {  	_ =	shalt  }
0x58: {  	_ =	shalt  }
0x59: {  	_ =	shalt  }
0x5a: {  	_ =	shalt  }
0x5b: {  	_ =	shalt  }
0x5c: {  	_ =	shalt  }
0x5d: {  	_ =	shalt  }
0x5e: {  	_ =	shalt  }
0x5f: {  	_ =	shalt  }
0x60: {  	_ =	shalt  }
0x61: {  	_ =	shalt  }
0x62: {  	_ =	shalt  }
0x63: {  	_ =	shalt  }
0x64: {  	_ =	shalt  }
0x65: {  	_ =	shalt  }
0x66: {  	_ =	shalt  }
0x67: {  	_ =	shalt  }
0x68: {  	_ =	shalt  }
0x69: {  	_ =	shalt  }
0x6a: {  	_ =	shalt  }
0x6b: {  	_ =	shalt  }
0x6c: {  	_ =	shalt  }
0x6d: {  	_ =	shalt  }
0x6e: {  	_ =	shalt  }
0x6f: {  	_ =	shalt  }
0x70: {  	_ =	shalt  }
0x71: {  	_ =	shalt  }
0x72: {  	_ =	shalt  }
0x73: {  	_ =	shalt  }
0x74: {  	_ =	shalt  }
0x75: {  	_ =	shalt  }
0x76: {  	_ =	shalt  }
0x77: {  	_ =	shalt  }
0x78: {  	_ =	shalt  }
0x79: {  	_ =	shalt  }
0x7a: {  	_ =	shalt  }
0x7b: {  	_ =	shalt  }
0x7c: {  	_ =	shalt  }
0x7d: {  	_ =	shalt  }
0x7e: {  	_ =	shalt  }
0x7f: {  	_ =	shalt  }
0x80: {  	_ =	shalt  }
0x81: {  	_ =	shalt  }
0x82: {  	_ =	shalt  }
0x83: {  	_ =	shalt  }
0x84: {  	_ =	shalt  }
0x85: {  	_ =	shalt  }
0x86: {  	_ =	shalt  }
0x87: {  	_ =	shalt  }
.Lfunc_end0:
.L_simem_size_0:
called_computation.2_lowered:
.L_overlay_start_0:
0x88: {  	s2 =	sld [smem:$0x3FD9]  }
0x89: {  	s3 =	sld [smem:$0x3FFE];
	_ =	sdelay $0x1  }
0x8a: {  	s1 =	srdreg.scid  }
0x8b: {  	s0 =	sand.u32 $0x1, s1  }
0x8c: {  	s16 =	sshll.u32 s0, $0xA;
	s2 =	sadd.s32 s3, s2  }
0x8d: {  	s2 =	sadd.s32 s2, s16  }
0x8e: {  	[smem:$0x3FAF] =	sst s2  }
0x8f: {  	_ = 	snop  }
0x90: {  	(tm) =	ssettm $0x1  }
0x91: {  	s17 =	sld [smem:$0x3FFB];
	_ =	sdelay $0x3  }
0x92: {  	_ =	strace s17  }
0x93: {  	s2 =	sld [smem:$0x3FFC];
	_ =	sdelay $0x3  }
0x94: {  	_ =	strace s2  }
0x95: {  	s2 =	sld [smem:$0x3FFD];
	_ =	sdelay $0x3  }
0x96: {  	_ =	strace s2  }
0x97: {  	_ =	strace $0x8FFFFFFF  }
0x98: {  	s18 =	sld [smem:$0x3FDB];
	_ =	sdelay $0x1  }
0x99: {  	s19 =	simm.s32 $_scs_section_size  }
0x9a: {  	s4 =	simm.s32 $_size__tile_overlayer_lowered;
	s5 =	simm.s32 $_tile_overlayer_lowered  }
0x9b: {  	s22 =	simm.s32 $0x1BFF;
	s21 =	sshll.u32 s5, $0x1;
	s2 =	sadd.s32 s19, s18  }
0x9c: {  	s6 =	simm.s32 $0x0;
	s20 =	sshll.u32 s4, $0x1;
	s4 =	sadd.s32 s21, s2  }
0x9d: {  	[timem:s6], [sflag:s22] =	dma.local [hbm:s4], s20  }
0x9e: {  	_ =	swait.ge [sflag:s22], s20  }
0x9f: {  	s3 =	ssub.s32 $0x0, s20;
	[sflag:s22] =	ssyncset.done $0x0  }
0xa0: {  	[sflag:s22] =	ssyncadd.s32 s3;
	_ =	sdelay $0x1  }
0xa1: {  	s23 =	simm.s32 $0x1B8B  }
0xa2: {  	_ =	swait.ge [sflag:s23], $0x1  }
0xa3: {  	[sflag:s23] =	ssyncset.done $0x0  }
0xa4: {  	s25 =	simm.s32 $0x1B8E;
	s24 =	sld [smem:$0x3FFE];
	[sflag:s23] =	ssyncadd.s32 $0xFFFFFFFF  }
0xa5: {  	s26 =	simm.s32 $execute0_lowered;
	[smem:$0x3FD2] =	sst s25  }
0xa6: {  	s4 =	sshll.u32 s26, $0x1;
	_ =	strace $0x80000052;
	[dreg:$0x1] =	wrdreg $0xFFFFFFFF  }
0xa7: {  	s28 =	simm.s32 $_size_execute0_lowered;
	s2 =	sadd.s32 s2, s4;
	[dreg:$0x0] =	wrdreg $0x0  }
0xa8: {  	s4 =	sshll.u32 s28, $0x1;
	[dreg:$0x2] =	wrdreg s2  }
0xa9: {  	[dreg:$0x3] =	wrdreg s4  }
0xaa: {  	[dreg:$0x4] =	wrdreg $0xC0  }
0xab: {  	_ =	task [dreg:s6], $0x5FFFF  }
0xac: {  	[dreg:$0x1] =	wrdreg $0xFFFFFFFF  }
0xad: {  	[dreg:$0x0] =	wrdreg $0x60  }
0xae: {  	[dreg:$0x2] =	wrdreg s24  }
0xaf: {  	[dreg:$0x3] =	wrdreg $0x9  }
0xb0: {  	_ =	task.clear_ibuf [dreg:s6], $0x4FFFF;
	_ =	strace $0x90000052  }
0xb1: {  	s29 =	simm.s32 $0x9;
	_ =	strace $0x80000054  }
0xb2: {  	_ =	swait.ge [sflag:s29], $0x1  }
0xb3: {  	[sflag:s29] =	ssyncadd.s32 $0xFFFFFFFF  }
0xb4: {  	_ =	strace $0x90000054  }
0xb5: {  	_ =	sfence  }
0xb6: {  	s30 =	sld [smem:$0x0];
	_ =	sdelay $0x2  }
0xb7: {  	s31 =	sshll.u32 s1, $0xD;
	s1 =	sshrl.u32 s1, $0x2  }
0xb8: {  	s3 =	sand.u32 $0x4000, s31;
	s1 =	sadd.s32 s1, s30  }
0xb9: {  	s0 =	sor.u32 s3, s0;
	s1 =	sshll.u32 s1, $0x11  }
0xba: {  	s0 =	sor.u32 s1, s0  }
0xbb: {  	s0 =	sadd.s32 $0x8F2B, s0  }
0xbc: {  	[sflag:s0] =	ssyncadd.remote.s32 $0x1  }
0xbd: {  	_ =	sfence.sel $0xFFFF  }
0xbe: {  	[dreg:$0x0] =	wrdreg $0xFFFFFFFF;
	(pc) =	sbr.abs _section_cstart, $3  }
0xbf: {  	[dreg:$0x1] =	wrdreg $0xFFFFFFFF  }
0xc0: {  	_ =	task.clear_ibuf [dreg:s6], $0x2FFFF;
	_ =	strace $0x9FFFFFFF  }
0xc1: {  	(tm) =	ssettm $0x7FFFFFFF  }
tec
execute0_lowered:
.L_overlay_start_1:
0x0: {  	(tag) =	ssettag $0x1  }
0x1: {  	s0 =	srdreg.scid;
	s5 =	rddreg [dreg:$0x0]  }
0x2: {  	s1 =	stileid.u32;
	s6 =	simm.s32 $0x1;
	s9 =	simm.s32 $0x1  }
0x3: {  	s10 =	simm.s32 $0x3;
	s13 =	simm.s32 $0x0;
	s2 =	sshll.u32 s0, $0x9  }
0x4: {  	s12 =	simm.s32 $0x0;
	s3 =	sshll.u32 s1, $0xA;
	s2 =	sand.u32 $0x200, s2  }
0x5: {  	s0 =	rddreg [dreg:$0x1];
	_ =	strace $0x80000053;
	s2 =	sor.u32 s3, s2  }
0x6: {  	s4 =	sadd.s32 $0x1000, s5;
	[sflag:s6] =	ssyncpa.u1 $0x0;
	s8 =	ssub.s32 $0x8000, s2  }
.Ltmp0:
0x7: {  	s3 =	sadd.s32 $0xD9400, s5;
	s7 =	sand.u32 $0x3E00, s8;
	(pc) =	sbr.rel .LBB2_1-.Ltmp0, $4  }
0x8: {  	s5 =	sadd.s32 $0x6B000, s5;
	s11 =	smov.u32 s2;
	p0 =	sne.s32 s7, $0x0  }
0x9: {  	s8 =	sshrl.u32 s8, $0xE;
	s7 =	simm.s32 $0x2;
	s9 =	simm.s32 @!p0 $0x0  }
0xa: {  	[sflag:s7] =	ssyncpa.u1 $0x0;
	p0 =	por $0x0, $0x0;
	s8 =	sadd.s32 s9, s8  }
0xb: {  	vm0 =	vmmov $0xffff;
	[sflag:s10] =	ssyncpa.u1 $0x0;
	s10 =	simm.s32 $0x0;
	s9 =	sadd.s32 $0x1, s8  }
.LBB2_4:
0xc: {  	vm1 =	veq.s32 v0, $0x80000000;
	v63 =	vand.u32 $0x7FF, v0;
	v2 =	vand.u32 $0x7FF, v2  }
0xd: {  	v0 =	vsel vm1, $0xFFFFFFFF, v63;
	v2 =	vsel vm1, $0xFFFFFFFF, v2  }
0xe: {  	v3 =	vshll.u32 v2, $0xB;
	v4 =	vshll.u32 v0, $0x3  }
0xf: {  	v2 =	vshll.u32 v2, $0x7;
	v3 =	vand.u32 $0xFFFFC000, v3;
	v4 =	vand.u32 $0xFFFFFC00, v4  }
0x10: {  	v2 =	vand.u32 $0x380, v2;
	v3 =	vadd.s32 v4, v3  }
0x11: {  	v0 =	vand.u32 $0x7F, v0;
	v2 =	vor.u32 v2, v3  }
0x12: {  	v0 =	vor.u32 v0, v2;
	_ =	sdelay $0x1  }
0x13: {  	(ifvalue) =	ssetifvalue $0x7FFFFFFF;
	s14 =	sadd.s32 $0x10, s14  }
0x14: {  	[tilespmem:s14], [sflag:$0x1] =	stream.indirect_vreg.gather [hbm4b:s3+s10], $0x1, v1, vm0, $0x4038;
	[tilespmem:$0x800] =	vst v63  }
0x15: {  	(ifvalue) =	ssetifvalue $0x7FFFFFFF;
	s14 =	sadd.s32 $0x10, s14  }
0x16: {  	[tilespmem:s14], [sflag:$0x1] =	stream.indirect_vreg.gather [hbm4b:s3+s10], $0x1, v0, vm0, $0x4038;
	[tilespmem:$0x800] =	vst v63  }
0x17: {  	_ =	swait.ge [sflag:s6], $0x200  }
0x18: {  	s30 =	sshrl.u32 s13, $0x3;
	[sflag:s6] =	ssyncset.done $0x0  }
0x19: {  	s31 =	sand.u32 $0x7, s13;
	s14 =	sadd.s32 s5, s30;
	[sflag:s6] =	ssyncadd.s32 $0xFFFFFE00  }
0x1a: {  	[hbm4b:s14+s31] =	stream.linear.scatter [tilespmem:s15], [sflag:$0x3], $0x200, $0x38;
	[tilespmem:$0x800] =	vst v63  }
.LBB2_5:
0x1b: {  	s15 =	sadd.s32 $0x4000, s11  }
0x1c: {  	p2 =	sgt.s32 s15, $0x7FFF  }
0x1d: {  	s15 =	smov.u32 @p2 s2;
	p2 =	sne.s32 s12, s9  }
.Ltmp1:
0x1e: {  	p1 =	slt.u32 s12, $0x2;
	(pc) =	sbr.rel @!p2 .LBB2_6-.Ltmp1, $4  }
0x1f: {  	s14 =	simm.s32 @!p1 $0x3  }
0x20: {  	s16 =	sadd.s32 $0x1, s12;
	_ =	swait.ge @!p1 [sflag:s14], $0x200  }
0x21: {  	s13 =	smov.u32 s11;
	p0 =	por !p0, !p0;
	[sflag:s14] =	ssyncset.done @!p1 $0x0  }
0x22: {  	s12 =	smov.u32 s16;
	s11 =	smov.u32 s15;
	[sflag:s14] =	ssyncadd.s32 @!p1 $0xFFFFFE00  }
.LBB2_1:
0x23: {  	p1 =	sge.u32 s12, s8  }
0x24: {  	s14 =	sxor.u32 @!p1 $0xFFFFFFFF, s12  }
0x25: {  	s31 =	sadd.s32 $0xFFFFFFFF, s12;
	s15 =	sshrl.u32 @!p1 s11, $0x3;
	s14 =	sshll.u32 @!p1 s14, $0x9  }
0x26: {  	s16 =	sand.u32 @!p1 $0x7, s11;
	s15 =	sadd.s32 @!p1 s4, s15;
	s14 =	sand.u32 @!p1 $0x200, s14  }
0x27: {  	[tilespmem:s14], [sflag:$0x2] =	stream.linear.gather @!p1 [hbm4b:s15+s16], $0x200, $0x38;
	[tilespmem:$0x800] =	vst v63  }
0x28: {  	p1 =	sge.u32 s31, s8  }
.Ltmp2:
0x29: {  	_ = 	snop;
	(pc) =	sbr.rel @p1 .LBB2_5-.Ltmp2, $1  }
0x2a: {  	_ =	sdelay $0x3  }
0x2b: {  	s14 =	simm.s32 $0x1  }
0x2c: {  	_ =	swait.ge [sflag:s7], $0x200;
	s14 =	simm.s32 @!p0 $0x0  }
0x2d: {  	[sflag:s7] =	ssyncset.done $0x0;
	s14 =	sshll.u32 s14, $0x9  }
0x2e: {  	[sflag:s7] =	ssyncadd.s32 $0xFFFFFE00;
	(ifvalue) =	ssetifvalue $0x7FFFFFFF;
	v0 =	vld.msk [tilespmem:s14+$0x0 ss:$0x1], $0xffff;
	_ =	sdelay $0x4  }
0x2f: {  	s15 =	sadd.s32 $0x10, s14;
	v1 =	vshrl.u32 v0, $0xB  }
0x30: {  	v2 =	vld.msk [tilespmem:s15+$0x0 ss:$0x1], $0xffff;
	vm1 =	veq.s32 v0, $0x80000000;
	v0 =	vand.u32 $0x7FF, v0;
	v1 =	vand.u32 $0x7FF, v1  }
0x31: {  	v0 =	vsel vm1, $0xFFFFFFFF, v0;
	v1 =	vsel vm1, $0xFFFFFFFF, v1  }
0x32: {  	v4 =	vshll.u32 v0, $0x3;
	v3 =	vshll.u32 v1, $0xB  }
0x33: {  	v4 =	vand.u32 $0xFFFFFC00, v4;
	v1 =	vshll.u32 v1, $0x7;
	v3 =	vand.u32 $0xFFFFC000, v3  }
0x34: {  	v0 =	vand.u32 $0x7F, v0;
	v1 =	vand.u32 $0x380, v1;
	v3 =	vadd.s32 v4, v3  }
0x35: {  	vm1 =	veq.s32 v2, $0x80000000;
	v1 =	vor.u32 v1, v3;
	v3 =	vshrl.u32 v2, $0xB  }
0x36: {  	s17 =	sadd.s32 $0x10, s15;
	v2 =	vand.u32 $0x7FF, v2;
	v1 =	vor.u32 v0, v1;
	v3 =	vand.u32 $0x7FF, v3  }
0x37: {  	v0 =	vld.msk [tilespmem:s17+$0x0 ss:$0x1], $0xffff;
	v2 =	vsel vm1, $0xFFFFFFFF, v2;
	v3 =	vsel vm1, $0xFFFFFFFF, v3  }
0x38: {  	v5 =	vshll.u32 v2, $0x3;
	v63 =	vshll.u32 v3, $0xB  }
0x39: {  	s31 =	sshll.u32 s12, $0x9;
	v5 =	vand.u32 $0xFFFFFC00, v5;
	v3 =	vshll.u32 v3, $0x7;
	v4 =	vand.u32 $0xFFFFC000, v63  }
0x3a: {  	s14 =	sor.u32 $0x400, s14;
	s15 =	sand.u32 $0x200, s31;
	(ifvalue) =	ssetifvalue $0x7FFFFFFF;
	v3 =	vand.u32 $0x380, v3;
	v4 =	vadd.s32 v5, v4  }
0x3b: {  	[tilespmem:s14], [sflag:$0x1] =	stream.indirect_vreg.gather [hbm4b:s3+s10], $0x1, v1, vm0, $0x4038;
	v1 =	vand.u32 $0x7F, v2;
	v3 =	vor.u32 v3, v4;
	[tilespmem:$0x800] =	vst v63  }
0x3c: {  	s16 =	simm.s32 $0x20;
	s15 =	sor.u32 $0x400, s15;
	s17 =	sadd.s32 $0x10, s17;
	v2 =	vshrl.u32 v0, $0xB;
	v1 =	vor.u32 v1, v3  }
.LBB2_3:
0x3d: {  	s16 =	sadd.s32 $0x10, s16;
	vm1 =	veq.s32 v0, $0x80000000;
	v3 =	vand.u32 $0x7FF, v0;
	v0 =	vld.msk [tilespmem:s17+$0x0 ss:$0x1], $0xffff;
	v2 =	vand.u32 $0x7FF, v2  }
0x3e: {  	p1 =	slt.u32 s16, $0x1F0;
	v3 =	vsel vm1, $0xFFFFFFFF, v3;
	v2 =	vsel vm1, $0xFFFFFFFF, v2  }
.Ltmp3:
0x3f: {  	v4 =	vshll.u32 v2, $0xB;
	v5 =	vshll.u32 v3, $0x3;
	(pc) =	sbr.rel @p1 .LBB2_3-.Ltmp3, $4  }
0x40: {  	s14 =	sadd.s32 $0x10, s14;
	v2 =	vshll.u32 v2, $0x7;
	v4 =	vand.u32 $0xFFFFC000, v4;
	v5 =	vand.u32 $0xFFFFFC00, v5;
	(ifvalue) =	ssetifvalue $0x7FFFFFFF  }
0x41: {  	v2 =	vand.u32 $0x380, v2;
	v4 =	vadd.s32 v5, v4;
	[tilespmem:s14], [sflag:$0x1] =	stream.indirect_vreg.gather [hbm4b:s3+s10], $0x1, v1, vm0, $0x4038;
	[tilespmem:$0x800] =	vst v63  }
0x42: {  	v1 =	vand.u32 $0x7F, v3;
	v3 =	vor.u32 v2, v4  }
0x43: {  	s17 =	sadd.s32 $0x10, s17;
	v2 =	vshrl.u32 v0, $0xB;
	v1 =	vor.u32 v1, v3  }
.Ltmp4:
0x44: {  	_ = 	snop;
	(pc) =	sbr.rel .LBB2_4-.Ltmp4, $1  }
0x45: {  	_ =	sdelay $0x3  }
.LBB2_6:
0x46: {  	_ =	sfence.sel $0x180000  }
0x47: {  	s2 =	simm.s32 $0x2;
	[bflag:$0x0] =	sbarrier.arrive $0xFFFF  }
0x48: {  	s30 =	simm.s32 $0x3;
	[sflag:s2] =	ssyncpa.u1 $0x1  }
0x49: {  	s31 =	simm.s32 $0x1;
	[sflag:s30] =	ssyncpa.u1 $0x1  }
0x4a: {  	[sflag:s31] =	ssyncpa.u1 $0x1  }
0x4b: {  	p0 =	sne.s32 s1, $0x0;
	_ =	strace $0x90000053  }
0x4c: {  	s0 =	sadd.s32 @!p0 $0x100000, s0;
	[bflag:$0x2] =	sbarrier.arrive $0xFFFF  }
0x4d: {  	[sflag:s0] =	ssyncadd.tile.s32 @!p0 $0x1;
	_ =	shalt  }
.Lfunc_end2:
_tile_overlayer_lowered:
.L_overlay_start_2:
0x4e: {  	(tag) =	ssettag $0x2  }
0x4f: {  	s0 =	rddreg [dreg:$0x0];
	s2 =	stileid.u32  }
0x50: {  	s1 =	rddreg [dreg:$0x1];
	p0 =	sne.s32 s2, $0x0  }
0x51: {  	s3 =	rddreg [dreg:$0x2];
	[bflag:$0x3] =	sbarrier.arrive $0xFFFF;
	s2 =	simm.s32 @!p0 $0x1C01  }
0x52: {  	[timem:s3], [sflag:s2] =	dma.local @!p0 [hbm:s0], s1  }
0x53: {  	s0 =	simm.s32 @!p0 $0x1  }
0x54: {  	_ =	swait.ge @!p0 [sflag:s0], s1  }
0x55: {  	s1 =	ssub.s32 @!p0 $0x0, s1;
	[sflag:s0] =	ssyncset.done @!p0 $0x0  }
0x56: {  	[sflag:s0] =	ssyncadd.s32 @!p0 s1  }
0x57: {  	[bflag:$0x3] =	sbarrier.arrive $0xFFFF  }
0x58: {  	_ =	shalt  }

// kernel: gather_offload_async_start.3
scs
__scs_entry_jumppad:
0x0: {  	(pc) =	sbr.rel $0x88, $3  }
0x1: {  	(tag) =	ssettag $0x0;
	lr =	simm.s32 $0x1  }
0x2: {  	[smem:$0x3F88] =	sst lr;
	_ =	strace $0xD0000000  }
0x3: {  	_ = 	snop  }
0x4: {  	_ = 	snop  }
0x5: {  	_ = 	snop  }
0x6: {  	_ = 	snop  }
0x7: {  	_ = 	snop  }
__scs_overlays_trampoline_lowered:
0x8: {  	[smem:$0x3F97] =	sst s0  }
0x9: {  	[smem:$0x3F98] =	sst s1  }
0xa: {  	[smem:$0x3F99] =	sst s2  }
0xb: {  	[smem:$0x3F9A] =	sst s3  }
0xc: {  	[smem:$0x3F9B] =	sst s4  }
0xd: {  	[smem:$0x3F9C] =	sst s5  }
0xe: {  	[smem:$0x3F9D] =	sst s6  }
0xf: {  	[smem:$0x3F9E] =	sst s7  }
0x10: {  	[smem:$0x3F9F] =	sst s8  }
0x11: {  	[smem:$0x3FA0] =	sst s9;
	s0 =	simm.s32 @!p0 $0x0  }
0x12: {  	s1 =	sld [smem:$0x3F86];
	s0 =	simm.s32 @p0 $0x1  }
0x13: {  	[smem:$0x3FA1] =	sst s0;
	s0 =	simm.s32 @!p1 $0x0  }
0x14: {  	s2 =	sld [smem:$0x3F85];
	s0 =	simm.s32 @p1 $0x1  }
0x15: {  	[smem:$0x3FA2] =	sst s0;
	s0 =	simm.s32 @!p2 $0x0  }
0x16: {  	s3 =	sld [smem:$0x3FDB];
	s0 =	simm.s32 @p2 $0x1  }
0x17: {  	s4 =	simm.s32 $0x1BF5;
	[smem:$0x3FA4] =	sst s0  }
0x18: {  	s0 =	sld [smem:$0x3F87];
	_ =	swait.ge [sflag:s4], $0x0  }
0x19: {  	s7 =	sld [smem:$0x3F88]  }
0x1a: {  	s8 =	sadd.s32 $0xFFFFE003, lr  }
0x1b: {  	s9 =	sadd.s32 $0xFFFFFEF7, lr;
	s5 =	simm.s32 $0xFFFFFFFF;
	p2 =	slt.u32 s8, $0xFFFFF086  }
0x1c: {  	p1 =	slt.u32 s9, $0xF7A;
	s5 =	simm.s32 @!p2 $0x0  }
0x1d: {  	s5 =	simm.s32 @p1 $0x1;
	p0 =	seq.s32 s7, s2  }
0x1e: {  	s7 =	smul.u32 @!p0 $0xF7A, s2;
	p2 =	seq.s32 @!p0 s5, $0x0  }
0x1f: {  	s9 =	smul.u32 $0xF7A, s1;
	s8 =	simm.s32 @!p0 $0x1BF5;
	p2 =	por !p2, p0  }
0x20: {  	[sflag:s8] =	ssyncset.s32 @!p0 $0xFFFFF086;
	s6 =	sadd.s32 @!p0 s3, s7;
	s7 =	simm.s32 @!p0 $0x108  }
0x21: {  	s3 =	sadd.s32 s3, s9;
	s6 =	sadd.s32 @!p0 $0x88, s6;
	s7 =	simm.s32 @p2 $0x1082  }
0x22: {  	[simem:s7], [sflag:s8] =	dma.local @!p0 [hbm:s6], $0xF7A  }
0x23: {  	s9 =	sor.u32 $0xD0000000, s2;
	s6 =	simm.s32 $0x108;
	_ =	swait.ge @!p0 [sflag:s8], $0x0  }
0x24: {  	s3 =	sadd.s32 $0x88, s3;
	s6 =	simm.s32 @!p1 $0x1082;
	[sflag:s4] =	ssyncset.s32 $0xFFFFF086  }
0x25: {  	[simem:s6], [sflag:s4] =	dma.local [hbm:s3], $0xF7A  }
0x26: {  	[smem:$0x3F88] =	sst s1;
	(tag) =	ssettag s2;
	_ =	strace s9  }
0x27: {  	s1 =	sld [smem:$0x3F98]  }
0x28: {  	s2 =	sld [smem:$0x3F99]  }
0x29: {  	s4 =	sld [smem:$0x3F9B]  }
0x2a: {  	p0 =	seq.s32 s5, $0x0;
	s5 =	sld [smem:$0x3F9C]  }
0x2b: {  	s6 =	sld [smem:$0x3F9D]  }
0x2c: {  	s7 =	sld [smem:$0x3F9E]  }
0x2d: {  	s3 =	simm.s32 $0x108;
	s8 =	sld [smem:$0x3F9F]  }
0x2e: {  	s3 =	simm.s32 @!p0 $0x1082;
	s9 =	sld [smem:$0x3FA0]  }
0x2f: {  	lr =	sadd.s32 s0, s3;
	s0 =	sld [smem:$0x3F97]  }
0x30: {  	s3 =	sld [smem:$0x3F9A]  }
0x31: {  	[smem:$0x3FA3] =	sst s10  }
0x32: {  	s10 =	sld [smem:$0x3FA1];
	_ =	sdelay $0x3  }
0x33: {  	p0 =	seq.s32 s10, $0x1;
	s10 =	sld [smem:$0x3FA3];
	_ =	sdelay $0x3  }
0x34: {  	[smem:$0x3FA3] =	sst s10  }
0x35: {  	s10 =	sld [smem:$0x3FA2];
	_ =	sdelay $0x3  }
0x36: {  	p1 =	seq.s32 s10, $0x1;
	s10 =	sld [smem:$0x3FA3];
	_ =	sdelay $0x3  }
0x37: {  	[smem:$0x3FA3] =	sst s10  }
0x38: {  	s10 =	sld [smem:$0x3FA4]  }
0x39: {  	_ = 	snop;
	(pc) =	sbr.ind lr, $3  }
0x3a: {  	_ = 	snop  }
0x3b: {  	_ = 	snop  }
0x3c: {  	p2 =	seq.s32 s10, $0x1;
	s10 =	sld [smem:$0x3FA3]  }
0x3d: {  	_ =	shalt  }
0x3e: {  	_ =	shalt  }
0x3f: {  	_ =	shalt  }
0x40: {  	_ =	shalt  }
0x41: {  	_ =	shalt  }
0x42: {  	_ =	shalt  }
0x43: {  	_ =	shalt  }
0x44: {  	_ =	shalt  }
0x45: {  	_ =	shalt  }
0x46: {  	_ =	shalt  }
0x47: {  	_ =	shalt  }
0x48: {  	_ =	shalt  }
0x49: {  	_ =	shalt  }
0x4a: {  	_ =	shalt  }
0x4b: {  	_ =	shalt  }
0x4c: {  	_ =	shalt  }
0x4d: {  	_ =	shalt  }
0x4e: {  	_ =	shalt  }
0x4f: {  	_ =	shalt  }
0x50: {  	_ =	shalt  }
0x51: {  	_ =	shalt  }
0x52: {  	_ =	shalt  }
0x53: {  	_ =	shalt  }
0x54: {  	_ =	shalt  }
0x55: {  	_ =	shalt  }
0x56: {  	_ =	shalt  }
0x57: {  	_ =	shalt  }
0x58: {  	_ =	shalt  }
0x59: {  	_ =	shalt  }
0x5a: {  	_ =	shalt  }
0x5b: {  	_ =	shalt  }
0x5c: {  	_ =	shalt  }
0x5d: {  	_ =	shalt  }
0x5e: {  	_ =	shalt  }
0x5f: {  	_ =	shalt  }
0x60: {  	_ =	shalt  }
0x61: {  	_ =	shalt  }
0x62: {  	_ =	shalt  }
0x63: {  	_ =	shalt  }
0x64: {  	_ =	shalt  }
0x65: {  	_ =	shalt  }
0x66: {  	_ =	shalt  }
0x67: {  	_ =	shalt  }
0x68: {  	_ =	shalt  }
0x69: {  	_ =	shalt  }
0x6a: {  	_ =	shalt  }
0x6b: {  	_ =	shalt  }
0x6c: {  	_ =	shalt  }
0x6d: {  	_ =	shalt  }
0x6e: {  	_ =	shalt  }
0x6f: {  	_ =	shalt  }
0x70: {  	_ =	shalt  }
0x71: {  	_ =	shalt  }
0x72: {  	_ =	shalt  }
0x73: {  	_ =	shalt  }
0x74: {  	_ =	shalt  }
0x75: {  	_ =	shalt  }
0x76: {  	_ =	shalt  }
0x77: {  	_ =	shalt  }
0x78: {  	_ =	shalt  }
0x79: {  	_ =	shalt  }
0x7a: {  	_ =	shalt  }
0x7b: {  	_ =	shalt  }
0x7c: {  	_ =	shalt  }
0x7d: {  	_ =	shalt  }
0x7e: {  	_ =	shalt  }
0x7f: {  	_ =	shalt  }
0x80: {  	_ =	shalt  }
0x81: {  	_ =	shalt  }
0x82: {  	_ =	shalt  }
0x83: {  	_ =	shalt  }
0x84: {  	_ =	shalt  }
0x85: {  	_ =	shalt  }
0x86: {  	_ =	shalt  }
0x87: {  	_ =	shalt  }
.Lfunc_end0:
.L_simem_size_0:
called_computation.3_lowered:
.L_overlay_start_0:
0x88: {  	s2 =	sld [smem:$0x3FD9]  }
0x89: {  	s3 =	sld [smem:$0x3FFE];
	_ =	sdelay $0x1  }
0x8a: {  	s1 =	srdreg.scid  }
0x8b: {  	s0 =	sand.u32 $0x1, s1  }
0x8c: {  	s16 =	sshll.u32 s0, $0xA;
	s2 =	sadd.s32 s3, s2  }
0x8d: {  	s2 =	sadd.s32 s2, s16  }
0x8e: {  	[smem:$0x3FAF] =	sst s2  }
0x8f: {  	_ = 	snop  }
0x90: {  	(tm) =	ssettm $0x1  }
0x91: {  	s17 =	sld [smem:$0x3FFB];
	_ =	sdelay $0x3  }
0x92: {  	_ =	strace s17  }
0x93: {  	s2 =	sld [smem:$0x3FFC];
	_ =	sdelay $0x3  }
0x94: {  	_ =	strace s2  }
0x95: {  	s2 =	sld [smem:$0x3FFD];
	_ =	sdelay $0x3  }
0x96: {  	_ =	strace s2  }
0x97: {  	_ =	strace $0x8FFFFFFF  }
0x98: {  	s18 =	sld [smem:$0x3FDB];
	_ =	sdelay $0x1  }
0x99: {  	s19 =	simm.s32 $_scs_section_size  }
0x9a: {  	s4 =	simm.s32 $_size__tile_overlayer_lowered;
	s5 =	simm.s32 $_tile_overlayer_lowered  }
0x9b: {  	s22 =	simm.s32 $0x1BFF;
	s21 =	sshll.u32 s5, $0x1;
	s2 =	sadd.s32 s19, s18  }
0x9c: {  	s6 =	simm.s32 $0x0;
	s20 =	sshll.u32 s4, $0x1;
	s4 =	sadd.s32 s21, s2  }
0x9d: {  	[timem:s6], [sflag:s22] =	dma.local [hbm:s4], s20  }
0x9e: {  	_ =	swait.ge [sflag:s22], s20  }
0x9f: {  	s3 =	ssub.s32 $0x0, s20;
	[sflag:s22] =	ssyncset.done $0x0  }
0xa0: {  	[sflag:s22] =	ssyncadd.s32 s3;
	_ =	sdelay $0x1  }
0xa1: {  	s23 =	simm.s32 $0x1B8B  }
0xa2: {  	_ =	swait.ge [sflag:s23], $0x1  }
0xa3: {  	[sflag:s23] =	ssyncset.done $0x0  }
0xa4: {  	s25 =	simm.s32 $0x1B8E;
	s24 =	sld [smem:$0x3FFE];
	[sflag:s23] =	ssyncadd.s32 $0xFFFFFFFF  }
0xa5: {  	s26 =	simm.s32 $execute0_lowered;
	[smem:$0x3FD2] =	sst s25  }
0xa6: {  	s4 =	sshll.u32 s26, $0x1;
	_ =	strace $0x80000058;
	[dreg:$0x1] =	wrdreg $0xFFFFFFFF  }
0xa7: {  	s28 =	simm.s32 $_size_execute0_lowered;
	s2 =	sadd.s32 s2, s4;
	[dreg:$0x0] =	wrdreg $0x0  }
0xa8: {  	s4 =	sshll.u32 s28, $0x1;
	[dreg:$0x2] =	wrdreg s2  }
0xa9: {  	[dreg:$0x3] =	wrdreg s4  }
0xaa: {  	[dreg:$0x4] =	wrdreg $0xC0  }
0xab: {  	_ =	task [dreg:s6], $0x5FFFF  }
0xac: {  	[dreg:$0x1] =	wrdreg $0xFFFFFFFF  }
0xad: {  	[dreg:$0x0] =	wrdreg $0x60  }
0xae: {  	[dreg:$0x2] =	wrdreg s24  }
0xaf: {  	[dreg:$0x3] =	wrdreg $0x9  }
0xb0: {  	_ =	task.clear_ibuf [dreg:s6], $0x4FFFF;
	_ =	strace $0x90000058  }
0xb1: {  	s29 =	simm.s32 $0x9;
	_ =	strace $0x8000005A  }
0xb2: {  	_ =	swait.ge [sflag:s29], $0x1  }
0xb3: {  	[sflag:s29] =	ssyncadd.s32 $0xFFFFFFFF  }
0xb4: {  	_ =	strace $0x9000005A  }
0xb5: {  	_ =	sfence  }
0xb6: {  	s30 =	sld [smem:$0x0];
	_ =	sdelay $0x2  }
0xb7: {  	s31 =	sshll.u32 s1, $0xD;
	s1 =	sshrl.u32 s1, $0x2  }
0xb8: {  	s3 =	sand.u32 $0x4000, s31;
	s1 =	sadd.s32 s1, s30  }
0xb9: {  	s0 =	sor.u32 s3, s0;
	s1 =	sshll.u32 s1, $0x11  }
0xba: {  	s0 =	sor.u32 s1, s0  }
0xbb: {  	s0 =	sadd.s32 $0x8F2B, s0  }
0xbc: {  	[sflag:s0] =	ssyncadd.remote.s32 $0x1  }
0xbd: {  	_ =	sfence.sel $0xFFFF  }
0xbe: {  	[dreg:$0x0] =	wrdreg $0xFFFFFFFF;
	(pc) =	sbr.abs _section_cstart, $3  }
0xbf: {  	[dreg:$0x1] =	wrdreg $0xFFFFFFFF  }
0xc0: {  	_ =	task.clear_ibuf [dreg:s6], $0x2FFFF;
	_ =	strace $0x9FFFFFFF  }
0xc1: {  	(tm) =	ssettm $0x7FFFFFFF  }
tec
execute0_lowered:
.L_overlay_start_1:
0x0: {  	(tag) =	ssettag $0x1  }
0x1: {  	s1 =	srdreg.scid  }
0x2: {  	s0 =	stileid.u32;
	s2 =	rddreg [dreg:$0x0];
	s6 =	simm.s32 $0x1  }
0x3: {  	s9 =	simm.s32 $0x1;
	s10 =	simm.s32 $0x3;
	s1 =	sshll.u32 s1, $0x9  }
0x4: {  	s13 =	simm.s32 $0x0;
	s3 =	sshll.u32 s0, $0xA;
	s4 =	sand.u32 $0x200, s1  }
0x5: {  	s12 =	simm.s32 $0x0;
	s5 =	sadd.s32 $0x1800, s2;
	s3 =	sor.u32 s3, s4  }
0x6: {  	s1 =	rddreg [dreg:$0x1];
	_ =	strace $0x80000059;
	s8 =	ssub.s32 $0x8000, s3  }
.Ltmp0:
0x7: {  	s4 =	sadd.s32 $0xD9400, s2;
	s7 =	sand.u32 $0x3E00, s8;
	(pc) =	sbr.rel .LBB2_1-.Ltmp0, $4  }
0x8: {  	[sflag:s6] =	ssyncpa.u1 $0x0;
	s11 =	smov.u32 s3;
	p0 =	sne.s32 s7, $0x0  }
0x9: {  	s8 =	sshrl.u32 s8, $0xE;
	s7 =	simm.s32 $0x2;
	s9 =	simm.s32 @!p0 $0x0  }
0xa: {  	[sflag:s7] =	ssyncpa.u1 $0x0;
	p0 =	por $0x0, $0x0;
	s8 =	sadd.s32 s9, s8  }
0xb: {  	vm0 =	vmmov $0xffff;
	[sflag:s10] =	ssyncpa.u1 $0x0;
	s10 =	simm.s32 $0x0;
	s9 =	sadd.s32 $0x1, s8  }
.LBB2_4:
0xc: {  	vm1 =	veq.s32 v0, $0x80000000;
	v63 =	vand.u32 $0x7FF, v0;
	v2 =	vand.u32 $0x7FF, v2  }
0xd: {  	v0 =	vsel vm1, $0xFFFFFFFF, v63;
	v2 =	vsel vm1, $0xFFFFFFFF, v2  }
0xe: {  	v3 =	vshll.u32 v2, $0xB;
	v4 =	vshll.u32 v0, $0x3  }
0xf: {  	v2 =	vshll.u32 v2, $0x7;
	v3 =	vand.u32 $0xFFFFC000, v3;
	v4 =	vand.u32 $0xFFFFFC00, v4  }
0x10: {  	v2 =	vand.u32 $0x380, v2;
	v3 =	vadd.s32 v4, v3  }
0x11: {  	v0 =	vand.u32 $0x7F, v0;
	v2 =	vor.u32 v2, v3  }
0x12: {  	v0 =	vor.u32 v0, v2;
	_ =	sdelay $0x1  }
0x13: {  	(ifvalue) =	ssetifvalue $0x7FFFFFFF;
	s14 =	sadd.s32 $0x10, s14  }
0x14: {  	[tilespmem:s14], [sflag:$0x1] =	stream.indirect_vreg.gather [hbm4b:s4+s10], $0x1, v1, vm0, $0x4038;
	[tilespmem:$0x800] =	vst v63  }
0x15: {  	(ifvalue) =	ssetifvalue $0x7FFFFFFF;
	s14 =	sadd.s32 $0x10, s14  }
0x16: {  	[tilespmem:s14], [sflag:$0x1] =	stream.indirect_vreg.gather [hbm4b:s4+s10], $0x1, v0, vm0, $0x4038;
	[tilespmem:$0x800] =	vst v63  }
0x17: {  	_ =	swait.ge [sflag:s6], $0x200  }
0x18: {  	s30 =	sshrl.u32 s13, $0x3;
	[sflag:s6] =	ssyncset.done $0x0  }
0x19: {  	s31 =	sand.u32 $0x7, s13;
	s14 =	sadd.s32 s5, s30;
	[sflag:s6] =	ssyncadd.s32 $0xFFFFFE00  }
0x1a: {  	[hbm4b:s14+s31] =	stream.linear.scatter [tilespmem:s15], [sflag:$0x3], $0x200, $0x38;
	[tilespmem:$0x800] =	vst v63  }
.LBB2_5:
0x1b: {  	s15 =	sadd.s32 $0x4000, s11  }
0x1c: {  	p2 =	sgt.s32 s15, $0x7FFF  }
0x1d: {  	s15 =	smov.u32 @p2 s3;
	p2 =	sne.s32 s12, s9  }
.Ltmp1:
0x1e: {  	p1 =	slt.u32 s12, $0x2;
	(pc) =	sbr.rel @!p2 .LBB2_6-.Ltmp1, $4  }
0x1f: {  	s14 =	simm.s32 @!p1 $0x3  }
0x20: {  	s16 =	sadd.s32 $0x1, s12;
	_ =	swait.ge @!p1 [sflag:s14], $0x200  }
0x21: {  	s13 =	smov.u32 s11;
	p0 =	por !p0, !p0;
	[sflag:s14] =	ssyncset.done @!p1 $0x0  }
0x22: {  	s12 =	smov.u32 s16;
	s11 =	smov.u32 s15;
	[sflag:s14] =	ssyncadd.s32 @!p1 $0xFFFFFE00  }
.LBB2_1:
0x23: {  	p1 =	sge.u32 s12, s8  }
0x24: {  	s14 =	sxor.u32 @!p1 $0xFFFFFFFF, s12  }
0x25: {  	s31 =	sadd.s32 $0xFFFFFFFF, s12;
	s15 =	sshrl.u32 @!p1 s11, $0x3;
	s14 =	sshll.u32 @!p1 s14, $0x9  }
0x26: {  	s16 =	sand.u32 @!p1 $0x7, s11;
	s15 =	sadd.s32 @!p1 s2, s15;
	s14 =	sand.u32 @!p1 $0x200, s14  }
0x27: {  	[tilespmem:s14], [sflag:$0x2] =	stream.linear.gather @!p1 [hbm4b:s15+s16], $0x200, $0x38;
	[tilespmem:$0x800] =	vst v63  }
0x28: {  	p1 =	sge.u32 s31, s8  }
.Ltmp2:
0x29: {  	_ = 	snop;
	(pc) =	sbr.rel @p1 .LBB2_5-.Ltmp2, $1  }
0x2a: {  	_ =	sdelay $0x3  }
0x2b: {  	s14 =	simm.s32 $0x1  }
0x2c: {  	_ =	swait.ge [sflag:s7], $0x200;
	s14 =	simm.s32 @!p0 $0x0  }
0x2d: {  	[sflag:s7] =	ssyncset.done $0x0;
	s14 =	sshll.u32 s14, $0x9  }
0x2e: {  	[sflag:s7] =	ssyncadd.s32 $0xFFFFFE00;
	(ifvalue) =	ssetifvalue $0x7FFFFFFF;
	v0 =	vld.msk [tilespmem:s14+$0x0 ss:$0x1], $0xffff;
	_ =	sdelay $0x4  }
0x2f: {  	s15 =	sadd.s32 $0x10, s14;
	v1 =	vshrl.u32 v0, $0xB  }
0x30: {  	v2 =	vld.msk [tilespmem:s15+$0x0 ss:$0x1], $0xffff;
	vm1 =	veq.s32 v0, $0x80000000;
	v0 =	vand.u32 $0x7FF, v0;
	v1 =	vand.u32 $0x7FF, v1  }
0x31: {  	v0 =	vsel vm1, $0xFFFFFFFF, v0;
	v1 =	vsel vm1, $0xFFFFFFFF, v1  }
0x32: {  	v4 =	vshll.u32 v0, $0x3;
	v3 =	vshll.u32 v1, $0xB  }
0x33: {  	v4 =	vand.u32 $0xFFFFFC00, v4;
	v1 =	vshll.u32 v1, $0x7;
	v3 =	vand.u32 $0xFFFFC000, v3  }
0x34: {  	v0 =	vand.u32 $0x7F, v0;
	v1 =	vand.u32 $0x380, v1;
	v3 =	vadd.s32 v4, v3  }
0x35: {  	vm1 =	veq.s32 v2, $0x80000000;
	v1 =	vor.u32 v1, v3;
	v3 =	vshrl.u32 v2, $0xB  }
0x36: {  	s17 =	sadd.s32 $0x10, s15;
	v2 =	vand.u32 $0x7FF, v2;
	v1 =	vor.u32 v0, v1;
	v3 =	vand.u32 $0x7FF, v3  }
0x37: {  	v0 =	vld.msk [tilespmem:s17+$0x0 ss:$0x1], $0xffff;
	v2 =	vsel vm1, $0xFFFFFFFF, v2;
	v3 =	vsel vm1, $0xFFFFFFFF, v3  }
0x38: {  	v5 =	vshll.u32 v2, $0x3;
	v63 =	vshll.u32 v3, $0xB  }
0x39: {  	s31 =	sshll.u32 s12, $0x9;
	v5 =	vand.u32 $0xFFFFFC00, v5;
	v3 =	vshll.u32 v3, $0x7;
	v4 =	vand.u32 $0xFFFFC000, v63  }
0x3a: {  	s14 =	sor.u32 $0x400, s14;
	s15 =	sand.u32 $0x200, s31;
	(ifvalue) =	ssetifvalue $0x7FFFFFFF;
	v3 =	vand.u32 $0x380, v3;
	v4 =	vadd.s32 v5, v4  }
0x3b: {  	[tilespmem:s14], [sflag:$0x1] =	stream.indirect_vreg.gather [hbm4b:s4+s10], $0x1, v1, vm0, $0x4038;
	v1 =	vand.u32 $0x7F, v2;
	v3 =	vor.u32 v3, v4;
	[tilespmem:$0x800] =	vst v63  }
0x3c: {  	s16 =	simm.s32 $0x20;
	s15 =	sor.u32 $0x400, s15;
	s17 =	sadd.s32 $0x10, s17;
	v2 =	vshrl.u32 v0, $0xB;
	v1 =	vor.u32 v1, v3  }
.LBB2_3:
0x3d: {  	s16 =	sadd.s32 $0x10, s16;
	vm1 =	veq.s32 v0, $0x80000000;
	v3 =	vand.u32 $0x7FF, v0;
	v0 =	vld.msk [tilespmem:s17+$0x0 ss:$0x1], $0xffff;
	v2 =	vand.u32 $0x7FF, v2  }
0x3e: {  	p1 =	slt.u32 s16, $0x1F0;
	v3 =	vsel vm1, $0xFFFFFFFF, v3;
	v2 =	vsel vm1, $0xFFFFFFFF, v2  }
.Ltmp3:
0x3f: {  	v4 =	vshll.u32 v2, $0xB;
	v5 =	vshll.u32 v3, $0x3;
	(pc) =	sbr.rel @p1 .LBB2_3-.Ltmp3, $4  }
0x40: {  	s14 =	sadd.s32 $0x10, s14;
	v2 =	vshll.u32 v2, $0x7;
	v4 =	vand.u32 $0xFFFFC000, v4;
	v5 =	vand.u32 $0xFFFFFC00, v5;
	(ifvalue) =	ssetifvalue $0x7FFFFFFF  }
0x41: {  	v2 =	vand.u32 $0x380, v2;
	v4 =	vadd.s32 v5, v4;
	[tilespmem:s14], [sflag:$0x1] =	stream.indirect_vreg.gather [hbm4b:s4+s10], $0x1, v1, vm0, $0x4038;
	[tilespmem:$0x800] =	vst v63  }
0x42: {  	v1 =	vand.u32 $0x7F, v3;
	v3 =	vor.u32 v2, v4  }
0x43: {  	s17 =	sadd.s32 $0x10, s17;
	v2 =	vshrl.u32 v0, $0xB;
	v1 =	vor.u32 v1, v3  }
.Ltmp4:
0x44: {  	_ = 	snop;
	(pc) =	sbr.rel .LBB2_4-.Ltmp4, $1  }
0x45: {  	_ =	sdelay $0x3  }
.LBB2_6:
0x46: {  	_ =	sfence.sel $0x180000  }
0x47: {  	s2 =	simm.s32 $0x2;
	[bflag:$0x0] =	sbarrier.arrive $0xFFFF  }
0x48: {  	s30 =	simm.s32 $0x3;
	[sflag:s2] =	ssyncpa.u1 $0x1  }
0x49: {  	s31 =	simm.s32 $0x1;
	[sflag:s30] =	ssyncpa.u1 $0x1  }
0x4a: {  	[sflag:s31] =	ssyncpa.u1 $0x1  }
0x4b: {  	p0 =	sne.s32 s0, $0x0;
	_ =	strace $0x90000059  }
0x4c: {  	s0 =	sadd.s32 @!p0 $0x100000, s1;
	[bflag:$0x2] =	sbarrier.arrive $0xFFFF  }
0x4d: {  	[sflag:s0] =	ssyncadd.tile.s32 @!p0 $0x1;
	_ =	shalt  }
.Lfunc_end2:
_tile_overlayer_lowered:
.L_overlay_start_2:
0x4e: {  	(tag) =	ssettag $0x2  }
0x4f: {  	s0 =	rddreg [dreg:$0x0];
	s2 =	stileid.u32  }
0x50: {  	s1 =	rddreg [dreg:$0x1];
	p0 =	sne.s32 s2, $0x0  }
0x51: {  	s3 =	rddreg [dreg:$0x2];
	[bflag:$0x3] =	sbarrier.arrive $0xFFFF;
	s2 =	simm.s32 @!p0 $0x1C01  }
0x52: {  	[timem:s3], [sflag:s2] =	dma.local @!p0 [hbm:s0], s1  }
0x53: {  	s0 =	simm.s32 @!p0 $0x1  }
0x54: {  	_ =	swait.ge @!p0 [sflag:s0], s1  }
0x55: {  	s1 =	ssub.s32 @!p0 $0x0, s1;
	[sflag:s0] =	ssyncset.done @!p0 $0x0  }
0x56: {  	[sflag:s0] =	ssyncadd.s32 @!p0 s1  }
0x57: {  	[bflag:$0x3] =	sbarrier.arrive $0xFFFF  }
0x58: {  	_ =	shalt  }

// kernel: gather_offload_async_start.4
scs
__scs_entry_jumppad:
0x0: {  	(pc) =	sbr.rel $0x88, $3  }
0x1: {  	(tag) =	ssettag $0x0;
	lr =	simm.s32 $0x1  }
0x2: {  	[smem:$0x3F88] =	sst lr;
	_ =	strace $0xD0000000  }
0x3: {  	_ = 	snop  }
0x4: {  	_ = 	snop  }
0x5: {  	_ = 	snop  }
0x6: {  	_ = 	snop  }
0x7: {  	_ = 	snop  }
__scs_overlays_trampoline_lowered:
0x8: {  	[smem:$0x3F97] =	sst s0  }
0x9: {  	[smem:$0x3F98] =	sst s1  }
0xa: {  	[smem:$0x3F99] =	sst s2  }
0xb: {  	[smem:$0x3F9A] =	sst s3  }
0xc: {  	[smem:$0x3F9B] =	sst s4  }
0xd: {  	[smem:$0x3F9C] =	sst s5  }
0xe: {  	[smem:$0x3F9D] =	sst s6  }
0xf: {  	[smem:$0x3F9E] =	sst s7  }
0x10: {  	[smem:$0x3F9F] =	sst s8  }
0x11: {  	[smem:$0x3FA0] =	sst s9;
	s0 =	simm.s32 @!p0 $0x0  }
0x12: {  	s1 =	sld [smem:$0x3F86];
	s0 =	simm.s32 @p0 $0x1  }
0x13: {  	[smem:$0x3FA1] =	sst s0;
	s0 =	simm.s32 @!p1 $0x0  }
0x14: {  	s2 =	sld [smem:$0x3F85];
	s0 =	simm.s32 @p1 $0x1  }
0x15: {  	[smem:$0x3FA2] =	sst s0;
	s0 =	simm.s32 @!p2 $0x0  }
0x16: {  	s3 =	sld [smem:$0x3FDB];
	s0 =	simm.s32 @p2 $0x1  }
0x17: {  	s4 =	simm.s32 $0x1BF5;
	[smem:$0x3FA4] =	sst s0  }
0x18: {  	s0 =	sld [smem:$0x3F87];
	_ =	swait.ge [sflag:s4], $0x0  }
0x19: {  	s7 =	sld [smem:$0x3F88]  }
0x1a: {  	s8 =	sadd.s32 $0xFFFFE003, lr  }
0x1b: {  	s9 =	sadd.s32 $0xFFFFFEF7, lr;
	s5 =	simm.s32 $0xFFFFFFFF;
	p2 =	slt.u32 s8, $0xFFFFF086  }
0x1c: {  	p1 =	slt.u32 s9, $0xF7A;
	s5 =	simm.s32 @!p2 $0x0  }
0x1d: {  	s5 =	simm.s32 @p1 $0x1;
	p0 =	seq.s32 s7, s2  }
0x1e: {  	s7 =	smul.u32 @!p0 $0xF7A, s2;
	p2 =	seq.s32 @!p0 s5, $0x0  }
0x1f: {  	s9 =	smul.u32 $0xF7A, s1;
	s8 =	simm.s32 @!p0 $0x1BF5;
	p2 =	por !p2, p0  }
0x20: {  	[sflag:s8] =	ssyncset.s32 @!p0 $0xFFFFF086;
	s6 =	sadd.s32 @!p0 s3, s7;
	s7 =	simm.s32 @!p0 $0x108  }
0x21: {  	s3 =	sadd.s32 s3, s9;
	s6 =	sadd.s32 @!p0 $0x88, s6;
	s7 =	simm.s32 @p2 $0x1082  }
0x22: {  	[simem:s7], [sflag:s8] =	dma.local @!p0 [hbm:s6], $0xF7A  }
0x23: {  	s9 =	sor.u32 $0xD0000000, s2;
	s6 =	simm.s32 $0x108;
	_ =	swait.ge @!p0 [sflag:s8], $0x0  }
0x24: {  	s3 =	sadd.s32 $0x88, s3;
	s6 =	simm.s32 @!p1 $0x1082;
	[sflag:s4] =	ssyncset.s32 $0xFFFFF086  }
0x25: {  	[simem:s6], [sflag:s4] =	dma.local [hbm:s3], $0xF7A  }
0x26: {  	[smem:$0x3F88] =	sst s1;
	(tag) =	ssettag s2;
	_ =	strace s9  }
0x27: {  	s1 =	sld [smem:$0x3F98]  }
0x28: {  	s2 =	sld [smem:$0x3F99]  }
0x29: {  	s4 =	sld [smem:$0x3F9B]  }
0x2a: {  	p0 =	seq.s32 s5, $0x0;
	s5 =	sld [smem:$0x3F9C]  }
0x2b: {  	s6 =	sld [smem:$0x3F9D]  }
0x2c: {  	s7 =	sld [smem:$0x3F9E]  }
0x2d: {  	s3 =	simm.s32 $0x108;
	s8 =	sld [smem:$0x3F9F]  }
0x2e: {  	s3 =	simm.s32 @!p0 $0x1082;
	s9 =	sld [smem:$0x3FA0]  }
0x2f: {  	lr =	sadd.s32 s0, s3;
	s0 =	sld [smem:$0x3F97]  }
0x30: {  	s3 =	sld [smem:$0x3F9A]  }
0x31: {  	[smem:$0x3FA3] =	sst s10  }
0x32: {  	s10 =	sld [smem:$0x3FA1];
	_ =	sdelay $0x3  }
0x33: {  	p0 =	seq.s32 s10, $0x1;
	s10 =	sld [smem:$0x3FA3];
	_ =	sdelay $0x3  }
0x34: {  	[smem:$0x3FA3] =	sst s10  }
0x35: {  	s10 =	sld [smem:$0x3FA2];
	_ =	sdelay $0x3  }
0x36: {  	p1 =	seq.s32 s10, $0x1;
	s10 =	sld [smem:$0x3FA3];
	_ =	sdelay $0x3  }
0x37: {  	[smem:$0x3FA3] =	sst s10  }
0x38: {  	s10 =	sld [smem:$0x3FA4]  }
0x39: {  	_ = 	snop;
	(pc) =	sbr.ind lr, $3  }
0x3a: {  	_ = 	snop  }
0x3b: {  	_ = 	snop  }
0x3c: {  	p2 =	seq.s32 s10, $0x1;
	s10 =	sld [smem:$0x3FA3]  }
0x3d: {  	_ =	shalt  }
0x3e: {  	_ =	shalt  }
0x3f: {  	_ =	shalt  }
0x40: {  	_ =	shalt  }
0x41: {  	_ =	shalt  }
0x42: {  	_ =	shalt  }
0x43: {  	_ =	shalt  }
0x44: {  	_ =	shalt  }
0x45: {  	_ =	shalt  }
0x46: {  	_ =	shalt  }
0x47: {  	_ =	shalt  }
0x48: {  	_ =	shalt  }
0x49: {  	_ =	shalt  }
0x4a: {  	_ =	shalt  }
0x4b: {  	_ =	shalt  }
0x4c: {  	_ =	shalt  }
0x4d: {  	_ =	shalt  }
0x4e: {  	_ =	shalt  }
0x4f: {  	_ =	shalt  }
0x50: {  	_ =	shalt  }
0x51: {  	_ =	shalt  }
0x52: {  	_ =	shalt  }
0x53: {  	_ =	shalt  }
0x54: {  	_ =	shalt  }
0x55: {  	_ =	shalt  }
0x56: {  	_ =	shalt  }
0x57: {  	_ =	shalt  }
0x58: {  	_ =	shalt  }
0x59: {  	_ =	shalt  }
0x5a: {  	_ =	shalt  }
0x5b: {  	_ =	shalt  }
0x5c: {  	_ =	shalt  }
0x5d: {  	_ =	shalt  }
0x5e: {  	_ =	shalt  }
0x5f: {  	_ =	shalt  }
0x60: {  	_ =	shalt  }
0x61: {  	_ =	shalt  }
0x62: {  	_ =	shalt  }
0x63: {  	_ =	shalt  }
0x64: {  	_ =	shalt  }
0x65: {  	_ =	shalt  }
0x66: {  	_ =	shalt  }
0x67: {  	_ =	shalt  }
0x68: {  	_ =	shalt  }
0x69: {  	_ =	shalt  }
0x6a: {  	_ =	shalt  }
0x6b: {  	_ =	shalt  }
0x6c: {  	_ =	shalt  }
0x6d: {  	_ =	shalt  }
0x6e: {  	_ =	shalt  }
0x6f: {  	_ =	shalt  }
0x70: {  	_ =	shalt  }
0x71: {  	_ =	shalt  }
0x72: {  	_ =	shalt  }
0x73: {  	_ =	shalt  }
0x74: {  	_ =	shalt  }
0x75: {  	_ =	shalt  }
0x76: {  	_ =	shalt  }
0x77: {  	_ =	shalt  }
0x78: {  	_ =	shalt  }
0x79: {  	_ =	shalt  }
0x7a: {  	_ =	shalt  }
0x7b: {  	_ =	shalt  }
0x7c: {  	_ =	shalt  }
0x7d: {  	_ =	shalt  }
0x7e: {  	_ =	shalt  }
0x7f: {  	_ =	shalt  }
0x80: {  	_ =	shalt  }
0x81: {  	_ =	shalt  }
0x82: {  	_ =	shalt  }
0x83: {  	_ =	shalt  }
0x84: {  	_ =	shalt  }
0x85: {  	_ =	shalt  }
0x86: {  	_ =	shalt  }
0x87: {  	_ =	shalt  }
.Lfunc_end0:
.L_simem_size_0:
called_computation.4_lowered:
.L_overlay_start_0:
0x88: {  	s2 =	sld [smem:$0x3FD9]  }
0x89: {  	s3 =	sld [smem:$0x3FFE];
	_ =	sdelay $0x1  }
0x8a: {  	s1 =	srdreg.scid  }
0x8b: {  	s0 =	sand.u32 $0x1, s1  }
0x8c: {  	s16 =	sshll.u32 s0, $0xA;
	s2 =	sadd.s32 s3, s2  }
0x8d: {  	s2 =	sadd.s32 s2, s16  }
0x8e: {  	[smem:$0x3FAF] =	sst s2  }
0x8f: {  	_ = 	snop  }
0x90: {  	(tm) =	ssettm $0x1  }
0x91: {  	s17 =	sld [smem:$0x3FFB];
	_ =	sdelay $0x3  }
0x92: {  	_ =	strace s17  }
0x93: {  	s2 =	sld [smem:$0x3FFC];
	_ =	sdelay $0x3  }
0x94: {  	_ =	strace s2  }
0x95: {  	s2 =	sld [smem:$0x3FFD];
	_ =	sdelay $0x3  }
0x96: {  	_ =	strace s2  }
0x97: {  	_ =	strace $0x8FFFFFFF  }
0x98: {  	s18 =	sld [smem:$0x3FDB];
	_ =	sdelay $0x1  }
0x99: {  	s19 =	simm.s32 $_scs_section_size  }
0x9a: {  	s4 =	simm.s32 $_size__tile_overlayer_lowered;
	s5 =	simm.s32 $_tile_overlayer_lowered  }
0x9b: {  	s22 =	simm.s32 $0x1BFF;
	s21 =	sshll.u32 s5, $0x1;
	s2 =	sadd.s32 s19, s18  }
0x9c: {  	s6 =	simm.s32 $0x0;
	s20 =	sshll.u32 s4, $0x1;
	s4 =	sadd.s32 s21, s2  }
0x9d: {  	[timem:s6], [sflag:s22] =	dma.local [hbm:s4], s20  }
0x9e: {  	_ =	swait.ge [sflag:s22], s20  }
0x9f: {  	s3 =	ssub.s32 $0x0, s20;
	[sflag:s22] =	ssyncset.done $0x0  }
0xa0: {  	[sflag:s22] =	ssyncadd.s32 s3;
	_ =	sdelay $0x1  }
0xa1: {  	s23 =	simm.s32 $0x1B8B  }
0xa2: {  	_ =	swait.ge [sflag:s23], $0x1  }
0xa3: {  	[sflag:s23] =	ssyncset.done $0x0  }
0xa4: {  	s25 =	simm.s32 $0x1B8E;
	s24 =	sld [smem:$0x3FFE];
	[sflag:s23] =	ssyncadd.s32 $0xFFFFFFFF  }
0xa5: {  	s26 =	simm.s32 $execute0_lowered;
	[smem:$0x3FD2] =	sst s25  }
0xa6: {  	s4 =	sshll.u32 s26, $0x1;
	_ =	strace $0x80000049;
	[dreg:$0x1] =	wrdreg $0xFFFFFFFF  }
0xa7: {  	s28 =	simm.s32 $_size_execute0_lowered;
	s2 =	sadd.s32 s2, s4;
	[dreg:$0x0] =	wrdreg $0x0  }
0xa8: {  	s4 =	sshll.u32 s28, $0x1;
	[dreg:$0x2] =	wrdreg s2  }
0xa9: {  	[dreg:$0x3] =	wrdreg s4  }
0xaa: {  	[dreg:$0x4] =	wrdreg $0xC0  }
0xab: {  	_ =	task [dreg:s6], $0x5FFFF  }
0xac: {  	[dreg:$0x1] =	wrdreg $0xFFFFFFFF  }
0xad: {  	[dreg:$0x0] =	wrdreg $0x60  }
0xae: {  	[dreg:$0x2] =	wrdreg s24  }
0xaf: {  	[dreg:$0x3] =	wrdreg $0x9  }
0xb0: {  	_ =	task.clear_ibuf [dreg:s6], $0x4FFFF;
	_ =	strace $0x90000049  }
0xb1: {  	s29 =	simm.s32 $0x9;
	_ =	strace $0x8000004B  }
0xb2: {  	_ =	swait.ge [sflag:s29], $0x1  }
0xb3: {  	[sflag:s29] =	ssyncadd.s32 $0xFFFFFFFF  }
0xb4: {  	_ =	strace $0x9000004B  }
0xb5: {  	_ =	sfence  }
0xb6: {  	s30 =	sld [smem:$0x0];
	_ =	sdelay $0x2  }
0xb7: {  	s31 =	sshll.u32 s1, $0xD;
	s1 =	sshrl.u32 s1, $0x2  }
0xb8: {  	s3 =	sand.u32 $0x4000, s31;
	s1 =	sadd.s32 s1, s30  }
0xb9: {  	s0 =	sor.u32 s3, s0;
	s1 =	sshll.u32 s1, $0x11  }
0xba: {  	s0 =	sor.u32 s1, s0  }
0xbb: {  	s0 =	sadd.s32 $0x8F2B, s0  }
0xbc: {  	[sflag:s0] =	ssyncadd.remote.s32 $0x1  }
0xbd: {  	_ =	sfence.sel $0xFFFF  }
0xbe: {  	[dreg:$0x0] =	wrdreg $0xFFFFFFFF;
	(pc) =	sbr.abs _section_cstart, $3  }
0xbf: {  	[dreg:$0x1] =	wrdreg $0xFFFFFFFF  }
0xc0: {  	_ =	task.clear_ibuf [dreg:s6], $0x2FFFF;
	_ =	strace $0x9FFFFFFF  }
0xc1: {  	(tm) =	ssettm $0x7FFFFFFF  }
tec
execute0_lowered:
.L_overlay_start_1:
0x0: {  	(tag) =	ssettag $0x1  }
0x1: {  	s0 =	srdreg.scid;
	s5 =	rddreg [dreg:$0x0]  }
0x2: {  	s1 =	stileid.u32;
	s6 =	simm.s32 $0x1;
	s9 =	simm.s32 $0x1  }
0x3: {  	s10 =	simm.s32 $0x3;
	s13 =	simm.s32 $0x0;
	s2 =	sshll.u32 s0, $0x8  }
0x4: {  	s12 =	simm.s32 $0x0;
	s3 =	sshll.u32 s1, $0x9;
	s2 =	sand.u32 $0x100, s2  }
0x5: {  	s0 =	rddreg [dreg:$0x1];
	_ =	strace $0x8000004A;
	s2 =	sor.u32 s3, s2  }
0x6: {  	s4 =	sadd.s32 $0xCE400, s5;
	[sflag:s6] =	ssyncpa.u1 $0x0;
	s8 =	ssub.s32 $0x4000, s2  }
.Ltmp0:
0x7: {  	s3 =	sadd.s32 $0x8DC00, s5;
	s7 =	sand.u32 $0x1F00, s8;
	(pc) =	sbr.rel .LBB2_1-.Ltmp0, $4  }
0x8: {  	s5 =	sadd.s32 $0x63000, s5;
	s11 =	smov.u32 s2;
	p0 =	sne.s32 s7, $0x0  }
0x9: {  	s8 =	sshrl.u32 s8, $0xD;
	s7 =	simm.s32 $0x2;
	s9 =	simm.s32 @!p0 $0x0  }
0xa: {  	[sflag:s7] =	ssyncpa.u1 $0x0;
	p0 =	por $0x0, $0x0;
	s8 =	sadd.s32 s9, s8  }
0xb: {  	vm0 =	vmmov $0xffff;
	[sflag:s10] =	ssyncpa.u1 $0x0;
	s10 =	simm.s32 $0x0;
	s9 =	sadd.s32 $0x1, s8  }
.LBB2_4:
0xc: {  	vm1 =	veq.s32 v0, $0x80000000;
	v63 =	vand.u32 $0x3FF, v0;
	v2 =	vand.u32 $0x3FF, v2  }
0xd: {  	v0 =	vsel vm1, $0xFFFFFFFF, v63;
	v2 =	vsel vm1, $0xFFFFFFFF, v2  }
0xe: {  	v3 =	vshll.u32 v2, $0xA;
	v4 =	vshll.u32 v0, $0x3  }
0xf: {  	v2 =	vshll.u32 v2, $0x7;
	v3 =	vand.u32 $0xFFFFE000, v3;
	v4 =	vand.u32 $0xFFFFFC00, v4  }
0x10: {  	v2 =	vand.u32 $0x380, v2;
	v3 =	vadd.s32 v4, v3  }
0x11: {  	v0 =	vand.u32 $0x7F, v0;
	v2 =	vor.u32 v2, v3  }
0x12: {  	v0 =	vor.u32 v0, v2;
	_ =	sdelay $0x1  }
0x13: {  	(ifvalue) =	ssetifvalue $0x7FFFFFFF;
	s14 =	sadd.s32 $0x10, s14  }
0x14: {  	[tilespmem:s14], [sflag:$0x1] =	stream.indirect_vreg.gather [hbm4b:s3+s10], $0x1, v1, vm0, $0x4038;
	[tilespmem:$0x400] =	vst v63  }
0x15: {  	(ifvalue) =	ssetifvalue $0x7FFFFFFF;
	s14 =	sadd.s32 $0x10, s14  }
0x16: {  	[tilespmem:s14], [sflag:$0x1] =	stream.indirect_vreg.gather [hbm4b:s3+s10], $0x1, v0, vm0, $0x4038;
	[tilespmem:$0x400] =	vst v63  }
0x17: {  	_ =	swait.ge [sflag:s6], $0x100  }
0x18: {  	s30 =	sshrl.u32 s13, $0x3;
	[sflag:s6] =	ssyncset.done $0x0  }
0x19: {  	s31 =	sand.u32 $0x7, s13;
	s14 =	sadd.s32 s5, s30;
	[sflag:s6] =	ssyncadd.s32 $0xFFFFFF00  }
0x1a: {  	[hbm4b:s14+s31] =	stream.linear.scatter [tilespmem:s15], [sflag:$0x3], $0x100, $0x38;
	[tilespmem:$0x400] =	vst v63  }
.LBB2_5:
0x1b: {  	s15 =	sadd.s32 $0x2000, s11  }
0x1c: {  	p2 =	sgt.s32 s15, $0x3FFF  }
0x1d: {  	s15 =	smov.u32 @p2 s2;
	p2 =	sne.s32 s12, s9  }
.Ltmp1:
0x1e: {  	p1 =	slt.u32 s12, $0x2;
	(pc) =	sbr.rel @!p2 .LBB2_6-.Ltmp1, $4  }
0x1f: {  	s14 =	simm.s32 @!p1 $0x3  }
0x20: {  	s16 =	sadd.s32 $0x1, s12;
	_ =	swait.ge @!p1 [sflag:s14], $0x100  }
0x21: {  	s13 =	smov.u32 s11;
	p0 =	por !p0, !p0;
	[sflag:s14] =	ssyncset.done @!p1 $0x0  }
0x22: {  	s12 =	smov.u32 s16;
	s11 =	smov.u32 s15;
	[sflag:s14] =	ssyncadd.s32 @!p1 $0xFFFFFF00  }
.LBB2_1:
0x23: {  	p1 =	sge.u32 s12, s8  }
0x24: {  	s14 =	sxor.u32 @!p1 $0xFFFFFFFF, s12  }
0x25: {  	s31 =	sadd.s32 $0xFFFFFFFF, s12;
	s15 =	sshrl.u32 @!p1 s11, $0x3;
	s14 =	sshll.u32 @!p1 s14, $0x8  }
0x26: {  	s16 =	sand.u32 @!p1 $0x7, s11;
	s15 =	sadd.s32 @!p1 s4, s15;
	s14 =	sand.u32 @!p1 $0x100, s14  }
0x27: {  	[tilespmem:s14], [sflag:$0x2] =	stream.linear.gather @!p1 [hbm4b:s15+s16], $0x100, $0x38;
	[tilespmem:$0x400] =	vst v63  }
0x28: {  	p1 =	sge.u32 s31, s8  }
.Ltmp2:
0x29: {  	_ = 	snop;
	(pc) =	sbr.rel @p1 .LBB2_5-.Ltmp2, $1  }
0x2a: {  	_ =	sdelay $0x3  }
0x2b: {  	s14 =	simm.s32 $0x1  }
0x2c: {  	_ =	swait.ge [sflag:s7], $0x100;
	s14 =	simm.s32 @!p0 $0x0  }
0x2d: {  	[sflag:s7] =	ssyncset.done $0x0;
	s14 =	sshll.u32 s14, $0x8  }
0x2e: {  	[sflag:s7] =	ssyncadd.s32 $0xFFFFFF00;
	(ifvalue) =	ssetifvalue $0x7FFFFFFF;
	v0 =	vld.msk [tilespmem:s14+$0x0 ss:$0x1], $0xffff;
	_ =	sdelay $0x4  }
0x2f: {  	s15 =	sadd.s32 $0x10, s14;
	v1 =	vshrl.u32 v0, $0xA  }
0x30: {  	v2 =	vld.msk [tilespmem:s15+$0x0 ss:$0x1], $0xffff;
	vm1 =	veq.s32 v0, $0x80000000;
	v0 =	vand.u32 $0x3FF, v0;
	v1 =	vand.u32 $0x3FF, v1  }
0x31: {  	v0 =	vsel vm1, $0xFFFFFFFF, v0;
	v1 =	vsel vm1, $0xFFFFFFFF, v1  }
0x32: {  	v4 =	vshll.u32 v0, $0x3;
	v3 =	vshll.u32 v1, $0xA  }
0x33: {  	v4 =	vand.u32 $0xFFFFFC00, v4;
	v1 =	vshll.u32 v1, $0x7;
	v3 =	vand.u32 $0xFFFFE000, v3  }
0x34: {  	v0 =	vand.u32 $0x7F, v0;
	v1 =	vand.u32 $0x380, v1;
	v3 =	vadd.s32 v4, v3  }
0x35: {  	vm1 =	veq.s32 v2, $0x80000000;
	v1 =	vor.u32 v1, v3;
	v3 =	vshrl.u32 v2, $0xA  }
0x36: {  	s17 =	sadd.s32 $0x10, s15;
	v2 =	vand.u32 $0x3FF, v2;
	v1 =	vor.u32 v0, v1;
	v3 =	vand.u32 $0x3FF, v3  }
0x37: {  	v0 =	vld.msk [tilespmem:s17+$0x0 ss:$0x1], $0xffff;
	v2 =	vsel vm1, $0xFFFFFFFF, v2;
	v3 =	vsel vm1, $0xFFFFFFFF, v3  }
0x38: {  	v5 =	vshll.u32 v2, $0x3;
	v63 =	vshll.u32 v3, $0xA  }
0x39: {  	s31 =	sshll.u32 s12, $0x8;
	v5 =	vand.u32 $0xFFFFFC00, v5;
	v3 =	vshll.u32 v3, $0x7;
	v4 =	vand.u32 $0xFFFFE000, v63  }
0x3a: {  	s14 =	sor.u32 $0x200, s14;
	s15 =	sand.u32 $0x100, s31;
	(ifvalue) =	ssetifvalue $0x7FFFFFFF;
	v3 =	vand.u32 $0x380, v3;
	v4 =	vadd.s32 v5, v4  }
0x3b: {  	[tilespmem:s14], [sflag:$0x1] =	stream.indirect_vreg.gather [hbm4b:s3+s10], $0x1, v1, vm0, $0x4038;
	v1 =	vand.u32 $0x7F, v2;
	v3 =	vor.u32 v3, v4;
	[tilespmem:$0x400] =	vst v63  }
0x3c: {  	s16 =	simm.s32 $0x20;
	s15 =	sor.u32 $0x200, s15;
	s17 =	sadd.s32 $0x10, s17;
	v2 =	vshrl.u32 v0, $0xA;
	v1 =	vor.u32 v1, v3  }
.LBB2_3:
0x3d: {  	s16 =	sadd.s32 $0x10, s16;
	vm1 =	veq.s32 v0, $0x80000000;
	v3 =	vand.u32 $0x3FF, v0;
	v0 =	vld.msk [tilespmem:s17+$0x0 ss:$0x1], $0xffff;
	v2 =	vand.u32 $0x3FF, v2  }
0x3e: {  	p1 =	slt.u32 s16, $0xF0;
	v3 =	vsel vm1, $0xFFFFFFFF, v3;
	v2 =	vsel vm1, $0xFFFFFFFF, v2  }
.Ltmp3:
0x3f: {  	v4 =	vshll.u32 v2, $0xA;
	v5 =	vshll.u32 v3, $0x3;
	(pc) =	sbr.rel @p1 .LBB2_3-.Ltmp3, $4  }
0x40: {  	s14 =	sadd.s32 $0x10, s14;
	v2 =	vshll.u32 v2, $0x7;
	v4 =	vand.u32 $0xFFFFE000, v4;
	v5 =	vand.u32 $0xFFFFFC00, v5;
	(ifvalue) =	ssetifvalue $0x7FFFFFFF  }
0x41: {  	v2 =	vand.u32 $0x380, v2;
	v4 =	vadd.s32 v5, v4;
	[tilespmem:s14], [sflag:$0x1] =	stream.indirect_vreg.gather [hbm4b:s3+s10], $0x1, v1, vm0, $0x4038;
	[tilespmem:$0x400] =	vst v63  }
0x42: {  	v1 =	vand.u32 $0x7F, v3;
	v3 =	vor.u32 v2, v4  }
0x43: {  	s17 =	sadd.s32 $0x10, s17;
	v2 =	vshrl.u32 v0, $0xA;
	v1 =	vor.u32 v1, v3  }
.Ltmp4:
0x44: {  	_ = 	snop;
	(pc) =	sbr.rel .LBB2_4-.Ltmp4, $1  }
0x45: {  	_ =	sdelay $0x3  }
.LBB2_6:
0x46: {  	_ =	sfence.sel $0x180000  }
0x47: {  	s2 =	simm.s32 $0x2;
	[bflag:$0x0] =	sbarrier.arrive $0xFFFF  }
0x48: {  	s30 =	simm.s32 $0x3;
	[sflag:s2] =	ssyncpa.u1 $0x1  }
0x49: {  	s31 =	simm.s32 $0x1;
	[sflag:s30] =	ssyncpa.u1 $0x1  }
0x4a: {  	[sflag:s31] =	ssyncpa.u1 $0x1  }
0x4b: {  	p0 =	sne.s32 s1, $0x0;
	_ =	strace $0x9000004A  }
0x4c: {  	s0 =	sadd.s32 @!p0 $0x100000, s0;
	[bflag:$0x2] =	sbarrier.arrive $0xFFFF  }
0x4d: {  	[sflag:s0] =	ssyncadd.tile.s32 @!p0 $0x1;
	_ =	shalt  }
.Lfunc_end2:
_tile_overlayer_lowered:
.L_overlay_start_2:
0x4e: {  	(tag) =	ssettag $0x2  }
0x4f: {  	s0 =	rddreg [dreg:$0x0];
	s2 =	stileid.u32  }
0x50: {  	s1 =	rddreg [dreg:$0x1];
	p0 =	sne.s32 s2, $0x0  }
0x51: {  	s3 =	rddreg [dreg:$0x2];
	[bflag:$0x3] =	sbarrier.arrive $0xFFFF;
	s2 =	simm.s32 @!p0 $0x1C01  }
0x52: {  	[timem:s3], [sflag:s2] =	dma.local @!p0 [hbm:s0], s1  }
0x53: {  	s0 =	simm.s32 @!p0 $0x1  }
0x54: {  	_ =	swait.ge @!p0 [sflag:s0], s1  }
0x55: {  	s1 =	ssub.s32 @!p0 $0x0, s1;
	[sflag:s0] =	ssyncset.done @!p0 $0x0  }
0x56: {  	[sflag:s0] =	ssyncadd.s32 @!p0 s1  }
0x57: {  	[bflag:$0x3] =	sbarrier.arrive $0xFFFF  }
0x58: {  	_ =	shalt  }

// kernel: gather_offload_async_start.5
scs
__scs_entry_jumppad:
0x0: {  	(pc) =	sbr.rel $0x88, $3  }
0x1: {  	(tag) =	ssettag $0x0;
	lr =	simm.s32 $0x1  }
0x2: {  	[smem:$0x3F88] =	sst lr;
	_ =	strace $0xD0000000  }
0x3: {  	_ = 	snop  }
0x4: {  	_ = 	snop  }
0x5: {  	_ = 	snop  }
0x6: {  	_ = 	snop  }
0x7: {  	_ = 	snop  }
__scs_overlays_trampoline_lowered:
0x8: {  	[smem:$0x3F97] =	sst s0  }
0x9: {  	[smem:$0x3F98] =	sst s1  }
0xa: {  	[smem:$0x3F99] =	sst s2  }
0xb: {  	[smem:$0x3F9A] =	sst s3  }
0xc: {  	[smem:$0x3F9B] =	sst s4  }
0xd: {  	[smem:$0x3F9C] =	sst s5  }
0xe: {  	[smem:$0x3F9D] =	sst s6  }
0xf: {  	[smem:$0x3F9E] =	sst s7  }
0x10: {  	[smem:$0x3F9F] =	sst s8  }
0x11: {  	[smem:$0x3FA0] =	sst s9;
	s0 =	simm.s32 @!p0 $0x0  }
0x12: {  	s1 =	sld [smem:$0x3F86];
	s0 =	simm.s32 @p0 $0x1  }
0x13: {  	[smem:$0x3FA1] =	sst s0;
	s0 =	simm.s32 @!p1 $0x0  }
0x14: {  	s2 =	sld [smem:$0x3F85];
	s0 =	simm.s32 @p1 $0x1  }
0x15: {  	[smem:$0x3FA2] =	sst s0;
	s0 =	simm.s32 @!p2 $0x0  }
0x16: {  	s3 =	sld [smem:$0x3FDB];
	s0 =	simm.s32 @p2 $0x1  }
0x17: {  	s4 =	simm.s32 $0x1BF5;
	[smem:$0x3FA4] =	sst s0  }
0x18: {  	s0 =	sld [smem:$0x3F87];
	_ =	swait.ge [sflag:s4], $0x0  }
0x19: {  	s7 =	sld [smem:$0x3F88]  }
0x1a: {  	s8 =	sadd.s32 $0xFFFFE003, lr  }
0x1b: {  	s9 =	sadd.s32 $0xFFFFFEF7, lr;
	s5 =	simm.s32 $0xFFFFFFFF;
	p2 =	slt.u32 s8, $0xFFFFF086  }
0x1c: {  	p1 =	slt.u32 s9, $0xF7A;
	s5 =	simm.s32 @!p2 $0x0  }
0x1d: {  	s5 =	simm.s32 @p1 $0x1;
	p0 =	seq.s32 s7, s2  }
0x1e: {  	s7 =	smul.u32 @!p0 $0xF7A, s2;
	p2 =	seq.s32 @!p0 s5, $0x0  }
0x1f: {  	s9 =	smul.u32 $0xF7A, s1;
	s8 =	simm.s32 @!p0 $0x1BF5;
	p2 =	por !p2, p0  }
0x20: {  	[sflag:s8] =	ssyncset.s32 @!p0 $0xFFFFF086;
	s6 =	sadd.s32 @!p0 s3, s7;
	s7 =	simm.s32 @!p0 $0x108  }
0x21: {  	s3 =	sadd.s32 s3, s9;
	s6 =	sadd.s32 @!p0 $0x88, s6;
	s7 =	simm.s32 @p2 $0x1082  }
0x22: {  	[simem:s7], [sflag:s8] =	dma.local @!p0 [hbm:s6], $0xF7A  }
0x23: {  	s9 =	sor.u32 $0xD0000000, s2;
	s6 =	simm.s32 $0x108;
	_ =	swait.ge @!p0 [sflag:s8], $0x0  }
0x24: {  	s3 =	sadd.s32 $0x88, s3;
	s6 =	simm.s32 @!p1 $0x1082;
	[sflag:s4] =	ssyncset.s32 $0xFFFFF086  }
0x25: {  	[simem:s6], [sflag:s4] =	dma.local [hbm:s3], $0xF7A  }
0x26: {  	[smem:$0x3F88] =	sst s1;
	(tag) =	ssettag s2;
	_ =	strace s9  }
0x27: {  	s1 =	sld [smem:$0x3F98]  }
0x28: {  	s2 =	sld [smem:$0x3F99]  }
0x29: {  	s4 =	sld [smem:$0x3F9B]  }
0x2a: {  	p0 =	seq.s32 s5, $0x0;
	s5 =	sld [smem:$0x3F9C]  }
0x2b: {  	s6 =	sld [smem:$0x3F9D]  }
0x2c: {  	s7 =	sld [smem:$0x3F9E]  }
0x2d: {  	s3 =	simm.s32 $0x108;
	s8 =	sld [smem:$0x3F9F]  }
0x2e: {  	s3 =	simm.s32 @!p0 $0x1082;
	s9 =	sld [smem:$0x3FA0]  }
0x2f: {  	lr =	sadd.s32 s0, s3;
	s0 =	sld [smem:$0x3F97]  }
0x30: {  	s3 =	sld [smem:$0x3F9A]  }
0x31: {  	[smem:$0x3FA3] =	sst s10  }
0x32: {  	s10 =	sld [smem:$0x3FA1];
	_ =	sdelay $0x3  }
0x33: {  	p0 =	seq.s32 s10, $0x1;
	s10 =	sld [smem:$0x3FA3];
	_ =	sdelay $0x3  }
0x34: {  	[smem:$0x3FA3] =	sst s10  }
0x35: {  	s10 =	sld [smem:$0x3FA2];
	_ =	sdelay $0x3  }
0x36: {  	p1 =	seq.s32 s10, $0x1;
	s10 =	sld [smem:$0x3FA3];
	_ =	sdelay $0x3  }
0x37: {  	[smem:$0x3FA3] =	sst s10  }
0x38: {  	s10 =	sld [smem:$0x3FA4]  }
0x39: {  	_ = 	snop;
	(pc) =	sbr.ind lr, $3  }
0x3a: {  	_ = 	snop  }
0x3b: {  	_ = 	snop  }
0x3c: {  	p2 =	seq.s32 s10, $0x1;
	s10 =	sld [smem:$0x3FA3]  }
0x3d: {  	_ =	shalt  }
0x3e: {  	_ =	shalt  }
0x3f: {  	_ =	shalt  }
0x40: {  	_ =	shalt  }
0x41: {  	_ =	shalt  }
0x42: {  	_ =	shalt  }
0x43: {  	_ =	shalt  }
0x44: {  	_ =	shalt  }
0x45: {  	_ =	shalt  }
0x46: {  	_ =	shalt  }
0x47: {  	_ =	shalt  }
0x48: {  	_ =	shalt  }
0x49: {  	_ =	shalt  }
0x4a: {  	_ =	shalt  }
0x4b: {  	_ =	shalt  }
0x4c: {  	_ =	shalt  }
0x4d: {  	_ =	shalt  }
0x4e: {  	_ =	shalt  }
0x4f: {  	_ =	shalt  }
0x50: {  	_ =	shalt  }
0x51: {  	_ =	shalt  }
0x52: {  	_ =	shalt  }
0x53: {  	_ =	shalt  }
0x54: {  	_ =	shalt  }
0x55: {  	_ =	shalt  }
0x56: {  	_ =	shalt  }
0x57: {  	_ =	shalt  }
0x58: {  	_ =	shalt  }
0x59: {  	_ =	shalt  }
0x5a: {  	_ =	shalt  }
0x5b: {  	_ =	shalt  }
0x5c: {  	_ =	shalt  }
0x5d: {  	_ =	shalt  }
0x5e: {  	_ =	shalt  }
0x5f: {  	_ =	shalt  }
0x60: {  	_ =	shalt  }
0x61: {  	_ =	shalt  }
0x62: {  	_ =	shalt  }
0x63: {  	_ =	shalt  }
0x64: {  	_ =	shalt  }
0x65: {  	_ =	shalt  }
0x66: {  	_ =	shalt  }
0x67: {  	_ =	shalt  }
0x68: {  	_ =	shalt  }
0x69: {  	_ =	shalt  }
0x6a: {  	_ =	shalt  }
0x6b: {  	_ =	shalt  }
0x6c: {  	_ =	shalt  }
0x6d: {  	_ =	shalt  }
0x6e: {  	_ =	shalt  }
0x6f: {  	_ =	shalt  }
0x70: {  	_ =	shalt  }
0x71: {  	_ =	shalt  }
0x72: {  	_ =	shalt  }
0x73: {  	_ =	shalt  }
0x74: {  	_ =	shalt  }
0x75: {  	_ =	shalt  }
0x76: {  	_ =	shalt  }
0x77: {  	_ =	shalt  }
0x78: {  	_ =	shalt  }
0x79: {  	_ =	shalt  }
0x7a: {  	_ =	shalt  }
0x7b: {  	_ =	shalt  }
0x7c: {  	_ =	shalt  }
0x7d: {  	_ =	shalt  }
0x7e: {  	_ =	shalt  }
0x7f: {  	_ =	shalt  }
0x80: {  	_ =	shalt  }
0x81: {  	_ =	shalt  }
0x82: {  	_ =	shalt  }
0x83: {  	_ =	shalt  }
0x84: {  	_ =	shalt  }
0x85: {  	_ =	shalt  }
0x86: {  	_ =	shalt  }
0x87: {  	_ =	shalt  }
.Lfunc_end0:
.L_simem_size_0:
called_computation.5_lowered:
.L_overlay_start_0:
0x88: {  	s2 =	sld [smem:$0x3FD9]  }
0x89: {  	s3 =	sld [smem:$0x3FFE];
	_ =	sdelay $0x1  }
0x8a: {  	s1 =	srdreg.scid  }
0x8b: {  	s0 =	sand.u32 $0x1, s1  }
0x8c: {  	s16 =	sshll.u32 s0, $0xA;
	s2 =	sadd.s32 s3, s2  }
0x8d: {  	s2 =	sadd.s32 s2, s16  }
0x8e: {  	[smem:$0x3FAF] =	sst s2  }
0x8f: {  	_ = 	snop  }
0x90: {  	(tm) =	ssettm $0x1  }
0x91: {  	s17 =	sld [smem:$0x3FFB];
	_ =	sdelay $0x3  }
0x92: {  	_ =	strace s17  }
0x93: {  	s2 =	sld [smem:$0x3FFC];
	_ =	sdelay $0x3  }
0x94: {  	_ =	strace s2  }
0x95: {  	s2 =	sld [smem:$0x3FFD];
	_ =	sdelay $0x3  }
0x96: {  	_ =	strace s2  }
0x97: {  	_ =	strace $0x8FFFFFFF  }
0x98: {  	s18 =	sld [smem:$0x3FDB];
	_ =	sdelay $0x1  }
0x99: {  	s19 =	simm.s32 $_scs_section_size  }
0x9a: {  	s4 =	simm.s32 $_size__tile_overlayer_lowered;
	s5 =	simm.s32 $_tile_overlayer_lowered  }
0x9b: {  	s22 =	simm.s32 $0x1BFF;
	s21 =	sshll.u32 s5, $0x1;
	s2 =	sadd.s32 s19, s18  }
0x9c: {  	s6 =	simm.s32 $0x0;
	s20 =	sshll.u32 s4, $0x1;
	s4 =	sadd.s32 s21, s2  }
0x9d: {  	[timem:s6], [sflag:s22] =	dma.local [hbm:s4], s20  }
0x9e: {  	_ =	swait.ge [sflag:s22], s20  }
0x9f: {  	s3 =	ssub.s32 $0x0, s20;
	[sflag:s22] =	ssyncset.done $0x0  }
0xa0: {  	[sflag:s22] =	ssyncadd.s32 s3;
	_ =	sdelay $0x1  }
0xa1: {  	s23 =	simm.s32 $0x1B8B  }
0xa2: {  	_ =	swait.ge [sflag:s23], $0x1  }
0xa3: {  	[sflag:s23] =	ssyncset.done $0x0  }
0xa4: {  	s25 =	simm.s32 $0x1B8E;
	s24 =	sld [smem:$0x3FFE];
	[sflag:s23] =	ssyncadd.s32 $0xFFFFFFFF  }
0xa5: {  	s26 =	simm.s32 $execute0_lowered;
	[smem:$0x3FD2] =	sst s25  }
0xa6: {  	s4 =	sshll.u32 s26, $0x1;
	_ =	strace $0x8000004F;
	[dreg:$0x1] =	wrdreg $0xFFFFFFFF  }
0xa7: {  	s28 =	simm.s32 $_size_execute0_lowered;
	s2 =	sadd.s32 s2, s4;
	[dreg:$0x0] =	wrdreg $0x0  }
0xa8: {  	s4 =	sshll.u32 s28, $0x1;
	[dreg:$0x2] =	wrdreg s2  }
0xa9: {  	[dreg:$0x3] =	wrdreg s4  }
0xaa: {  	[dreg:$0x4] =	wrdreg $0xC0  }
0xab: {  	_ =	task [dreg:s6], $0x5FFFF  }
0xac: {  	[dreg:$0x1] =	wrdreg $0xFFFFFFFF  }
0xad: {  	[dreg:$0x0] =	wrdreg $0x60  }
0xae: {  	[dreg:$0x2] =	wrdreg s24  }
0xaf: {  	[dreg:$0x3] =	wrdreg $0x9  }
0xb0: {  	_ =	task.clear_ibuf [dreg:s6], $0x4FFFF;
	_ =	strace $0x9000004F  }
0xb1: {  	s29 =	simm.s32 $0x9;
	_ =	strace $0x80000051  }
0xb2: {  	_ =	swait.ge [sflag:s29], $0x1  }
0xb3: {  	[sflag:s29] =	ssyncadd.s32 $0xFFFFFFFF  }
0xb4: {  	_ =	strace $0x90000051  }
0xb5: {  	_ =	sfence  }
0xb6: {  	s30 =	sld [smem:$0x0];
	_ =	sdelay $0x2  }
0xb7: {  	s31 =	sshll.u32 s1, $0xD;
	s1 =	sshrl.u32 s1, $0x2  }
0xb8: {  	s3 =	sand.u32 $0x4000, s31;
	s1 =	sadd.s32 s1, s30  }
0xb9: {  	s0 =	sor.u32 s3, s0;
	s1 =	sshll.u32 s1, $0x11  }
0xba: {  	s0 =	sor.u32 s1, s0  }
0xbb: {  	s0 =	sadd.s32 $0x8F2B, s0  }
0xbc: {  	[sflag:s0] =	ssyncadd.remote.s32 $0x1  }
0xbd: {  	_ =	sfence.sel $0xFFFF  }
0xbe: {  	[dreg:$0x0] =	wrdreg $0xFFFFFFFF;
	(pc) =	sbr.abs _section_cstart, $3  }
0xbf: {  	[dreg:$0x1] =	wrdreg $0xFFFFFFFF  }
0xc0: {  	_ =	task.clear_ibuf [dreg:s6], $0x2FFFF;
	_ =	strace $0x9FFFFFFF  }
0xc1: {  	(tm) =	ssettm $0x7FFFFFFF  }
tec
execute0_lowered:
.L_overlay_start_1:
0x0: {  	(tag) =	ssettag $0x1  }
0x1: {  	s0 =	srdreg.scid;
	s5 =	rddreg [dreg:$0x0]  }
0x2: {  	s1 =	stileid.u32;
	s6 =	simm.s32 $0x1;
	s9 =	simm.s32 $0x1  }
0x3: {  	s10 =	simm.s32 $0x3;
	s13 =	simm.s32 $0x0;
	s2 =	sshll.u32 s0, $0x8  }
0x4: {  	s12 =	simm.s32 $0x0;
	s3 =	sshll.u32 s1, $0x9;
	s2 =	sand.u32 $0x100, s2  }
0x5: {  	s0 =	rddreg [dreg:$0x1];
	_ =	strace $0x80000050;
	s2 =	sor.u32 s3, s2  }
0x6: {  	s4 =	sadd.s32 $0xCE400, s5;
	[sflag:s6] =	ssyncpa.u1 $0x0;
	s8 =	ssub.s32 $0x4000, s2  }
.Ltmp0:
0x7: {  	s3 =	sadd.s32 $0x8DC00, s5;
	s7 =	sand.u32 $0x1F00, s8;
	(pc) =	sbr.rel .LBB2_1-.Ltmp0, $4  }
0x8: {  	s5 =	sadd.s32 $0x6B000, s5;
	s11 =	smov.u32 s2;
	p0 =	sne.s32 s7, $0x0  }
0x9: {  	s8 =	sshrl.u32 s8, $0xD;
	s7 =	simm.s32 $0x2;
	s9 =	simm.s32 @!p0 $0x0  }
0xa: {  	[sflag:s7] =	ssyncpa.u1 $0x0;
	p0 =	por $0x0, $0x0;
	s8 =	sadd.s32 s9, s8  }
0xb: {  	vm0 =	vmmov $0xffff;
	[sflag:s10] =	ssyncpa.u1 $0x0;
	s10 =	simm.s32 $0x0;
	s9 =	sadd.s32 $0x1, s8  }
.LBB2_4:
0xc: {  	vm1 =	veq.s32 v0, $0x80000000;
	v63 =	vand.u32 $0x3FF, v0;
	v2 =	vand.u32 $0x3FF, v2  }
0xd: {  	v0 =	vsel vm1, $0xFFFFFFFF, v63;
	v2 =	vsel vm1, $0xFFFFFFFF, v2  }
0xe: {  	v3 =	vshll.u32 v2, $0xA;
	v4 =	vshll.u32 v0, $0x3  }
0xf: {  	v2 =	vshll.u32 v2, $0x7;
	v3 =	vand.u32 $0xFFFFE000, v3;
	v4 =	vand.u32 $0xFFFFFC00, v4  }
0x10: {  	v2 =	vand.u32 $0x380, v2;
	v3 =	vadd.s32 v4, v3  }
0x11: {  	v0 =	vand.u32 $0x7F, v0;
	v2 =	vor.u32 v2, v3  }
0x12: {  	v0 =	vor.u32 v0, v2;
	_ =	sdelay $0x1  }
0x13: {  	(ifvalue) =	ssetifvalue $0x7FFFFFFF;
	s14 =	sadd.s32 $0x10, s14  }
0x14: {  	[tilespmem:s14], [sflag:$0x1] =	stream.indirect_vreg.gather [hbm4b:s3+s10], $0x1, v1, vm0, $0x4038;
	[tilespmem:$0x400] =	vst v63  }
0x15: {  	(ifvalue) =	ssetifvalue $0x7FFFFFFF;
	s14 =	sadd.s32 $0x10, s14  }
0x16: {  	[tilespmem:s14], [sflag:$0x1] =	stream.indirect_vreg.gather [hbm4b:s3+s10], $0x1, v0, vm0, $0x4038;
	[tilespmem:$0x400] =	vst v63  }
0x17: {  	_ =	swait.ge [sflag:s6], $0x100  }
0x18: {  	s30 =	sshrl.u32 s13, $0x3;
	[sflag:s6] =	ssyncset.done $0x0  }
0x19: {  	s31 =	sand.u32 $0x7, s13;
	s14 =	sadd.s32 s5, s30;
	[sflag:s6] =	ssyncadd.s32 $0xFFFFFF00  }
0x1a: {  	[hbm4b:s14+s31] =	stream.linear.scatter [tilespmem:s15], [sflag:$0x3], $0x100, $0x38;
	[tilespmem:$0x400] =	vst v63  }
.LBB2_5:
0x1b: {  	s15 =	sadd.s32 $0x2000, s11  }
0x1c: {  	p2 =	sgt.s32 s15, $0x3FFF  }
0x1d: {  	s15 =	smov.u32 @p2 s2;
	p2 =	sne.s32 s12, s9  }
.Ltmp1:
0x1e: {  	p1 =	slt.u32 s12, $0x2;
	(pc) =	sbr.rel @!p2 .LBB2_6-.Ltmp1, $4  }
0x1f: {  	s14 =	simm.s32 @!p1 $0x3  }
0x20: {  	s16 =	sadd.s32 $0x1, s12;
	_ =	swait.ge @!p1 [sflag:s14], $0x100  }
0x21: {  	s13 =	smov.u32 s11;
	p0 =	por !p0, !p0;
	[sflag:s14] =	ssyncset.done @!p1 $0x0  }
0x22: {  	s12 =	smov.u32 s16;
	s11 =	smov.u32 s15;
	[sflag:s14] =	ssyncadd.s32 @!p1 $0xFFFFFF00  }
.LBB2_1:
0x23: {  	p1 =	sge.u32 s12, s8  }
0x24: {  	s14 =	sxor.u32 @!p1 $0xFFFFFFFF, s12  }
0x25: {  	s31 =	sadd.s32 $0xFFFFFFFF, s12;
	s15 =	sshrl.u32 @!p1 s11, $0x3;
	s14 =	sshll.u32 @!p1 s14, $0x8  }
0x26: {  	s16 =	sand.u32 @!p1 $0x7, s11;
	s15 =	sadd.s32 @!p1 s4, s15;
	s14 =	sand.u32 @!p1 $0x100, s14  }
0x27: {  	[tilespmem:s14], [sflag:$0x2] =	stream.linear.gather @!p1 [hbm4b:s15+s16], $0x100, $0x38;
	[tilespmem:$0x400] =	vst v63  }
0x28: {  	p1 =	sge.u32 s31, s8  }
.Ltmp2:
0x29: {  	_ = 	snop;
	(pc) =	sbr.rel @p1 .LBB2_5-.Ltmp2, $1  }
0x2a: {  	_ =	sdelay $0x3  }
0x2b: {  	s14 =	simm.s32 $0x1  }
0x2c: {  	_ =	swait.ge [sflag:s7], $0x100;
	s14 =	simm.s32 @!p0 $0x0  }
0x2d: {  	[sflag:s7] =	ssyncset.done $0x0;
	s14 =	sshll.u32 s14, $0x8  }
0x2e: {  	[sflag:s7] =	ssyncadd.s32 $0xFFFFFF00;
	(ifvalue) =	ssetifvalue $0x7FFFFFFF;
	v0 =	vld.msk [tilespmem:s14+$0x0 ss:$0x1], $0xffff;
	_ =	sdelay $0x4  }
0x2f: {  	s15 =	sadd.s32 $0x10, s14;
	v1 =	vshrl.u32 v0, $0xA  }
0x30: {  	v2 =	vld.msk [tilespmem:s15+$0x0 ss:$0x1], $0xffff;
	vm1 =	veq.s32 v0, $0x80000000;
	v0 =	vand.u32 $0x3FF, v0;
	v1 =	vand.u32 $0x3FF, v1  }
0x31: {  	v0 =	vsel vm1, $0xFFFFFFFF, v0;
	v1 =	vsel vm1, $0xFFFFFFFF, v1  }
0x32: {  	v4 =	vshll.u32 v0, $0x3;
	v3 =	vshll.u32 v1, $0xA  }
0x33: {  	v4 =	vand.u32 $0xFFFFFC00, v4;
	v1 =	vshll.u32 v1, $0x7;
	v3 =	vand.u32 $0xFFFFE000, v3  }
0x34: {  	v0 =	vand.u32 $0x7F, v0;
	v1 =	vand.u32 $0x380, v1;
	v3 =	vadd.s32 v4, v3  }
0x35: {  	vm1 =	veq.s32 v2, $0x80000000;
	v1 =	vor.u32 v1, v3;
	v3 =	vshrl.u32 v2, $0xA  }
0x36: {  	s17 =	sadd.s32 $0x10, s15;
	v2 =	vand.u32 $0x3FF, v2;
	v1 =	vor.u32 v0, v1;
	v3 =	vand.u32 $0x3FF, v3  }
0x37: {  	v0 =	vld.msk [tilespmem:s17+$0x0 ss:$0x1], $0xffff;
	v2 =	vsel vm1, $0xFFFFFFFF, v2;
	v3 =	vsel vm1, $0xFFFFFFFF, v3  }
0x38: {  	v5 =	vshll.u32 v2, $0x3;
	v63 =	vshll.u32 v3, $0xA  }
0x39: {  	s31 =	sshll.u32 s12, $0x8;
	v5 =	vand.u32 $0xFFFFFC00, v5;
	v3 =	vshll.u32 v3, $0x7;
	v4 =	vand.u32 $0xFFFFE000, v63  }
0x3a: {  	s14 =	sor.u32 $0x200, s14;
	s15 =	sand.u32 $0x100, s31;
	(ifvalue) =	ssetifvalue $0x7FFFFFFF;
	v3 =	vand.u32 $0x380, v3;
	v4 =	vadd.s32 v5, v4  }
0x3b: {  	[tilespmem:s14], [sflag:$0x1] =	stream.indirect_vreg.gather [hbm4b:s3+s10], $0x1, v1, vm0, $0x4038;
	v1 =	vand.u32 $0x7F, v2;
	v3 =	vor.u32 v3, v4;
	[tilespmem:$0x400] =	vst v63  }
0x3c: {  	s16 =	simm.s32 $0x20;
	s15 =	sor.u32 $0x200, s15;
	s17 =	sadd.s32 $0x10, s17;
	v2 =	vshrl.u32 v0, $0xA;
	v1 =	vor.u32 v1, v3  }
.LBB2_3:
0x3d: {  	s16 =	sadd.s32 $0x10, s16;
	vm1 =	veq.s32 v0, $0x80000000;
	v3 =	vand.u32 $0x3FF, v0;
	v0 =	vld.msk [tilespmem:s17+$0x0 ss:$0x1], $0xffff;
	v2 =	vand.u32 $0x3FF, v2  }
0x3e: {  	p1 =	slt.u32 s16, $0xF0;
	v3 =	vsel vm1, $0xFFFFFFFF, v3;
	v2 =	vsel vm1, $0xFFFFFFFF, v2  }
.Ltmp3:
0x3f: {  	v4 =	vshll.u32 v2, $0xA;
	v5 =	vshll.u32 v3, $0x3;
	(pc) =	sbr.rel @p1 .LBB2_3-.Ltmp3, $4  }
0x40: {  	s14 =	sadd.s32 $0x10, s14;
	v2 =	vshll.u32 v2, $0x7;
	v4 =	vand.u32 $0xFFFFE000, v4;
	v5 =	vand.u32 $0xFFFFFC00, v5;
	(ifvalue) =	ssetifvalue $0x7FFFFFFF  }
0x41: {  	v2 =	vand.u32 $0x380, v2;
	v4 =	vadd.s32 v5, v4;
	[tilespmem:s14], [sflag:$0x1] =	stream.indirect_vreg.gather [hbm4b:s3+s10], $0x1, v1, vm0, $0x4038;
	[tilespmem:$0x400] =	vst v63  }
0x42: {  	v1 =	vand.u32 $0x7F, v3;
	v3 =	vor.u32 v2, v4  }
0x43: {  	s17 =	sadd.s32 $0x10, s17;
	v2 =	vshrl.u32 v0, $0xA;
	v1 =	vor.u32 v1, v3  }
.Ltmp4:
0x44: {  	_ = 	snop;
	(pc) =	sbr.rel .LBB2_4-.Ltmp4, $1  }
0x45: {  	_ =	sdelay $0x3  }
.LBB2_6:
0x46: {  	_ =	sfence.sel $0x180000  }
0x47: {  	s2 =	simm.s32 $0x2;
	[bflag:$0x0] =	sbarrier.arrive $0xFFFF  }
0x48: {  	s30 =	simm.s32 $0x3;
	[sflag:s2] =	ssyncpa.u1 $0x1  }
0x49: {  	s31 =	simm.s32 $0x1;
	[sflag:s30] =	ssyncpa.u1 $0x1  }
0x4a: {  	[sflag:s31] =	ssyncpa.u1 $0x1  }
0x4b: {  	p0 =	sne.s32 s1, $0x0;
	_ =	strace $0x90000050  }
0x4c: {  	s0 =	sadd.s32 @!p0 $0x100000, s0;
	[bflag:$0x2] =	sbarrier.arrive $0xFFFF  }
0x4d: {  	[sflag:s0] =	ssyncadd.tile.s32 @!p0 $0x1;
	_ =	shalt  }
.Lfunc_end2:
_tile_overlayer_lowered:
.L_overlay_start_2:
0x4e: {  	(tag) =	ssettag $0x2  }
0x4f: {  	s0 =	rddreg [dreg:$0x0];
	s2 =	stileid.u32  }
0x50: {  	s1 =	rddreg [dreg:$0x1];
	p0 =	sne.s32 s2, $0x0  }
0x51: {  	s3 =	rddreg [dreg:$0x2];
	[bflag:$0x3] =	sbarrier.arrive $0xFFFF;
	s2 =	simm.s32 @!p0 $0x1C01  }
0x52: {  	[timem:s3], [sflag:s2] =	dma.local @!p0 [hbm:s0], s1  }
0x53: {  	s0 =	simm.s32 @!p0 $0x1  }
0x54: {  	_ =	swait.ge @!p0 [sflag:s0], s1  }
0x55: {  	s1 =	ssub.s32 @!p0 $0x0, s1;
	[sflag:s0] =	ssyncset.done @!p0 $0x0  }
0x56: {  	[sflag:s0] =	ssyncadd.s32 @!p0 s1  }
0x57: {  	[bflag:$0x3] =	sbarrier.arrive $0xFFFF  }
0x58: {  	_ =	shalt  }

// kernel: gather_offload_async_start.6
scs
__scs_entry_jumppad:
0x0: {  	(pc) =	sbr.rel $0x88, $3  }
0x1: {  	(tag) =	ssettag $0x0;
	lr =	simm.s32 $0x1  }
0x2: {  	[smem:$0x3F88] =	sst lr;
	_ =	strace $0xD0000000  }
0x3: {  	_ = 	snop  }
0x4: {  	_ = 	snop  }
0x5: {  	_ = 	snop  }
0x6: {  	_ = 	snop  }
0x7: {  	_ = 	snop  }
__scs_overlays_trampoline_lowered:
0x8: {  	[smem:$0x3F97] =	sst s0  }
0x9: {  	[smem:$0x3F98] =	sst s1  }
0xa: {  	[smem:$0x3F99] =	sst s2  }
0xb: {  	[smem:$0x3F9A] =	sst s3  }
0xc: {  	[smem:$0x3F9B] =	sst s4  }
0xd: {  	[smem:$0x3F9C] =	sst s5  }
0xe: {  	[smem:$0x3F9D] =	sst s6  }
0xf: {  	[smem:$0x3F9E] =	sst s7  }
0x10: {  	[smem:$0x3F9F] =	sst s8  }
0x11: {  	[smem:$0x3FA0] =	sst s9;
	s0 =	simm.s32 @!p0 $0x0  }
0x12: {  	s1 =	sld [smem:$0x3F86];
	s0 =	simm.s32 @p0 $0x1  }
0x13: {  	[smem:$0x3FA1] =	sst s0;
	s0 =	simm.s32 @!p1 $0x0  }
0x14: {  	s2 =	sld [smem:$0x3F85];
	s0 =	simm.s32 @p1 $0x1  }
0x15: {  	[smem:$0x3FA2] =	sst s0;
	s0 =	simm.s32 @!p2 $0x0  }
0x16: {  	s3 =	sld [smem:$0x3FDB];
	s0 =	simm.s32 @p2 $0x1  }
0x17: {  	s4 =	simm.s32 $0x1BF5;
	[smem:$0x3FA4] =	sst s0  }
0x18: {  	s0 =	sld [smem:$0x3F87];
	_ =	swait.ge [sflag:s4], $0x0  }
0x19: {  	s7 =	sld [smem:$0x3F88]  }
0x1a: {  	s8 =	sadd.s32 $0xFFFFE003, lr  }
0x1b: {  	s9 =	sadd.s32 $0xFFFFFEF7, lr;
	s5 =	simm.s32 $0xFFFFFFFF;
	p2 =	slt.u32 s8, $0xFFFFF086  }
0x1c: {  	p1 =	slt.u32 s9, $0xF7A;
	s5 =	simm.s32 @!p2 $0x0  }
0x1d: {  	s5 =	simm.s32 @p1 $0x1;
	p0 =	seq.s32 s7, s2  }
0x1e: {  	s7 =	smul.u32 @!p0 $0xF7A, s2;
	p2 =	seq.s32 @!p0 s5, $0x0  }
0x1f: {  	s9 =	smul.u32 $0xF7A, s1;
	s8 =	simm.s32 @!p0 $0x1BF5;
	p2 =	por !p2, p0  }
0x20: {  	[sflag:s8] =	ssyncset.s32 @!p0 $0xFFFFF086;
	s6 =	sadd.s32 @!p0 s3, s7;
	s7 =	simm.s32 @!p0 $0x108  }
0x21: {  	s3 =	sadd.s32 s3, s9;
	s6 =	sadd.s32 @!p0 $0x88, s6;
	s7 =	simm.s32 @p2 $0x1082  }
0x22: {  	[simem:s7], [sflag:s8] =	dma.local @!p0 [hbm:s6], $0xF7A  }
0x23: {  	s9 =	sor.u32 $0xD0000000, s2;
	s6 =	simm.s32 $0x108;
	_ =	swait.ge @!p0 [sflag:s8], $0x0  }
0x24: {  	s3 =	sadd.s32 $0x88, s3;
	s6 =	simm.s32 @!p1 $0x1082;
	[sflag:s4] =	ssyncset.s32 $0xFFFFF086  }
0x25: {  	[simem:s6], [sflag:s4] =	dma.local [hbm:s3], $0xF7A  }
0x26: {  	[smem:$0x3F88] =	sst s1;
	(tag) =	ssettag s2;
	_ =	strace s9  }
0x27: {  	s1 =	sld [smem:$0x3F98]  }
0x28: {  	s2 =	sld [smem:$0x3F99]  }
0x29: {  	s4 =	sld [smem:$0x3F9B]  }
0x2a: {  	p0 =	seq.s32 s5, $0x0;
	s5 =	sld [smem:$0x3F9C]  }
0x2b: {  	s6 =	sld [smem:$0x3F9D]  }
0x2c: {  	s7 =	sld [smem:$0x3F9E]  }
0x2d: {  	s3 =	simm.s32 $0x108;
	s8 =	sld [smem:$0x3F9F]  }
0x2e: {  	s3 =	simm.s32 @!p0 $0x1082;
	s9 =	sld [smem:$0x3FA0]  }
0x2f: {  	lr =	sadd.s32 s0, s3;
	s0 =	sld [smem:$0x3F97]  }
0x30: {  	s3 =	sld [smem:$0x3F9A]  }
0x31: {  	[smem:$0x3FA3] =	sst s10  }
0x32: {  	s10 =	sld [smem:$0x3FA1];
	_ =	sdelay $0x3  }
0x33: {  	p0 =	seq.s32 s10, $0x1;
	s10 =	sld [smem:$0x3FA3];
	_ =	sdelay $0x3  }
0x34: {  	[smem:$0x3FA3] =	sst s10  }
0x35: {  	s10 =	sld [smem:$0x3FA2];
	_ =	sdelay $0x3  }
0x36: {  	p1 =	seq.s32 s10, $0x1;
	s10 =	sld [smem:$0x3FA3];
	_ =	sdelay $0x3  }
0x37: {  	[smem:$0x3FA3] =	sst s10  }
0x38: {  	s10 =	sld [smem:$0x3FA4]  }
0x39: {  	_ = 	snop;
	(pc) =	sbr.ind lr, $3  }
0x3a: {  	_ = 	snop  }
0x3b: {  	_ = 	snop  }
0x3c: {  	p2 =	seq.s32 s10, $0x1;
	s10 =	sld [smem:$0x3FA3]  }
0x3d: {  	_ =	shalt  }
0x3e: {  	_ =	shalt  }
0x3f: {  	_ =	shalt  }
0x40: {  	_ =	shalt  }
0x41: {  	_ =	shalt  }
0x42: {  	_ =	shalt  }
0x43: {  	_ =	shalt  }
0x44: {  	_ =	shalt  }
0x45: {  	_ =	shalt  }
0x46: {  	_ =	shalt  }
0x47: {  	_ =	shalt  }
0x48: {  	_ =	shalt  }
0x49: {  	_ =	shalt  }
0x4a: {  	_ =	shalt  }
0x4b: {  	_ =	shalt  }
0x4c: {  	_ =	shalt  }
0x4d: {  	_ =	shalt  }
0x4e: {  	_ =	shalt  }
0x4f: {  	_ =	shalt  }
0x50: {  	_ =	shalt  }
0x51: {  	_ =	shalt  }
0x52: {  	_ =	shalt  }
0x53: {  	_ =	shalt  }
0x54: {  	_ =	shalt  }
0x55: {  	_ =	shalt  }
0x56: {  	_ =	shalt  }
0x57: {  	_ =	shalt  }
0x58: {  	_ =	shalt  }
0x59: {  	_ =	shalt  }
0x5a: {  	_ =	shalt  }
0x5b: {  	_ =	shalt  }
0x5c: {  	_ =	shalt  }
0x5d: {  	_ =	shalt  }
0x5e: {  	_ =	shalt  }
0x5f: {  	_ =	shalt  }
0x60: {  	_ =	shalt  }
0x61: {  	_ =	shalt  }
0x62: {  	_ =	shalt  }
0x63: {  	_ =	shalt  }
0x64: {  	_ =	shalt  }
0x65: {  	_ =	shalt  }
0x66: {  	_ =	shalt  }
0x67: {  	_ =	shalt  }
0x68: {  	_ =	shalt  }
0x69: {  	_ =	shalt  }
0x6a: {  	_ =	shalt  }
0x6b: {  	_ =	shalt  }
0x6c: {  	_ =	shalt  }
0x6d: {  	_ =	shalt  }
0x6e: {  	_ =	shalt  }
0x6f: {  	_ =	shalt  }
0x70: {  	_ =	shalt  }
0x71: {  	_ =	shalt  }
0x72: {  	_ =	shalt  }
0x73: {  	_ =	shalt  }
0x74: {  	_ =	shalt  }
0x75: {  	_ =	shalt  }
0x76: {  	_ =	shalt  }
0x77: {  	_ =	shalt  }
0x78: {  	_ =	shalt  }
0x79: {  	_ =	shalt  }
0x7a: {  	_ =	shalt  }
0x7b: {  	_ =	shalt  }
0x7c: {  	_ =	shalt  }
0x7d: {  	_ =	shalt  }
0x7e: {  	_ =	shalt  }
0x7f: {  	_ =	shalt  }
0x80: {  	_ =	shalt  }
0x81: {  	_ =	shalt  }
0x82: {  	_ =	shalt  }
0x83: {  	_ =	shalt  }
0x84: {  	_ =	shalt  }
0x85: {  	_ =	shalt  }
0x86: {  	_ =	shalt  }
0x87: {  	_ =	shalt  }
.Lfunc_end0:
.L_simem_size_0:
called_computation.6_lowered:
.L_overlay_start_0:
0x88: {  	s2 =	sld [smem:$0x3FD9]  }
0x89: {  	s3 =	sld [smem:$0x3FFE];
	_ =	sdelay $0x1  }
0x8a: {  	s1 =	srdreg.scid  }
0x8b: {  	s0 =	sand.u32 $0x1, s1  }
0x8c: {  	s16 =	sshll.u32 s0, $0xA;
	s2 =	sadd.s32 s3, s2  }
0x8d: {  	s2 =	sadd.s32 s2, s16  }
0x8e: {  	[smem:$0x3FAF] =	sst s2  }
0x8f: {  	_ = 	snop  }
0x90: {  	(tm) =	ssettm $0x1  }
0x91: {  	s17 =	sld [smem:$0x3FFB];
	_ =	sdelay $0x3  }
0x92: {  	_ =	strace s17  }
0x93: {  	s2 =	sld [smem:$0x3FFC];
	_ =	sdelay $0x3  }
0x94: {  	_ =	strace s2  }
0x95: {  	s2 =	sld [smem:$0x3FFD];
	_ =	sdelay $0x3  }
0x96: {  	_ =	strace s2  }
0x97: {  	_ =	strace $0x8FFFFFFF  }
0x98: {  	s18 =	sld [smem:$0x3FDB];
	_ =	sdelay $0x1  }
0x99: {  	s19 =	simm.s32 $_scs_section_size  }
0x9a: {  	s4 =	simm.s32 $_size__tile_overlayer_lowered;
	s5 =	simm.s32 $_tile_overlayer_lowered  }
0x9b: {  	s22 =	simm.s32 $0x1BFF;
	s21 =	sshll.u32 s5, $0x1;
	s2 =	sadd.s32 s19, s18  }
0x9c: {  	s6 =	simm.s32 $0x0;
	s20 =	sshll.u32 s4, $0x1;
	s4 =	sadd.s32 s21, s2  }
0x9d: {  	[timem:s6], [sflag:s22] =	dma.local [hbm:s4], s20  }
0x9e: {  	_ =	swait.ge [sflag:s22], s20  }
0x9f: {  	s3 =	ssub.s32 $0x0, s20;
	[sflag:s22] =	ssyncset.done $0x0  }
0xa0: {  	[sflag:s22] =	ssyncadd.s32 s3;
	_ =	sdelay $0x1  }
0xa1: {  	s23 =	simm.s32 $0x1B8B  }
0xa2: {  	_ =	swait.ge [sflag:s23], $0x1  }
0xa3: {  	[sflag:s23] =	ssyncset.done $0x0  }
0xa4: {  	s25 =	simm.s32 $0x1B8E;
	s24 =	sld [smem:$0x3FFE];
	[sflag:s23] =	ssyncadd.s32 $0xFFFFFFFF  }
0xa5: {  	s26 =	simm.s32 $execute0_lowered;
	[smem:$0x3FD2] =	sst s25  }
0xa6: {  	s4 =	sshll.u32 s26, $0x1;
	_ =	strace $0x80000055;
	[dreg:$0x1] =	wrdreg $0xFFFFFFFF  }
0xa7: {  	s28 =	simm.s32 $_size_execute0_lowered;
	s2 =	sadd.s32 s2, s4;
	[dreg:$0x0] =	wrdreg $0x0  }
0xa8: {  	s4 =	sshll.u32 s28, $0x1;
	[dreg:$0x2] =	wrdreg s2  }
0xa9: {  	[dreg:$0x3] =	wrdreg s4  }
0xaa: {  	[dreg:$0x4] =	wrdreg $0xC0  }
0xab: {  	_ =	task [dreg:s6], $0x5FFFF  }
0xac: {  	[dreg:$0x1] =	wrdreg $0xFFFFFFFF  }
0xad: {  	[dreg:$0x0] =	wrdreg $0x60  }
0xae: {  	[dreg:$0x2] =	wrdreg s24  }
0xaf: {  	[dreg:$0x3] =	wrdreg $0x9  }
0xb0: {  	_ =	task.clear_ibuf [dreg:s6], $0x4FFFF;
	_ =	strace $0x90000055  }
0xb1: {  	s29 =	simm.s32 $0x9;
	_ =	strace $0x80000057  }
0xb2: {  	_ =	swait.ge [sflag:s29], $0x1  }
0xb3: {  	[sflag:s29] =	ssyncadd.s32 $0xFFFFFFFF  }
0xb4: {  	_ =	strace $0x90000057  }
0xb5: {  	_ =	sfence  }
0xb6: {  	s30 =	sld [smem:$0x0];
	_ =	sdelay $0x2  }
0xb7: {  	s31 =	sshll.u32 s1, $0xD;
	s1 =	sshrl.u32 s1, $0x2  }
0xb8: {  	s3 =	sand.u32 $0x4000, s31;
	s1 =	sadd.s32 s1, s30  }
0xb9: {  	s0 =	sor.u32 s3, s0;
	s1 =	sshll.u32 s1, $0x11  }
0xba: {  	s0 =	sor.u32 s1, s0  }
0xbb: {  	s0 =	sadd.s32 $0x8F2B, s0  }
0xbc: {  	[sflag:s0] =	ssyncadd.remote.s32 $0x1  }
0xbd: {  	_ =	sfence.sel $0xFFFF  }
0xbe: {  	[dreg:$0x0] =	wrdreg $0xFFFFFFFF;
	(pc) =	sbr.abs _section_cstart, $3  }
0xbf: {  	[dreg:$0x1] =	wrdreg $0xFFFFFFFF  }
0xc0: {  	_ =	task.clear_ibuf [dreg:s6], $0x2FFFF;
	_ =	strace $0x9FFFFFFF  }
0xc1: {  	(tm) =	ssettm $0x7FFFFFFF  }
tec
execute0_lowered:
.L_overlay_start_1:
0x0: {  	(tag) =	ssettag $0x1  }
0x1: {  	s0 =	srdreg.scid;
	s5 =	rddreg [dreg:$0x0]  }
0x2: {  	s1 =	stileid.u32;
	s6 =	simm.s32 $0x1;
	s9 =	simm.s32 $0x1  }
0x3: {  	s10 =	simm.s32 $0x3;
	s13 =	simm.s32 $0x0;
	s2 =	sshll.u32 s0, $0x8  }
0x4: {  	s12 =	simm.s32 $0x0;
	s3 =	sshll.u32 s1, $0x9;
	s2 =	sand.u32 $0x100, s2  }
0x5: {  	s0 =	rddreg [dreg:$0x1];
	_ =	strace $0x80000056;
	s2 =	sor.u32 s3, s2  }
0x6: {  	s4 =	sadd.s32 $0xCE400, s5;
	[sflag:s6] =	ssyncpa.u1 $0x0;
	s8 =	ssub.s32 $0x4000, s2  }
.Ltmp0:
0x7: {  	s3 =	sadd.s32 $0x8DC00, s5;
	s7 =	sand.u32 $0x1F00, s8;
	(pc) =	sbr.rel .LBB2_1-.Ltmp0, $4  }
0x8: {  	s5 =	sadd.s32 $0x1000, s5;
	s11 =	smov.u32 s2;
	p0 =	sne.s32 s7, $0x0  }
0x9: {  	s8 =	sshrl.u32 s8, $0xD;
	s7 =	simm.s32 $0x2;
	s9 =	simm.s32 @!p0 $0x0  }
0xa: {  	[sflag:s7] =	ssyncpa.u1 $0x0;
	p0 =	por $0x0, $0x0;
	s8 =	sadd.s32 s9, s8  }
0xb: {  	vm0 =	vmmov $0xffff;
	[sflag:s10] =	ssyncpa.u1 $0x0;
	s10 =	simm.s32 $0x0;
	s9 =	sadd.s32 $0x1, s8  }
.LBB2_4:
0xc: {  	vm1 =	veq.s32 v0, $0x80000000;
	v63 =	vand.u32 $0x3FF, v0;
	v2 =	vand.u32 $0x3FF, v2  }
0xd: {  	v0 =	vsel vm1, $0xFFFFFFFF, v63;
	v2 =	vsel vm1, $0xFFFFFFFF, v2  }
0xe: {  	v3 =	vshll.u32 v2, $0xA;
	v4 =	vshll.u32 v0, $0x3  }
0xf: {  	v2 =	vshll.u32 v2, $0x7;
	v3 =	vand.u32 $0xFFFFE000, v3;
	v4 =	vand.u32 $0xFFFFFC00, v4  }
0x10: {  	v2 =	vand.u32 $0x380, v2;
	v3 =	vadd.s32 v4, v3  }
0x11: {  	v0 =	vand.u32 $0x7F, v0;
	v2 =	vor.u32 v2, v3  }
0x12: {  	v0 =	vor.u32 v0, v2;
	_ =	sdelay $0x1  }
0x13: {  	(ifvalue) =	ssetifvalue $0x7FFFFFFF;
	s14 =	sadd.s32 $0x10, s14  }
0x14: {  	[tilespmem:s14], [sflag:$0x1] =	stream.indirect_vreg.gather [hbm4b:s3+s10], $0x1, v1, vm0, $0x4038;
	[tilespmem:$0x400] =	vst v63  }
0x15: {  	(ifvalue) =	ssetifvalue $0x7FFFFFFF;
	s14 =	sadd.s32 $0x10, s14  }
0x16: {  	[tilespmem:s14], [sflag:$0x1] =	stream.indirect_vreg.gather [hbm4b:s3+s10], $0x1, v0, vm0, $0x4038;
	[tilespmem:$0x400] =	vst v63  }
0x17: {  	_ =	swait.ge [sflag:s6], $0x100  }
0x18: {  	s30 =	sshrl.u32 s13, $0x3;
	[sflag:s6] =	ssyncset.done $0x0  }
0x19: {  	s31 =	sand.u32 $0x7, s13;
	s14 =	sadd.s32 s5, s30;
	[sflag:s6] =	ssyncadd.s32 $0xFFFFFF00  }
0x1a: {  	[hbm4b:s14+s31] =	stream.linear.scatter [tilespmem:s15], [sflag:$0x3], $0x100, $0x38;
	[tilespmem:$0x400] =	vst v63  }
.LBB2_5:
0x1b: {  	s15 =	sadd.s32 $0x2000, s11  }
0x1c: {  	p2 =	sgt.s32 s15, $0x3FFF  }
0x1d: {  	s15 =	smov.u32 @p2 s2;
	p2 =	sne.s32 s12, s9  }
.Ltmp1:
0x1e: {  	p1 =	slt.u32 s12, $0x2;
	(pc) =	sbr.rel @!p2 .LBB2_6-.Ltmp1, $4  }
0x1f: {  	s14 =	simm.s32 @!p1 $0x3  }
0x20: {  	s16 =	sadd.s32 $0x1, s12;
	_ =	swait.ge @!p1 [sflag:s14], $0x100  }
0x21: {  	s13 =	smov.u32 s11;
	p0 =	por !p0, !p0;
	[sflag:s14] =	ssyncset.done @!p1 $0x0  }
0x22: {  	s12 =	smov.u32 s16;
	s11 =	smov.u32 s15;
	[sflag:s14] =	ssyncadd.s32 @!p1 $0xFFFFFF00  }
.LBB2_1:
0x23: {  	p1 =	sge.u32 s12, s8  }
0x24: {  	s14 =	sxor.u32 @!p1 $0xFFFFFFFF, s12  }
0x25: {  	s31 =	sadd.s32 $0xFFFFFFFF, s12;
	s15 =	sshrl.u32 @!p1 s11, $0x3;
	s14 =	sshll.u32 @!p1 s14, $0x8  }
0x26: {  	s16 =	sand.u32 @!p1 $0x7, s11;
	s15 =	sadd.s32 @!p1 s4, s15;
	s14 =	sand.u32 @!p1 $0x100, s14  }
0x27: {  	[tilespmem:s14], [sflag:$0x2] =	stream.linear.gather @!p1 [hbm4b:s15+s16], $0x100, $0x38;
	[tilespmem:$0x400] =	vst v63  }
0x28: {  	p1 =	sge.u32 s31, s8  }
.Ltmp2:
0x29: {  	_ = 	snop;
	(pc) =	sbr.rel @p1 .LBB2_5-.Ltmp2, $1  }
0x2a: {  	_ =	sdelay $0x3  }
0x2b: {  	s14 =	simm.s32 $0x1  }
0x2c: {  	_ =	swait.ge [sflag:s7], $0x100;
	s14 =	simm.s32 @!p0 $0x0  }
0x2d: {  	[sflag:s7] =	ssyncset.done $0x0;
	s14 =	sshll.u32 s14, $0x8  }
0x2e: {  	[sflag:s7] =	ssyncadd.s32 $0xFFFFFF00;
	(ifvalue) =	ssetifvalue $0x7FFFFFFF;
	v0 =	vld.msk [tilespmem:s14+$0x0 ss:$0x1], $0xffff;
	_ =	sdelay $0x4  }
0x2f: {  	s15 =	sadd.s32 $0x10, s14;
	v1 =	vshrl.u32 v0, $0xA  }
0x30: {  	v2 =	vld.msk [tilespmem:s15+$0x0 ss:$0x1], $0xffff;
	vm1 =	veq.s32 v0, $0x80000000;
	v0 =	vand.u32 $0x3FF, v0;
	v1 =	vand.u32 $0x3FF, v1  }
0x31: {  	v0 =	vsel vm1, $0xFFFFFFFF, v0;
	v1 =	vsel vm1, $0xFFFFFFFF, v1  }
0x32: {  	v4 =	vshll.u32 v0, $0x3;
	v3 =	vshll.u32 v1, $0xA  }
0x33: {  	v4 =	vand.u32 $0xFFFFFC00, v4;
	v1 =	vshll.u32 v1, $0x7;
	v3 =	vand.u32 $0xFFFFE000, v3  }
0x34: {  	v0 =	vand.u32 $0x7F, v0;
	v1 =	vand.u32 $0x380, v1;
	v3 =	vadd.s32 v4, v3  }
0x35: {  	vm1 =	veq.s32 v2, $0x80000000;
	v1 =	vor.u32 v1, v3;
	v3 =	vshrl.u32 v2, $0xA  }
0x36: {  	s17 =	sadd.s32 $0x10, s15;
	v2 =	vand.u32 $0x3FF, v2;
	v1 =	vor.u32 v0, v1;
	v3 =	vand.u32 $0x3FF, v3  }
0x37: {  	v0 =	vld.msk [tilespmem:s17+$0x0 ss:$0x1], $0xffff;
	v2 =	vsel vm1, $0xFFFFFFFF, v2;
	v3 =	vsel vm1, $0xFFFFFFFF, v3  }
0x38: {  	v5 =	vshll.u32 v2, $0x3;
	v63 =	vshll.u32 v3, $0xA  }
0x39: {  	s31 =	sshll.u32 s12, $0x8;
	v5 =	vand.u32 $0xFFFFFC00, v5;
	v3 =	vshll.u32 v3, $0x7;
	v4 =	vand.u32 $0xFFFFE000, v63  }
0x3a: {  	s14 =	sor.u32 $0x200, s14;
	s15 =	sand.u32 $0x100, s31;
	(ifvalue) =	ssetifvalue $0x7FFFFFFF;
	v3 =	vand.u32 $0x380, v3;
	v4 =	vadd.s32 v5, v4  }
0x3b: {  	[tilespmem:s14], [sflag:$0x1] =	stream.indirect_vreg.gather [hbm4b:s3+s10], $0x1, v1, vm0, $0x4038;
	v1 =	vand.u32 $0x7F, v2;
	v3 =	vor.u32 v3, v4;
	[tilespmem:$0x400] =	vst v63  }
0x3c: {  	s16 =	simm.s32 $0x20;
	s15 =	sor.u32 $0x200, s15;
	s17 =	sadd.s32 $0x10, s17;
	v2 =	vshrl.u32 v0, $0xA;
	v1 =	vor.u32 v1, v3  }
.LBB2_3:
0x3d: {  	s16 =	sadd.s32 $0x10, s16;
	vm1 =	veq.s32 v0, $0x80000000;
	v3 =	vand.u32 $0x3FF, v0;
	v0 =	vld.msk [tilespmem:s17+$0x0 ss:$0x1], $0xffff;
	v2 =	vand.u32 $0x3FF, v2  }
0x3e: {  	p1 =	slt.u32 s16, $0xF0;
	v3 =	vsel vm1, $0xFFFFFFFF, v3;
	v2 =	vsel vm1, $0xFFFFFFFF, v2  }
.Ltmp3:
0x3f: {  	v4 =	vshll.u32 v2, $0xA;
	v5 =	vshll.u32 v3, $0x3;
	(pc) =	sbr.rel @p1 .LBB2_3-.Ltmp3, $4  }
0x40: {  	s14 =	sadd.s32 $0x10, s14;
	v2 =	vshll.u32 v2, $0x7;
	v4 =	vand.u32 $0xFFFFE000, v4;
	v5 =	vand.u32 $0xFFFFFC00, v5;
	(ifvalue) =	ssetifvalue $0x7FFFFFFF  }
0x41: {  	v2 =	vand.u32 $0x380, v2;
	v4 =	vadd.s32 v5, v4;
	[tilespmem:s14], [sflag:$0x1] =	stream.indirect_vreg.gather [hbm4b:s3+s10], $0x1, v1, vm0, $0x4038;
	[tilespmem:$0x400] =	vst v63  }
0x42: {  	v1 =	vand.u32 $0x7F, v3;
	v3 =	vor.u32 v2, v4  }
0x43: {  	s17 =	sadd.s32 $0x10, s17;
	v2 =	vshrl.u32 v0, $0xA;
	v1 =	vor.u32 v1, v3  }
.Ltmp4:
0x44: {  	_ = 	snop;
	(pc) =	sbr.rel .LBB2_4-.Ltmp4, $1  }
0x45: {  	_ =	sdelay $0x3  }
.LBB2_6:
0x46: {  	_ =	sfence.sel $0x180000  }
0x47: {  	s2 =	simm.s32 $0x2;
	[bflag:$0x0] =	sbarrier.arrive $0xFFFF  }
0x48: {  	s30 =	simm.s32 $0x3;
	[sflag:s2] =	ssyncpa.u1 $0x1  }
0x49: {  	s31 =	simm.s32 $0x1;
	[sflag:s30] =	ssyncpa.u1 $0x1  }
0x4a: {  	[sflag:s31] =	ssyncpa.u1 $0x1  }
0x4b: {  	p0 =	sne.s32 s1, $0x0;
	_ =	strace $0x90000056  }
0x4c: {  	s0 =	sadd.s32 @!p0 $0x100000, s0;
	[bflag:$0x2] =	sbarrier.arrive $0xFFFF  }
0x4d: {  	[sflag:s0] =	ssyncadd.tile.s32 @!p0 $0x1;
	_ =	shalt  }
.Lfunc_end2:
_tile_overlayer_lowered:
.L_overlay_start_2:
0x4e: {  	(tag) =	ssettag $0x2  }
0x4f: {  	s0 =	rddreg [dreg:$0x0];
	s2 =	stileid.u32  }
0x50: {  	s1 =	rddreg [dreg:$0x1];
	p0 =	sne.s32 s2, $0x0  }
0x51: {  	s3 =	rddreg [dreg:$0x2];
	[bflag:$0x3] =	sbarrier.arrive $0xFFFF;
	s2 =	simm.s32 @!p0 $0x1C01  }
0x52: {  	[timem:s3], [sflag:s2] =	dma.local @!p0 [hbm:s0], s1  }
0x53: {  	s0 =	simm.s32 @!p0 $0x1  }
0x54: {  	_ =	swait.ge @!p0 [sflag:s0], s1  }
0x55: {  	s1 =	ssub.s32 @!p0 $0x0, s1;
	[sflag:s0] =	ssyncset.done @!p0 $0x0  }
0x56: {  	[sflag:s0] =	ssyncadd.s32 @!p0 s1  }
0x57: {  	[bflag:$0x3] =	sbarrier.arrive $0xFFFF  }
0x58: {  	_ =	shalt  }

// kernel: gather_offload_async_start.7
scs
__scs_entry_jumppad:
0x0: {  	(pc) =	sbr.rel $0x88, $3  }
0x1: {  	(tag) =	ssettag $0x0;
	lr =	simm.s32 $0x1  }
0x2: {  	[smem:$0x3F88] =	sst lr;
	_ =	strace $0xD0000000  }
0x3: {  	_ = 	snop  }
0x4: {  	_ = 	snop  }
0x5: {  	_ = 	snop  }
0x6: {  	_ = 	snop  }
0x7: {  	_ = 	snop  }
__scs_overlays_trampoline_lowered:
0x8: {  	[smem:$0x3F97] =	sst s0  }
0x9: {  	[smem:$0x3F98] =	sst s1  }
0xa: {  	[smem:$0x3F99] =	sst s2  }
0xb: {  	[smem:$0x3F9A] =	sst s3  }
0xc: {  	[smem:$0x3F9B] =	sst s4  }
0xd: {  	[smem:$0x3F9C] =	sst s5  }
0xe: {  	[smem:$0x3F9D] =	sst s6  }
0xf: {  	[smem:$0x3F9E] =	sst s7  }
0x10: {  	[smem:$0x3F9F] =	sst s8  }
0x11: {  	[smem:$0x3FA0] =	sst s9;
	s0 =	simm.s32 @!p0 $0x0  }
0x12: {  	s1 =	sld [smem:$0x3F86];
	s0 =	simm.s32 @p0 $0x1  }
0x13: {  	[smem:$0x3FA1] =	sst s0;
	s0 =	simm.s32 @!p1 $0x0  }
0x14: {  	s2 =	sld [smem:$0x3F85];
	s0 =	simm.s32 @p1 $0x1  }
0x15: {  	[smem:$0x3FA2] =	sst s0;
	s0 =	simm.s32 @!p2 $0x0  }
0x16: {  	s3 =	sld [smem:$0x3FDB];
	s0 =	simm.s32 @p2 $0x1  }
0x17: {  	s4 =	simm.s32 $0x1BF5;
	[smem:$0x3FA4] =	sst s0  }
0x18: {  	s0 =	sld [smem:$0x3F87];
	_ =	swait.ge [sflag:s4], $0x0  }
0x19: {  	s7 =	sld [smem:$0x3F88]  }
0x1a: {  	s8 =	sadd.s32 $0xFFFFE003, lr  }
0x1b: {  	s9 =	sadd.s32 $0xFFFFFEF7, lr;
	s5 =	simm.s32 $0xFFFFFFFF;
	p2 =	slt.u32 s8, $0xFFFFF086  }
0x1c: {  	p1 =	slt.u32 s9, $0xF7A;
	s5 =	simm.s32 @!p2 $0x0  }
0x1d: {  	s5 =	simm.s32 @p1 $0x1;
	p0 =	seq.s32 s7, s2  }
0x1e: {  	s7 =	smul.u32 @!p0 $0xF7A, s2;
	p2 =	seq.s32 @!p0 s5, $0x0  }
0x1f: {  	s9 =	smul.u32 $0xF7A, s1;
	s8 =	simm.s32 @!p0 $0x1BF5;
	p2 =	por !p2, p0  }
0x20: {  	[sflag:s8] =	ssyncset.s32 @!p0 $0xFFFFF086;
	s6 =	sadd.s32 @!p0 s3, s7;
	s7 =	simm.s32 @!p0 $0x108  }
0x21: {  	s3 =	sadd.s32 s3, s9;
	s6 =	sadd.s32 @!p0 $0x88, s6;
	s7 =	simm.s32 @p2 $0x1082  }
0x22: {  	[simem:s7], [sflag:s8] =	dma.local @!p0 [hbm:s6], $0xF7A  }
0x23: {  	s9 =	sor.u32 $0xD0000000, s2;
	s6 =	simm.s32 $0x108;
	_ =	swait.ge @!p0 [sflag:s8], $0x0  }
0x24: {  	s3 =	sadd.s32 $0x88, s3;
	s6 =	simm.s32 @!p1 $0x1082;
	[sflag:s4] =	ssyncset.s32 $0xFFFFF086  }
0x25: {  	[simem:s6], [sflag:s4] =	dma.local [hbm:s3], $0xF7A  }
0x26: {  	[smem:$0x3F88] =	sst s1;
	(tag) =	ssettag s2;
	_ =	strace s9  }
0x27: {  	s1 =	sld [smem:$0x3F98]  }
0x28: {  	s2 =	sld [smem:$0x3F99]  }
0x29: {  	s4 =	sld [smem:$0x3F9B]  }
0x2a: {  	p0 =	seq.s32 s5, $0x0;
	s5 =	sld [smem:$0x3F9C]  }
0x2b: {  	s6 =	sld [smem:$0x3F9D]  }
0x2c: {  	s7 =	sld [smem:$0x3F9E]  }
0x2d: {  	s3 =	simm.s32 $0x108;
	s8 =	sld [smem:$0x3F9F]  }
0x2e: {  	s3 =	simm.s32 @!p0 $0x1082;
	s9 =	sld [smem:$0x3FA0]  }
0x2f: {  	lr =	sadd.s32 s0, s3;
	s0 =	sld [smem:$0x3F97]  }
0x30: {  	s3 =	sld [smem:$0x3F9A]  }
0x31: {  	[smem:$0x3FA3] =	sst s10  }
0x32: {  	s10 =	sld [smem:$0x3FA1];
	_ =	sdelay $0x3  }
0x33: {  	p0 =	seq.s32 s10, $0x1;
	s10 =	sld [smem:$0x3FA3];
	_ =	sdelay $0x3  }
0x34: {  	[smem:$0x3FA3] =	sst s10  }
0x35: {  	s10 =	sld [smem:$0x3FA2];
	_ =	sdelay $0x3  }
0x36: {  	p1 =	seq.s32 s10, $0x1;
	s10 =	sld [smem:$0x3FA3];
	_ =	sdelay $0x3  }
0x37: {  	[smem:$0x3FA3] =	sst s10  }
0x38: {  	s10 =	sld [smem:$0x3FA4]  }
0x39: {  	_ = 	snop;
	(pc) =	sbr.ind lr, $3  }
0x3a: {  	_ = 	snop  }
0x3b: {  	_ = 	snop  }
0x3c: {  	p2 =	seq.s32 s10, $0x1;
	s10 =	sld [smem:$0x3FA3]  }
0x3d: {  	_ =	shalt  }
0x3e: {  	_ =	shalt  }
0x3f: {  	_ =	shalt  }
0x40: {  	_ =	shalt  }
0x41: {  	_ =	shalt  }
0x42: {  	_ =	shalt  }
0x43: {  	_ =	shalt  }
0x44: {  	_ =	shalt  }
0x45: {  	_ =	shalt  }
0x46: {  	_ =	shalt  }
0x47: {  	_ =	shalt  }
0x48: {  	_ =	shalt  }
0x49: {  	_ =	shalt  }
0x4a: {  	_ =	shalt  }
0x4b: {  	_ =	shalt  }
0x4c: {  	_ =	shalt  }
0x4d: {  	_ =	shalt  }
0x4e: {  	_ =	shalt  }
0x4f: {  	_ =	shalt  }
0x50: {  	_ =	shalt  }
0x51: {  	_ =	shalt  }
0x52: {  	_ =	shalt  }
0x53: {  	_ =	shalt  }
0x54: {  	_ =	shalt  }
0x55: {  	_ =	shalt  }
0x56: {  	_ =	shalt  }
0x57: {  	_ =	shalt  }
0x58: {  	_ =	shalt  }
0x59: {  	_ =	shalt  }
0x5a: {  	_ =	shalt  }
0x5b: {  	_ =	shalt  }
0x5c: {  	_ =	shalt  }
0x5d: {  	_ =	shalt  }
0x5e: {  	_ =	shalt  }
0x5f: {  	_ =	shalt  }
0x60: {  	_ =	shalt  }
0x61: {  	_ =	shalt  }
0x62: {  	_ =	shalt  }
0x63: {  	_ =	shalt  }
0x64: {  	_ =	shalt  }
0x65: {  	_ =	shalt  }
0x66: {  	_ =	shalt  }
0x67: {  	_ =	shalt  }
0x68: {  	_ =	shalt  }
0x69: {  	_ =	shalt  }
0x6a: {  	_ =	shalt  }
0x6b: {  	_ =	shalt  }
0x6c: {  	_ =	shalt  }
0x6d: {  	_ =	shalt  }
0x6e: {  	_ =	shalt  }
0x6f: {  	_ =	shalt  }
0x70: {  	_ =	shalt  }
0x71: {  	_ =	shalt  }
0x72: {  	_ =	shalt  }
0x73: {  	_ =	shalt  }
0x74: {  	_ =	shalt  }
0x75: {  	_ =	shalt  }
0x76: {  	_ =	shalt  }
0x77: {  	_ =	shalt  }
0x78: {  	_ =	shalt  }
0x79: {  	_ =	shalt  }
0x7a: {  	_ =	shalt  }
0x7b: {  	_ =	shalt  }
0x7c: {  	_ =	shalt  }
0x7d: {  	_ =	shalt  }
0x7e: {  	_ =	shalt  }
0x7f: {  	_ =	shalt  }
0x80: {  	_ =	shalt  }
0x81: {  	_ =	shalt  }
0x82: {  	_ =	shalt  }
0x83: {  	_ =	shalt  }
0x84: {  	_ =	shalt  }
0x85: {  	_ =	shalt  }
0x86: {  	_ =	shalt  }
0x87: {  	_ =	shalt  }
.Lfunc_end0:
.L_simem_size_0:
called_computation.7_lowered:
.L_overlay_start_0:
0x88: {  	s2 =	sld [smem:$0x3FD9]  }
0x89: {  	s3 =	sld [smem:$0x3FFE];
	_ =	sdelay $0x1  }
0x8a: {  	s1 =	srdreg.scid  }
0x8b: {  	s0 =	sand.u32 $0x1, s1  }
0x8c: {  	s16 =	sshll.u32 s0, $0xA;
	s2 =	sadd.s32 s3, s2  }
0x8d: {  	s2 =	sadd.s32 s2, s16  }
0x8e: {  	[smem:$0x3FAF] =	sst s2  }
0x8f: {  	_ = 	snop  }
0x90: {  	(tm) =	ssettm $0x1  }
0x91: {  	s17 =	sld [smem:$0x3FFB];
	_ =	sdelay $0x3  }
0x92: {  	_ =	strace s17  }
0x93: {  	s2 =	sld [smem:$0x3FFC];
	_ =	sdelay $0x3  }
0x94: {  	_ =	strace s2  }
0x95: {  	s2 =	sld [smem:$0x3FFD];
	_ =	sdelay $0x3  }
0x96: {  	_ =	strace s2  }
0x97: {  	_ =	strace $0x8FFFFFFF  }
0x98: {  	s18 =	sld [smem:$0x3FDB];
	_ =	sdelay $0x1  }
0x99: {  	s19 =	simm.s32 $_scs_section_size  }
0x9a: {  	s4 =	simm.s32 $_size__tile_overlayer_lowered;
	s5 =	simm.s32 $_tile_overlayer_lowered  }
0x9b: {  	s22 =	simm.s32 $0x1BFF;
	s21 =	sshll.u32 s5, $0x1;
	s2 =	sadd.s32 s19, s18  }
0x9c: {  	s6 =	simm.s32 $0x0;
	s20 =	sshll.u32 s4, $0x1;
	s4 =	sadd.s32 s21, s2  }
0x9d: {  	[timem:s6], [sflag:s22] =	dma.local [hbm:s4], s20  }
0x9e: {  	_ =	swait.ge [sflag:s22], s20  }
0x9f: {  	s3 =	ssub.s32 $0x0, s20;
	[sflag:s22] =	ssyncset.done $0x0  }
0xa0: {  	[sflag:s22] =	ssyncadd.s32 s3;
	_ =	sdelay $0x1  }
0xa1: {  	s23 =	simm.s32 $0x1B8B  }
0xa2: {  	_ =	swait.ge [sflag:s23], $0x1  }
0xa3: {  	[sflag:s23] =	ssyncset.done $0x0  }
0xa4: {  	s25 =	simm.s32 $0x1B8E;
	s24 =	sld [smem:$0x3FFE];
	[sflag:s23] =	ssyncadd.s32 $0xFFFFFFFF  }
0xa5: {  	s26 =	simm.s32 $execute0_lowered;
	[smem:$0x3FD2] =	sst s25  }
0xa6: {  	s4 =	sshll.u32 s26, $0x1;
	_ =	strace $0x8000005B;
	[dreg:$0x1] =	wrdreg $0xFFFFFFFF  }
0xa7: {  	s28 =	simm.s32 $_size_execute0_lowered;
	s2 =	sadd.s32 s2, s4;
	[dreg:$0x0] =	wrdreg $0x0  }
0xa8: {  	s4 =	sshll.u32 s28, $0x1;
	[dreg:$0x2] =	wrdreg s2  }
0xa9: {  	[dreg:$0x3] =	wrdreg s4  }
0xaa: {  	[dreg:$0x4] =	wrdreg $0xC0  }
0xab: {  	_ =	task [dreg:s6], $0x5FFFF  }
0xac: {  	[dreg:$0x1] =	wrdreg $0xFFFFFFFF  }
0xad: {  	[dreg:$0x0] =	wrdreg $0x60  }
0xae: {  	[dreg:$0x2] =	wrdreg s24  }
0xaf: {  	[dreg:$0x3] =	wrdreg $0x9  }
0xb0: {  	_ =	task.clear_ibuf [dreg:s6], $0x4FFFF;
	_ =	strace $0x9000005B  }
0xb1: {  	s29 =	simm.s32 $0x9;
	_ =	strace $0x8000005D  }
0xb2: {  	_ =	swait.ge [sflag:s29], $0x1  }
0xb3: {  	[sflag:s29] =	ssyncadd.s32 $0xFFFFFFFF  }
0xb4: {  	_ =	strace $0x9000005D  }
0xb5: {  	_ =	sfence  }
0xb6: {  	s30 =	sld [smem:$0x0];
	_ =	sdelay $0x2  }
0xb7: {  	s31 =	sshll.u32 s1, $0xD;
	s1 =	sshrl.u32 s1, $0x2  }
0xb8: {  	s3 =	sand.u32 $0x4000, s31;
	s1 =	sadd.s32 s1, s30  }
0xb9: {  	s0 =	sor.u32 s3, s0;
	s1 =	sshll.u32 s1, $0x11  }
0xba: {  	s0 =	sor.u32 s1, s0  }
0xbb: {  	s0 =	sadd.s32 $0x8F2B, s0  }
0xbc: {  	[sflag:s0] =	ssyncadd.remote.s32 $0x1  }
0xbd: {  	_ =	sfence.sel $0xFFFF  }
0xbe: {  	[dreg:$0x0] =	wrdreg $0xFFFFFFFF;
	(pc) =	sbr.abs _section_cstart, $3  }
0xbf: {  	[dreg:$0x1] =	wrdreg $0xFFFFFFFF  }
0xc0: {  	_ =	task.clear_ibuf [dreg:s6], $0x2FFFF;
	_ =	strace $0x9FFFFFFF  }
0xc1: {  	(tm) =	ssettm $0x7FFFFFFF  }
tec
execute0_lowered:
.L_overlay_start_1:
0x0: {  	(tag) =	ssettag $0x1  }
0x1: {  	s1 =	srdreg.scid  }
0x2: {  	s0 =	stileid.u32;
	s2 =	rddreg [dreg:$0x0];
	s6 =	simm.s32 $0x1  }
0x3: {  	s9 =	simm.s32 $0x1;
	s10 =	simm.s32 $0x3;
	s1 =	sshll.u32 s1, $0x8  }
0x4: {  	s13 =	simm.s32 $0x0;
	s3 =	sshll.u32 s0, $0x9;
	s4 =	sand.u32 $0x100, s1  }
0x5: {  	s12 =	simm.s32 $0x0;
	s5 =	sadd.s32 $0x1000, s2;
	s3 =	sor.u32 s3, s4  }
0x6: {  	s1 =	rddreg [dreg:$0x1];
	_ =	strace $0x8000005C;
	s8 =	ssub.s32 $0x4000, s3  }
.Ltmp0:
0x7: {  	s4 =	sadd.s32 $0x8DC00, s2;
	s7 =	sand.u32 $0x1F00, s8;
	(pc) =	sbr.rel .LBB2_1-.Ltmp0, $4  }
0x8: {  	[sflag:s6] =	ssyncpa.u1 $0x0;
	s11 =	smov.u32 s3;
	p0 =	sne.s32 s7, $0x0  }
0x9: {  	s8 =	sshrl.u32 s8, $0xD;
	s7 =	simm.s32 $0x2;
	s9 =	simm.s32 @!p0 $0x0  }
0xa: {  	[sflag:s7] =	ssyncpa.u1 $0x0;
	p0 =	por $0x0, $0x0;
	s8 =	sadd.s32 s9, s8  }
0xb: {  	vm0 =	vmmov $0xffff;
	[sflag:s10] =	ssyncpa.u1 $0x0;
	s10 =	simm.s32 $0x0;
	s9 =	sadd.s32 $0x1, s8  }
.LBB2_4:
0xc: {  	vm1 =	veq.s32 v0, $0x80000000;
	v63 =	vand.u32 $0x3FF, v0;
	v2 =	vand.u32 $0x3FF, v2  }
0xd: {  	v0 =	vsel vm1, $0xFFFFFFFF, v63;
	v2 =	vsel vm1, $0xFFFFFFFF, v2  }
0xe: {  	v3 =	vshll.u32 v2, $0xA;
	v4 =	vshll.u32 v0, $0x3  }
0xf: {  	v2 =	vshll.u32 v2, $0x7;
	v3 =	vand.u32 $0xFFFFE000, v3;
	v4 =	vand.u32 $0xFFFFFC00, v4  }
0x10: {  	v2 =	vand.u32 $0x380, v2;
	v3 =	vadd.s32 v4, v3  }
0x11: {  	v0 =	vand.u32 $0x7F, v0;
	v2 =	vor.u32 v2, v3  }
0x12: {  	v0 =	vor.u32 v0, v2;
	_ =	sdelay $0x1  }
0x13: {  	(ifvalue) =	ssetifvalue $0x7FFFFFFF;
	s14 =	sadd.s32 $0x10, s14  }
0x14: {  	[tilespmem:s14], [sflag:$0x1] =	stream.indirect_vreg.gather [hbm4b:s4+s10], $0x1, v1, vm0, $0x4038;
	[tilespmem:$0x400] =	vst v63  }
0x15: {  	(ifvalue) =	ssetifvalue $0x7FFFFFFF;
	s14 =	sadd.s32 $0x10, s14  }
0x16: {  	[tilespmem:s14], [sflag:$0x1] =	stream.indirect_vreg.gather [hbm4b:s4+s10], $0x1, v0, vm0, $0x4038;
	[tilespmem:$0x400] =	vst v63  }
0x17: {  	_ =	swait.ge [sflag:s6], $0x100  }
0x18: {  	s30 =	sshrl.u32 s13, $0x3;
	[sflag:s6] =	ssyncset.done $0x0  }
0x19: {  	s31 =	sand.u32 $0x7, s13;
	s14 =	sadd.s32 s2, s30;
	[sflag:s6] =	ssyncadd.s32 $0xFFFFFF00  }
0x1a: {  	[hbm4b:s14+s31] =	stream.linear.scatter [tilespmem:s15], [sflag:$0x3], $0x100, $0x38;
	[tilespmem:$0x400] =	vst v63  }
.LBB2_5:
0x1b: {  	s15 =	sadd.s32 $0x2000, s11  }
0x1c: {  	p2 =	sgt.s32 s15, $0x3FFF  }
0x1d: {  	s15 =	smov.u32 @p2 s3;
	p2 =	sne.s32 s12, s9  }
.Ltmp1:
0x1e: {  	p1 =	slt.u32 s12, $0x2;
	(pc) =	sbr.rel @!p2 .LBB2_6-.Ltmp1, $4  }
0x1f: {  	s14 =	simm.s32 @!p1 $0x3  }
0x20: {  	s16 =	sadd.s32 $0x1, s12;
	_ =	swait.ge @!p1 [sflag:s14], $0x100  }
0x21: {  	s13 =	smov.u32 s11;
	p0 =	por !p0, !p0;
	[sflag:s14] =	ssyncset.done @!p1 $0x0  }
0x22: {  	s12 =	smov.u32 s16;
	s11 =	smov.u32 s15;
	[sflag:s14] =	ssyncadd.s32 @!p1 $0xFFFFFF00  }
.LBB2_1:
0x23: {  	p1 =	sge.u32 s12, s8  }
0x24: {  	s14 =	sxor.u32 @!p1 $0xFFFFFFFF, s12  }
0x25: {  	s31 =	sadd.s32 $0xFFFFFFFF, s12;
	s15 =	sshrl.u32 @!p1 s11, $0x3;
	s14 =	sshll.u32 @!p1 s14, $0x8  }
0x26: {  	s16 =	sand.u32 @!p1 $0x7, s11;
	s15 =	sadd.s32 @!p1 s5, s15;
	s14 =	sand.u32 @!p1 $0x100, s14  }
0x27: {  	[tilespmem:s14], [sflag:$0x2] =	stream.linear.gather @!p1 [hbm4b:s15+s16], $0x100, $0x38;
	[tilespmem:$0x400] =	vst v63  }
0x28: {  	p1 =	sge.u32 s31, s8  }
.Ltmp2:
0x29: {  	_ = 	snop;
	(pc) =	sbr.rel @p1 .LBB2_5-.Ltmp2, $1  }
0x2a: {  	_ =	sdelay $0x3  }
0x2b: {  	s14 =	simm.s32 $0x1  }
0x2c: {  	_ =	swait.ge [sflag:s7], $0x100;
	s14 =	simm.s32 @!p0 $0x0  }
0x2d: {  	[sflag:s7] =	ssyncset.done $0x0;
	s14 =	sshll.u32 s14, $0x8  }
0x2e: {  	[sflag:s7] =	ssyncadd.s32 $0xFFFFFF00;
	(ifvalue) =	ssetifvalue $0x7FFFFFFF;
	v0 =	vld.msk [tilespmem:s14+$0x0 ss:$0x1], $0xffff;
	_ =	sdelay $0x4  }
0x2f: {  	s15 =	sadd.s32 $0x10, s14;
	v1 =	vshrl.u32 v0, $0xA  }
0x30: {  	v2 =	vld.msk [tilespmem:s15+$0x0 ss:$0x1], $0xffff;
	vm1 =	veq.s32 v0, $0x80000000;
	v0 =	vand.u32 $0x3FF, v0;
	v1 =	vand.u32 $0x3FF, v1  }
0x31: {  	v0 =	vsel vm1, $0xFFFFFFFF, v0;
	v1 =	vsel vm1, $0xFFFFFFFF, v1  }
0x32: {  	v4 =	vshll.u32 v0, $0x3;
	v3 =	vshll.u32 v1, $0xA  }
0x33: {  	v4 =	vand.u32 $0xFFFFFC00, v4;
	v1 =	vshll.u32 v1, $0x7;
	v3 =	vand.u32 $0xFFFFE000, v3  }
0x34: {  	v0 =	vand.u32 $0x7F, v0;
	v1 =	vand.u32 $0x380, v1;
	v3 =	vadd.s32 v4, v3  }
0x35: {  	vm1 =	veq.s32 v2, $0x80000000;
	v1 =	vor.u32 v1, v3;
	v3 =	vshrl.u32 v2, $0xA  }
0x36: {  	s17 =	sadd.s32 $0x10, s15;
	v2 =	vand.u32 $0x3FF, v2;
	v1 =	vor.u32 v0, v1;
	v3 =	vand.u32 $0x3FF, v3  }
0x37: {  	v0 =	vld.msk [tilespmem:s17+$0x0 ss:$0x1], $0xffff;
	v2 =	vsel vm1, $0xFFFFFFFF, v2;
	v3 =	vsel vm1, $0xFFFFFFFF, v3  }
0x38: {  	v5 =	vshll.u32 v2, $0x3;
	v63 =	vshll.u32 v3, $0xA  }
0x39: {  	s31 =	sshll.u32 s12, $0x8;
	v5 =	vand.u32 $0xFFFFFC00, v5;
	v3 =	vshll.u32 v3, $0x7;
	v4 =	vand.u32 $0xFFFFE000, v63  }
0x3a: {  	s14 =	sor.u32 $0x200, s14;
	s15 =	sand.u32 $0x100, s31;
	(ifvalue) =	ssetifvalue $0x7FFFFFFF;
	v3 =	vand.u32 $0x380, v3;
	v4 =	vadd.s32 v5, v4  }
0x3b: {  	[tilespmem:s14], [sflag:$0x1] =	stream.indirect_vreg.gather [hbm4b:s4+s10], $0x1, v1, vm0, $0x4038;
	v1 =	vand.u32 $0x7F, v2;
	v3 =	vor.u32 v3, v4;
	[tilespmem:$0x400] =	vst v63  }
0x3c: {  	s16 =	simm.s32 $0x20;
	s15 =	sor.u32 $0x200, s15;
	s17 =	sadd.s32 $0x10, s17;
	v2 =	vshrl.u32 v0, $0xA;
	v1 =	vor.u32 v1, v3  }
.LBB2_3:
0x3d: {  	s16 =	sadd.s32 $0x10, s16;
	vm1 =	veq.s32 v0, $0x80000000;
	v3 =	vand.u32 $0x3FF, v0;
	v0 =	vld.msk [tilespmem:s17+$0x0 ss:$0x1], $0xffff;
	v2 =	vand.u32 $0x3FF, v2  }
0x3e: {  	p1 =	slt.u32 s16, $0xF0;
	v3 =	vsel vm1, $0xFFFFFFFF, v3;
	v2 =	vsel vm1, $0xFFFFFFFF, v2  }
.Ltmp3:
0x3f: {  	v4 =	vshll.u32 v2, $0xA;
	v5 =	vshll.u32 v3, $0x3;
	(pc) =	sbr.rel @p1 .LBB2_3-.Ltmp3, $4  }
0x40: {  	s14 =	sadd.s32 $0x10, s14;
	v2 =	vshll.u32 v2, $0x7;
	v4 =	vand.u32 $0xFFFFE000, v4;
	v5 =	vand.u32 $0xFFFFFC00, v5;
	(ifvalue) =	ssetifvalue $0x7FFFFFFF  }
0x41: {  	v2 =	vand.u32 $0x380, v2;
	v4 =	vadd.s32 v5, v4;
	[tilespmem:s14], [sflag:$0x1] =	stream.indirect_vreg.gather [hbm4b:s4+s10], $0x1, v1, vm0, $0x4038;
	[tilespmem:$0x400] =	vst v63  }
0x42: {  	v1 =	vand.u32 $0x7F, v3;
	v3 =	vor.u32 v2, v4  }
0x43: {  	s17 =	sadd.s32 $0x10, s17;
	v2 =	vshrl.u32 v0, $0xA;
	v1 =	vor.u32 v1, v3  }
.Ltmp4:
0x44: {  	_ = 	snop;
	(pc) =	sbr.rel .LBB2_4-.Ltmp4, $1  }
0x45: {  	_ =	sdelay $0x3  }
.LBB2_6:
0x46: {  	_ =	sfence.sel $0x180000  }
0x47: {  	s2 =	simm.s32 $0x2;
	[bflag:$0x0] =	sbarrier.arrive $0xFFFF  }
0x48: {  	s30 =	simm.s32 $0x3;
	[sflag:s2] =	ssyncpa.u1 $0x1  }
0x49: {  	s31 =	simm.s32 $0x1;
	[sflag:s30] =	ssyncpa.u1 $0x1  }
0x4a: {  	[sflag:s31] =	ssyncpa.u1 $0x1  }
0x4b: {  	p0 =	sne.s32 s0, $0x0;
	_ =	strace $0x9000005C  }
0x4c: {  	s0 =	sadd.s32 @!p0 $0x100000, s1;
	[bflag:$0x2] =	sbarrier.arrive $0xFFFF  }
0x4d: {  	[sflag:s0] =	ssyncadd.tile.s32 @!p0 $0x1;
	_ =	shalt  }
.Lfunc_end2:
_tile_overlayer_lowered:
.L_overlay_start_2:
0x4e: {  	(tag) =	ssettag $0x2  }
0x4f: {  	s0 =	rddreg [dreg:$0x0];
	s2 =	stileid.u32  }
0x50: {  	s1 =	rddreg [dreg:$0x1];
	p0 =	sne.s32 s2, $0x0  }
0x51: {  	s3 =	rddreg [dreg:$0x2];
	[bflag:$0x3] =	sbarrier.arrive $0xFFFF;
	s2 =	simm.s32 @!p0 $0x1C01  }
0x52: {  	[timem:s3], [sflag:s2] =	dma.local @!p0 [hbm:s0], s1  }
0x53: {  	s0 =	simm.s32 @!p0 $0x1  }
0x54: {  	_ =	swait.ge @!p0 [sflag:s0], s1  }
0x55: {  	s1 =	ssub.s32 @!p0 $0x0, s1;
	[sflag:s0] =	ssyncset.done @!p0 $0x0  }
0x56: {  	[sflag:s0] =	ssyncadd.s32 @!p0 s1  }
0x57: {  	[bflag:$0x3] =	sbarrier.arrive $0xFFFF  }
0x58: {  	_ =	shalt  }

// kernel: gather_offload_async_start
scs
__scs_entry_jumppad:
0x0: {  	(pc) =	sbr.rel $0x88, $3  }
0x1: {  	(tag) =	ssettag $0x0;
	lr =	simm.s32 $0x1  }
0x2: {  	[smem:$0x3F88] =	sst lr;
	_ =	strace $0xD0000000  }
0x3: {  	_ = 	snop  }
0x4: {  	_ = 	snop  }
0x5: {  	_ = 	snop  }
0x6: {  	_ = 	snop  }
0x7: {  	_ = 	snop  }
__scs_overlays_trampoline_lowered:
0x8: {  	[smem:$0x3F97] =	sst s0  }
0x9: {  	[smem:$0x3F98] =	sst s1  }
0xa: {  	[smem:$0x3F99] =	sst s2  }
0xb: {  	[smem:$0x3F9A] =	sst s3  }
0xc: {  	[smem:$0x3F9B] =	sst s4  }
0xd: {  	[smem:$0x3F9C] =	sst s5  }
0xe: {  	[smem:$0x3F9D] =	sst s6  }
0xf: {  	[smem:$0x3F9E] =	sst s7  }
0x10: {  	[smem:$0x3F9F] =	sst s8  }
0x11: {  	[smem:$0x3FA0] =	sst s9;
	s0 =	simm.s32 @!p0 $0x0  }
0x12: {  	s1 =	sld [smem:$0x3F86];
	s0 =	simm.s32 @p0 $0x1  }
0x13: {  	[smem:$0x3FA1] =	sst s0;
	s0 =	simm.s32 @!p1 $0x0  }
0x14: {  	s2 =	sld [smem:$0x3F85];
	s0 =	simm.s32 @p1 $0x1  }
0x15: {  	[smem:$0x3FA2] =	sst s0;
	s0 =	simm.s32 @!p2 $0x0  }
0x16: {  	s3 =	sld [smem:$0x3FDB];
	s0 =	simm.s32 @p2 $0x1  }
0x17: {  	s4 =	simm.s32 $0x1BF5;
	[smem:$0x3FA4] =	sst s0  }
0x18: {  	s0 =	sld [smem:$0x3F87];
	_ =	swait.ge [sflag:s4], $0x0  }
0x19: {  	s7 =	sld [smem:$0x3F88]  }
0x1a: {  	s8 =	sadd.s32 $0xFFFFE003, lr  }
0x1b: {  	s9 =	sadd.s32 $0xFFFFFEF7, lr;
	s5 =	simm.s32 $0xFFFFFFFF;
	p2 =	slt.u32 s8, $0xFFFFF086  }
0x1c: {  	p1 =	slt.u32 s9, $0xF7A;
	s5 =	simm.s32 @!p2 $0x0  }
0x1d: {  	s5 =	simm.s32 @p1 $0x1;
	p0 =	seq.s32 s7, s2  }
0x1e: {  	s7 =	smul.u32 @!p0 $0xF7A, s2;
	p2 =	seq.s32 @!p0 s5, $0x0  }
0x1f: {  	s9 =	smul.u32 $0xF7A, s1;
	s8 =	simm.s32 @!p0 $0x1BF5;
	p2 =	por !p2, p0  }
0x20: {  	[sflag:s8] =	ssyncset.s32 @!p0 $0xFFFFF086;
	s6 =	sadd.s32 @!p0 s3, s7;
	s7 =	simm.s32 @!p0 $0x108  }
0x21: {  	s3 =	sadd.s32 s3, s9;
	s6 =	sadd.s32 @!p0 $0x88, s6;
	s7 =	simm.s32 @p2 $0x1082  }
0x22: {  	[simem:s7], [sflag:s8] =	dma.local @!p0 [hbm:s6], $0xF7A  }
0x23: {  	s9 =	sor.u32 $0xD0000000, s2;
	s6 =	simm.s32 $0x108;
	_ =	swait.ge @!p0 [sflag:s8], $0x0  }
0x24: {  	s3 =	sadd.s32 $0x88, s3;
	s6 =	simm.s32 @!p1 $0x1082;
	[sflag:s4] =	ssyncset.s32 $0xFFFFF086  }
0x25: {  	[simem:s6], [sflag:s4] =	dma.local [hbm:s3], $0xF7A  }
0x26: {  	[smem:$0x3F88] =	sst s1;
	(tag) =	ssettag s2;
	_ =	strace s9  }
0x27: {  	s1 =	sld [smem:$0x3F98]  }
0x28: {  	s2 =	sld [smem:$0x3F99]  }
0x29: {  	s4 =	sld [smem:$0x3F9B]  }
0x2a: {  	p0 =	seq.s32 s5, $0x0;
	s5 =	sld [smem:$0x3F9C]  }
0x2b: {  	s6 =	sld [smem:$0x3F9D]  }
0x2c: {  	s7 =	sld [smem:$0x3F9E]  }
0x2d: {  	s3 =	simm.s32 $0x108;
	s8 =	sld [smem:$0x3F9F]  }
0x2e: {  	s3 =	simm.s32 @!p0 $0x1082;
	s9 =	sld [smem:$0x3FA0]  }
0x2f: {  	lr =	sadd.s32 s0, s3;
	s0 =	sld [smem:$0x3F97]  }
0x30: {  	s3 =	sld [smem:$0x3F9A]  }
0x31: {  	[smem:$0x3FA3] =	sst s10  }
0x32: {  	s10 =	sld [smem:$0x3FA1];
	_ =	sdelay $0x3  }
0x33: {  	p0 =	seq.s32 s10, $0x1;
	s10 =	sld [smem:$0x3FA3];
	_ =	sdelay $0x3  }
0x34: {  	[smem:$0x3FA3] =	sst s10  }
0x35: {  	s10 =	sld [smem:$0x3FA2];
	_ =	sdelay $0x3  }
0x36: {  	p1 =	seq.s32 s10, $0x1;
	s10 =	sld [smem:$0x3FA3];
	_ =	sdelay $0x3  }
0x37: {  	[smem:$0x3FA3] =	sst s10  }
0x38: {  	s10 =	sld [smem:$0x3FA4]  }
0x39: {  	_ = 	snop;
	(pc) =	sbr.ind lr, $3  }
0x3a: {  	_ = 	snop  }
0x3b: {  	_ = 	snop  }
0x3c: {  	p2 =	seq.s32 s10, $0x1;
	s10 =	sld [smem:$0x3FA3]  }
0x3d: {  	_ =	shalt  }
0x3e: {  	_ =	shalt  }
0x3f: {  	_ =	shalt  }
0x40: {  	_ =	shalt  }
0x41: {  	_ =	shalt  }
0x42: {  	_ =	shalt  }
0x43: {  	_ =	shalt  }
0x44: {  	_ =	shalt  }
0x45: {  	_ =	shalt  }
0x46: {  	_ =	shalt  }
0x47: {  	_ =	shalt  }
0x48: {  	_ =	shalt  }
0x49: {  	_ =	shalt  }
0x4a: {  	_ =	shalt  }
0x4b: {  	_ =	shalt  }
0x4c: {  	_ =	shalt  }
0x4d: {  	_ =	shalt  }
0x4e: {  	_ =	shalt  }
0x4f: {  	_ =	shalt  }
0x50: {  	_ =	shalt  }
0x51: {  	_ =	shalt  }
0x52: {  	_ =	shalt  }
0x53: {  	_ =	shalt  }
0x54: {  	_ =	shalt  }
0x55: {  	_ =	shalt  }
0x56: {  	_ =	shalt  }
0x57: {  	_ =	shalt  }
0x58: {  	_ =	shalt  }
0x59: {  	_ =	shalt  }
0x5a: {  	_ =	shalt  }
0x5b: {  	_ =	shalt  }
0x5c: {  	_ =	shalt  }
0x5d: {  	_ =	shalt  }
0x5e: {  	_ =	shalt  }
0x5f: {  	_ =	shalt  }
0x60: {  	_ =	shalt  }
0x61: {  	_ =	shalt  }
0x62: {  	_ =	shalt  }
0x63: {  	_ =	shalt  }
0x64: {  	_ =	shalt  }
0x65: {  	_ =	shalt  }
0x66: {  	_ =	shalt  }
0x67: {  	_ =	shalt  }
0x68: {  	_ =	shalt  }
0x69: {  	_ =	shalt  }
0x6a: {  	_ =	shalt  }
0x6b: {  	_ =	shalt  }
0x6c: {  	_ =	shalt  }
0x6d: {  	_ =	shalt  }
0x6e: {  	_ =	shalt  }
0x6f: {  	_ =	shalt  }
0x70: {  	_ =	shalt  }
0x71: {  	_ =	shalt  }
0x72: {  	_ =	shalt  }
0x73: {  	_ =	shalt  }
0x74: {  	_ =	shalt  }
0x75: {  	_ =	shalt  }
0x76: {  	_ =	shalt  }
0x77: {  	_ =	shalt  }
0x78: {  	_ =	shalt  }
0x79: {  	_ =	shalt  }
0x7a: {  	_ =	shalt  }
0x7b: {  	_ =	shalt  }
0x7c: {  	_ =	shalt  }
0x7d: {  	_ =	shalt  }
0x7e: {  	_ =	shalt  }
0x7f: {  	_ =	shalt  }
0x80: {  	_ =	shalt  }
0x81: {  	_ =	shalt  }
0x82: {  	_ =	shalt  }
0x83: {  	_ =	shalt  }
0x84: {  	_ =	shalt  }
0x85: {  	_ =	shalt  }
0x86: {  	_ =	shalt  }
0x87: {  	_ =	shalt  }
.Lfunc_end0:
.L_simem_size_0:
called_computation_lowered:
.L_overlay_start_0:
0x88: {  	s2 =	sld [smem:$0x3FD9]  }
0x89: {  	s3 =	sld [smem:$0x3FFE];
	_ =	sdelay $0x1  }
0x8a: {  	s1 =	srdreg.scid  }
0x8b: {  	s0 =	sand.u32 $0x1, s1  }
0x8c: {  	s16 =	sshll.u32 s0, $0xA;
	s2 =	sadd.s32 s3, s2  }
0x8d: {  	s2 =	sadd.s32 s2, s16  }
0x8e: {  	[smem:$0x3FAF] =	sst s2  }
0x8f: {  	_ = 	snop  }
0x90: {  	(tm) =	ssettm $0x1  }
0x91: {  	s17 =	sld [smem:$0x3FFB];
	_ =	sdelay $0x3  }
0x92: {  	_ =	strace s17  }
0x93: {  	s2 =	sld [smem:$0x3FFC];
	_ =	sdelay $0x3  }
0x94: {  	_ =	strace s2  }
0x95: {  	s2 =	sld [smem:$0x3FFD];
	_ =	sdelay $0x3  }
0x96: {  	_ =	strace s2  }
0x97: {  	_ =	strace $0x8FFFFFFF  }
0x98: {  	s18 =	sld [smem:$0x3FDB];
	_ =	sdelay $0x1  }
0x99: {  	s19 =	simm.s32 $_scs_section_size  }
0x9a: {  	s4 =	simm.s32 $_size__tile_overlayer_lowered;
	s5 =	simm.s32 $_tile_overlayer_lowered  }
0x9b: {  	s22 =	simm.s32 $0x1BFF;
	s21 =	sshll.u32 s5, $0x1;
	s2 =	sadd.s32 s19, s18  }
0x9c: {  	s6 =	simm.s32 $0x0;
	s20 =	sshll.u32 s4, $0x1;
	s4 =	sadd.s32 s21, s2  }
0x9d: {  	[timem:s6], [sflag:s22] =	dma.local [hbm:s4], s20  }
0x9e: {  	_ =	swait.ge [sflag:s22], s20  }
0x9f: {  	s3 =	ssub.s32 $0x0, s20;
	[sflag:s22] =	ssyncset.done $0x0  }
0xa0: {  	[sflag:s22] =	ssyncadd.s32 s3;
	_ =	sdelay $0x1  }
0xa1: {  	s23 =	simm.s32 $0x1B8B  }
0xa2: {  	_ =	swait.ge [sflag:s23], $0x1  }
0xa3: {  	[sflag:s23] =	ssyncset.done $0x0  }
0xa4: {  	s25 =	simm.s32 $0x1B8E;
	s24 =	sld [smem:$0x3FFE];
	[sflag:s23] =	ssyncadd.s32 $0xFFFFFFFF  }
0xa5: {  	s26 =	simm.s32 $execute0_lowered;
	[smem:$0x3FD2] =	sst s25  }
0xa6: {  	s4 =	sshll.u32 s26, $0x1;
	_ =	strace $0x80000046;
	[dreg:$0x1] =	wrdreg $0xFFFFFFFF  }
0xa7: {  	s28 =	simm.s32 $_size_execute0_lowered;
	s2 =	sadd.s32 s2, s4;
	[dreg:$0x0] =	wrdreg $0x0  }
0xa8: {  	s4 =	sshll.u32 s28, $0x1;
	[dreg:$0x2] =	wrdreg s2  }
0xa9: {  	[dreg:$0x3] =	wrdreg s4  }
0xaa: {  	[dreg:$0x4] =	wrdreg $0xC0  }
0xab: {  	_ =	task [dreg:s6], $0x5FFFF  }
0xac: {  	[dreg:$0x1] =	wrdreg $0xFFFFFFFF  }
0xad: {  	[dreg:$0x0] =	wrdreg $0x60  }
0xae: {  	[dreg:$0x2] =	wrdreg s24  }
0xaf: {  	[dreg:$0x3] =	wrdreg $0x9  }
0xb0: {  	_ =	task.clear_ibuf [dreg:s6], $0x4FFFF;
	_ =	strace $0x90000046  }
0xb1: {  	s29 =	simm.s32 $0x9;
	_ =	strace $0x80000048  }
0xb2: {  	_ =	swait.ge [sflag:s29], $0x1  }
0xb3: {  	[sflag:s29] =	ssyncadd.s32 $0xFFFFFFFF  }
0xb4: {  	_ =	strace $0x90000048  }
0xb5: {  	_ =	sfence  }
0xb6: {  	s30 =	sld [smem:$0x0];
	_ =	sdelay $0x2  }
0xb7: {  	s31 =	sshll.u32 s1, $0xD;
	s1 =	sshrl.u32 s1, $0x2  }
0xb8: {  	s3 =	sand.u32 $0x4000, s31;
	s1 =	sadd.s32 s1, s30  }
0xb9: {  	s0 =	sor.u32 s3, s0;
	s1 =	sshll.u32 s1, $0x11  }
0xba: {  	s0 =	sor.u32 s1, s0  }
0xbb: {  	s0 =	sadd.s32 $0x8F2B, s0  }
0xbc: {  	[sflag:s0] =	ssyncadd.remote.s32 $0x1  }
0xbd: {  	_ =	sfence.sel $0xFFFF  }
0xbe: {  	[dreg:$0x0] =	wrdreg $0xFFFFFFFF;
	(pc) =	sbr.abs _section_cstart, $3  }
0xbf: {  	[dreg:$0x1] =	wrdreg $0xFFFFFFFF  }
0xc0: {  	_ =	task.clear_ibuf [dreg:s6], $0x2FFFF;
	_ =	strace $0x9FFFFFFF  }
0xc1: {  	(tm) =	ssettm $0x7FFFFFFF  }
tec
execute0_lowered:
.L_overlay_start_1:
0x0: {  	(tag) =	ssettag $0x1  }
0x1: {  	s0 =	srdreg.scid;
	s5 =	rddreg [dreg:$0x0]  }
0x2: {  	s1 =	stileid.u32;
	s6 =	simm.s32 $0x1;
	s9 =	simm.s32 $0x1  }
0x3: {  	s10 =	simm.s32 $0x3;
	s13 =	simm.s32 $0x0;
	s2 =	sshll.u32 s0, $0x9  }
0x4: {  	s12 =	simm.s32 $0x0;
	s3 =	sshll.u32 s1, $0xA;
	s2 =	sand.u32 $0x200, s2  }
0x5: {  	s0 =	rddreg [dreg:$0x1];
	_ =	strace $0x80000047;
	s2 =	sor.u32 s3, s2  }
0x6: {  	s4 =	sadd.s32 $0x1000, s5;
	[sflag:s6] =	ssyncpa.u1 $0x0;
	s8 =	ssub.s32 $0x8000, s2  }
.Ltmp0:
0x7: {  	s3 =	sadd.s32 $0x3000, s5;
	s7 =	sand.u32 $0x3E00, s8;
	(pc) =	sbr.rel .LBB2_1-.Ltmp0, $4  }
0x8: {  	s5 =	sadd.s32 $0xDD400, s5;
	s11 =	smov.u32 s2;
	p0 =	sne.s32 s7, $0x0  }
0x9: {  	s8 =	sshrl.u32 s8, $0xE;
	s7 =	simm.s32 $0x2;
	s9 =	simm.s32 @!p0 $0x0  }
0xa: {  	[sflag:s7] =	ssyncpa.u1 $0x0;
	p0 =	por $0x0, $0x0;
	s8 =	sadd.s32 s9, s8  }
0xb: {  	vm0 =	vmmov $0xffff;
	[sflag:s10] =	ssyncpa.u1 $0x0;
	s10 =	simm.s32 $0x0;
	s9 =	sadd.s32 $0x1, s8  }
.LBB2_4:
0xc: {  	vm1 =	veq.s32 v0, $0x80000000;
	v63 =	vand.u32 $0x7FF, v0;
	v2 =	vand.u32 $0x7FF, v2  }
0xd: {  	v0 =	vsel vm1, $0xFFFFFFFF, v63;
	v2 =	vsel vm1, $0xFFFFFFFF, v2  }
0xe: {  	v3 =	vshll.u32 v2, $0xB;
	v4 =	vshll.u32 v0, $0x3  }
0xf: {  	v2 =	vshll.u32 v2, $0x7;
	v3 =	vand.u32 $0xFFFFC000, v3;
	v4 =	vand.u32 $0xFFFFFC00, v4  }
0x10: {  	v2 =	vand.u32 $0x380, v2;
	v3 =	vadd.s32 v4, v3  }
0x11: {  	v0 =	vand.u32 $0x7F, v0;
	v2 =	vor.u32 v2, v3  }
0x12: {  	v0 =	vor.u32 v0, v2;
	_ =	sdelay $0x1  }
0x13: {  	(ifvalue) =	ssetifvalue $0x7FFFFFFF;
	s14 =	sadd.s32 $0x10, s14  }
0x14: {  	[tilespmem:s14], [sflag:$0x1] =	stream.indirect_vreg.gather [hbm4b:s3+s10], $0x1, v1, vm0, $0x4038;
	[tilespmem:$0x800] =	vst v63  }
0x15: {  	(ifvalue) =	ssetifvalue $0x7FFFFFFF;
	s14 =	sadd.s32 $0x10, s14  }
0x16: {  	[tilespmem:s14], [sflag:$0x1] =	stream.indirect_vreg.gather [hbm4b:s3+s10], $0x1, v0, vm0, $0x4038;
	[tilespmem:$0x800] =	vst v63  }
0x17: {  	_ =	swait.ge [sflag:s6], $0x200  }
0x18: {  	s30 =	sshrl.u32 s13, $0x3;
	[sflag:s6] =	ssyncset.done $0x0  }
0x19: {  	s31 =	sand.u32 $0x7, s13;
	s14 =	sadd.s32 s5, s30;
	[sflag:s6] =	ssyncadd.s32 $0xFFFFFE00  }
0x1a: {  	[hbm4b:s14+s31] =	stream.linear.scatter [tilespmem:s15], [sflag:$0x3], $0x200, $0x38;
	[tilespmem:$0x800] =	vst v63  }
.LBB2_5:
0x1b: {  	s15 =	sadd.s32 $0x4000, s11  }
0x1c: {  	p2 =	sgt.s32 s15, $0x7FFF  }
0x1d: {  	s15 =	smov.u32 @p2 s2;
	p2 =	sne.s32 s12, s9  }
.Ltmp1:
0x1e: {  	p1 =	slt.u32 s12, $0x2;
	(pc) =	sbr.rel @!p2 .LBB2_6-.Ltmp1, $4  }
0x1f: {  	s14 =	simm.s32 @!p1 $0x3  }
0x20: {  	s16 =	sadd.s32 $0x1, s12;
	_ =	swait.ge @!p1 [sflag:s14], $0x200  }
0x21: {  	s13 =	smov.u32 s11;
	p0 =	por !p0, !p0;
	[sflag:s14] =	ssyncset.done @!p1 $0x0  }
0x22: {  	s12 =	smov.u32 s16;
	s11 =	smov.u32 s15;
	[sflag:s14] =	ssyncadd.s32 @!p1 $0xFFFFFE00  }
.LBB2_1:
0x23: {  	p1 =	sge.u32 s12, s8  }
0x24: {  	s14 =	sxor.u32 @!p1 $0xFFFFFFFF, s12  }
0x25: {  	s31 =	sadd.s32 $0xFFFFFFFF, s12;
	s15 =	sshrl.u32 @!p1 s11, $0x3;
	s14 =	sshll.u32 @!p1 s14, $0x9  }
0x26: {  	s16 =	sand.u32 @!p1 $0x7, s11;
	s15 =	sadd.s32 @!p1 s4, s15;
	s14 =	sand.u32 @!p1 $0x200, s14  }
0x27: {  	[tilespmem:s14], [sflag:$0x2] =	stream.linear.gather @!p1 [hbm4b:s15+s16], $0x200, $0x38;
	[tilespmem:$0x800] =	vst v63  }
0x28: {  	p1 =	sge.u32 s31, s8  }
.Ltmp2:
0x29: {  	_ = 	snop;
	(pc) =	sbr.rel @p1 .LBB2_5-.Ltmp2, $1  }
0x2a: {  	_ =	sdelay $0x3  }
0x2b: {  	s14 =	simm.s32 $0x1  }
0x2c: {  	_ =	swait.ge [sflag:s7], $0x200;
	s14 =	simm.s32 @!p0 $0x0  }
0x2d: {  	[sflag:s7] =	ssyncset.done $0x0;
	s14 =	sshll.u32 s14, $0x9  }
0x2e: {  	[sflag:s7] =	ssyncadd.s32 $0xFFFFFE00;
	(ifvalue) =	ssetifvalue $0x7FFFFFFF;
	v0 =	vld.msk [tilespmem:s14+$0x0 ss:$0x1], $0xffff;
	_ =	sdelay $0x4  }
0x2f: {  	s15 =	sadd.s32 $0x10, s14;
	v1 =	vshrl.u32 v0, $0xB  }
0x30: {  	v2 =	vld.msk [tilespmem:s15+$0x0 ss:$0x1], $0xffff;
	vm1 =	veq.s32 v0, $0x80000000;
	v0 =	vand.u32 $0x7FF, v0;
	v1 =	vand.u32 $0x7FF, v1  }
0x31: {  	v0 =	vsel vm1, $0xFFFFFFFF, v0;
	v1 =	vsel vm1, $0xFFFFFFFF, v1  }
0x32: {  	v4 =	vshll.u32 v0, $0x3;
	v3 =	vshll.u32 v1, $0xB  }
0x33: {  	v4 =	vand.u32 $0xFFFFFC00, v4;
	v1 =	vshll.u32 v1, $0x7;
	v3 =	vand.u32 $0xFFFFC000, v3  }
0x34: {  	v0 =	vand.u32 $0x7F, v0;
	v1 =	vand.u32 $0x380, v1;
	v3 =	vadd.s32 v4, v3  }
0x35: {  	vm1 =	veq.s32 v2, $0x80000000;
	v1 =	vor.u32 v1, v3;
	v3 =	vshrl.u32 v2, $0xB  }
0x36: {  	s17 =	sadd.s32 $0x10, s15;
	v2 =	vand.u32 $0x7FF, v2;
	v1 =	vor.u32 v0, v1;
	v3 =	vand.u32 $0x7FF, v3  }
0x37: {  	v0 =	vld.msk [tilespmem:s17+$0x0 ss:$0x1], $0xffff;
	v2 =	vsel vm1, $0xFFFFFFFF, v2;
	v3 =	vsel vm1, $0xFFFFFFFF, v3  }
0x38: {  	v5 =	vshll.u32 v2, $0x3;
	v63 =	vshll.u32 v3, $0xB  }
0x39: {  	s31 =	sshll.u32 s12, $0x9;
	v5 =	vand.u32 $0xFFFFFC00, v5;
	v3 =	vshll.u32 v3, $0x7;
	v4 =	vand.u32 $0xFFFFC000, v63  }
0x3a: {  	s14 =	sor.u32 $0x400, s14;
	s15 =	sand.u32 $0x200, s31;
	(ifvalue) =	ssetifvalue $0x7FFFFFFF;
	v3 =	vand.u32 $0x380, v3;
	v4 =	vadd.s32 v5, v4  }
0x3b: {  	[tilespmem:s14], [sflag:$0x1] =	stream.indirect_vreg.gather [hbm4b:s3+s10], $0x1, v1, vm0, $0x4038;
	v1 =	vand.u32 $0x7F, v2;
	v3 =	vor.u32 v3, v4;
	[tilespmem:$0x800] =	vst v63  }
0x3c: {  	s16 =	simm.s32 $0x20;
	s15 =	sor.u32 $0x400, s15;
	s17 =	sadd.s32 $0x10, s17;
	v2 =	vshrl.u32 v0, $0xB;
	v1 =	vor.u32 v1, v3  }
.LBB2_3:
0x3d: {  	s16 =	sadd.s32 $0x10, s16;
	vm1 =	veq.s32 v0, $0x80000000;
	v3 =	vand.u32 $0x7FF, v0;
	v0 =	vld.msk [tilespmem:s17+$0x0 ss:$0x1], $0xffff;
	v2 =	vand.u32 $0x7FF, v2  }
0x3e: {  	p1 =	slt.u32 s16, $0x1F0;
	v3 =	vsel vm1, $0xFFFFFFFF, v3;
	v2 =	vsel vm1, $0xFFFFFFFF, v2  }
.Ltmp3:
0x3f: {  	v4 =	vshll.u32 v2, $0xB;
	v5 =	vshll.u32 v3, $0x3;
	(pc) =	sbr.rel @p1 .LBB2_3-.Ltmp3, $4  }
0x40: {  	s14 =	sadd.s32 $0x10, s14;
	v2 =	vshll.u32 v2, $0x7;
	v4 =	vand.u32 $0xFFFFC000, v4;
	v5 =	vand.u32 $0xFFFFFC00, v5;
	(ifvalue) =	ssetifvalue $0x7FFFFFFF  }
0x41: {  	v2 =	vand.u32 $0x380, v2;
	v4 =	vadd.s32 v5, v4;
	[tilespmem:s14], [sflag:$0x1] =	stream.indirect_vreg.gather [hbm4b:s3+s10], $0x1, v1, vm0, $0x4038;
	[tilespmem:$0x800] =	vst v63  }
0x42: {  	v1 =	vand.u32 $0x7F, v3;
	v3 =	vor.u32 v2, v4  }
0x43: {  	s17 =	sadd.s32 $0x10, s17;
	v2 =	vshrl.u32 v0, $0xB;
	v1 =	vor.u32 v1, v3  }
.Ltmp4:
0x44: {  	_ = 	snop;
	(pc) =	sbr.rel .LBB2_4-.Ltmp4, $1  }
0x45: {  	_ =	sdelay $0x3  }
.LBB2_6:
0x46: {  	_ =	sfence.sel $0x180000  }
0x47: {  	s2 =	simm.s32 $0x2;
	[bflag:$0x0] =	sbarrier.arrive $0xFFFF  }
0x48: {  	s30 =	simm.s32 $0x3;
	[sflag:s2] =	ssyncpa.u1 $0x1  }
0x49: {  	s31 =	simm.s32 $0x1;
	[sflag:s30] =	ssyncpa.u1 $0x1  }
0x4a: {  	[sflag:s31] =	ssyncpa.u1 $0x1  }
0x4b: {  	p0 =	sne.s32 s1, $0x0;
	_ =	strace $0x90000047  }
0x4c: {  	s0 =	sadd.s32 @!p0 $0x100000, s0;
	[bflag:$0x2] =	sbarrier.arrive $0xFFFF  }
0x4d: {  	[sflag:s0] =	ssyncadd.tile.s32 @!p0 $0x1;
	_ =	shalt  }
.Lfunc_end2:
_tile_overlayer_lowered:
.L_overlay_start_2:
0x4e: {  	(tag) =	ssettag $0x2  }
0x4f: {  	s0 =	rddreg [dreg:$0x0];
	s2 =	stileid.u32  }
0x50: {  	s1 =	rddreg [dreg:$0x1];
	p0 =	sne.s32 s2, $0x0  }
0x51: {  	s3 =	rddreg [dreg:$0x2];
	[bflag:$0x3] =	sbarrier.arrive $0xFFFF;
	s2 =	simm.s32 @!p0 $0x1C01  }
0x52: {  	[timem:s3], [sflag:s2] =	dma.local @!p0 [hbm:s0], s1  }
0x53: {  	s0 =	simm.s32 @!p0 $0x1  }
0x54: {  	_ =	swait.ge @!p0 [sflag:s0], s1  }
0x55: {  	s1 =	ssub.s32 @!p0 $0x0, s1;
	[sflag:s0] =	ssyncset.done @!p0 $0x0  }
0x56: {  	[sflag:s0] =	ssyncadd.s32 @!p0 s1  }
0x57: {  	[bflag:$0x3] =	sbarrier.arrive $0xFFFF  }
0x58: {  	_ =	shalt  }

</sc_bundles>
